<compile_context>
chip_gen: v7x
topology: tpu7x:2x2x1
jax: 0.10.2.dev20260603
libtpu: 0.0.44.dev20260713+nightly
codegen_flags: <defaults>
</compile_context>

<pallas_src>
import functools

import jax
import jax.numpy as jnp
from jax import lax
from jax.experimental import pallas as pl
from jax.experimental.pallas import tpu as pltpu
from jax.experimental.pallas import tpu_sc as plsc

N_NODES = 10000
N_PAD = 10240
N_EDGES = 320000
D = 128
DE = 16
G = 256

NC, NS = 2, 16
NW = NC * NS
CH = 80
EPW = N_EDGES // NW
NCH = EPW // CH
RPT = N_PAD // NS

BN = 2000
NB = N_NODES // BN

_MESH = plsc.VectorSubcoreMesh(core_axis_name="core", subcore_axis_name="subcore")
_SC_PARAMS = pltpu.CompilerParams(use_tc_tiling_on_sc=False)
_SC_PARAMS_NL = pltpu.CompilerParams(use_tc_tiling_on_sc=False,
                                     needs_layout_passes=False)


def _zero_rows(buf, n, w):
    @pl.loop(0, n)
    def _(i):
        @pl.loop(0, w, step=16)
        def _(j):
            buf[i, pl.ds(j, 16)] = jnp.zeros((16,), jnp.float32)


def _scatter_phase(dummy_hbm, idx_v, acc_s, b0, b1, sem0, sem1, gather):
    def wait(buf, sem):
        pltpu.make_async_copy(dummy_hbm, buf, sem).wait()

    gather(0, b0, sem0)

    @pl.loop(0, (NCH - 1) // 2)
    def _(t):
        j = 2 * t
        wait(b0, sem0)
        gather(j + 1, b1, sem1)
        pltpu.sync_copy(b0, acc_s.at[idx_v.at[j]], add=True)
        wait(b1, sem1)
        gather(j + 2, b0, sem0)
        pltpu.sync_copy(b1, acc_s.at[idx_v.at[j + 1]], add=True)

    wait(b0, sem0)
    pltpu.sync_copy(b0, acc_s.at[idx_v.at[NCH - 1]], add=True)


def _sc_segment_sum_x(x, src3, dst3):

    @functools.partial(
        pl.kernel,
        out_type=jax.ShapeDtypeStruct((NC, N_PAD, D), jnp.float32),
        mesh=_MESH,
        compiler_params=_SC_PARAMS,
        scratch_types=[
            pltpu.VMEM((NCH, CH), jnp.int32),
            pltpu.VMEM((NCH, CH), jnp.int32),
            pltpu.VMEM((CH, D), jnp.float32),
            pltpu.VMEM((CH, D), jnp.float32),
            pltpu.VMEM_SHARED((N_PAD, D), jnp.float32),
            pltpu.SemaphoreType.DMA,
            pltpu.SemaphoreType.DMA,
        ],
    )
    def k(x_hbm, src_hbm, dst_hbm, out_hbm,
          src_v, dst_v, b0, b1, acc_s, sem0, sem1):
        cid = lax.axis_index("core")
        sid = lax.axis_index("subcore")
        wid = cid * NS + sid

        _zero_rows(b0, CH, D)
        row0 = sid * RPT
        for kk in range(RPT // CH):
            pltpu.sync_copy(b0, acc_s.at[pl.ds(row0 + kk * CH, CH)])
        plsc.subcore_barrier()

        pltpu.sync_copy(src_hbm.at[wid], src_v)
        pltpu.sync_copy(dst_hbm.at[wid], dst_v)

        def gather(j, buf, sem):
            pltpu.async_copy(x_hbm.at[src_v.at[j]], buf, sem)

        _scatter_phase(x_hbm.at[pl.ds(0, CH)], dst_v, acc_s,
                       b0, b1, sem0, sem1, gather)

        plsc.subcore_barrier()
        pltpu.sync_copy(acc_s.at[pl.ds(row0, RPT)],
                        out_hbm.at[cid, pl.ds(row0, RPT)])

    return k(x, src3, dst3)


NEH = 4
NWH = NS // 2


def _sc_segment_sum_ea(eaT, dst3):

    @functools.partial(
        pl.kernel,
        out_type=jax.ShapeDtypeStruct((NEH, DE, N_PAD), jnp.float32),
        mesh=_MESH,
        compiler_params=_SC_PARAMS_NL,
        scratch_types=[
            pltpu.VMEM((NCH, CH), jnp.int32),
            pltpu.VMEM((NCH, CH), jnp.int32),
            pltpu.VMEM((EPW,), jnp.float32),
            pltpu.VMEM((EPW,), jnp.float32),
            pltpu.VMEM((EPW,), jnp.float32),
            pltpu.VMEM((EPW,), jnp.float32),
            pltpu.VMEM((N_PAD,), jnp.float32),
            pltpu.VMEM((N_PAD,), jnp.float32),
            pltpu.SemaphoreType.DMA,
            pltpu.SemaphoreType.DMA,
            pltpu.SemaphoreType.DMA,
            pltpu.SemaphoreType.DMA,
        ],
    )
    def k(eaT_hbm, dst_hbm, out_hbm, d0, d1, va0, va1, vb0, vb1,
          acca, accb, sd0, sd1, sv0, sv1):
        cid = lax.axis_index("core")
        sid = lax.axis_index("subcore")
        q = cid * 2 + sid // 8
        fa = sid % 8
        w0 = q * NWH

        @pl.loop(0, N_PAD, step=16)
        def _(i):
            acca[pl.ds(i, 16)] = jnp.zeros((16,), jnp.float32)
            accb[pl.ds(i, 16)] = jnp.zeros((16,), jnp.float32)

        def load_w(w, db, va, vb, sd, sv):
            pltpu.async_copy(dst_hbm.at[w0 + w], db, sd)
            ecol = (w0 + w) * EPW
            pltpu.async_copy(eaT_hbm.at[fa, pl.ds(ecol, EPW)], va, sv)
            pltpu.async_copy(eaT_hbm.at[fa + 8, pl.ds(ecol, EPW)], vb, sv)

        def wait_w(db, va, vb, sd, sv):
            pltpu.make_async_copy(dst_hbm.at[0], db, sd).wait()
            pltpu.make_async_copy(eaT_hbm.at[0, pl.ds(0, EPW)], va, sv).wait()
            pltpu.make_async_copy(eaT_hbm.at[0, pl.ds(0, EPW)], vb, sv).wait()

        def accumulate(db, va, vb):
            @pl.loop(0, NCH, step=5)
            def _(r0):
                for dr in range(5):
                    for c5 in range(CH // 16):
                        idx = db[r0 + dr, pl.ds(c5 * 16, 16)]
                        off = (r0 + dr) * CH + c5 * 16
                        plsc.addupdate_scatter(acca, [idx],
                                               va[pl.ds(off, 16)])
                        plsc.addupdate_scatter(accb, [idx],
                                               vb[pl.ds(off, 16)])

        load_w(0, d0, va0, vb0, sd0, sv0)

        @pl.loop(0, NWH // 2)
        def _(t):
            w = 2 * t
            wait_w(d0, va0, vb0, sd0, sv0)
            load_w(w + 1, d1, va1, vb1, sd1, sv1)
            accumulate(d0, va0, vb0)
            wait_w(d1, va1, vb1, sd1, sv1)

            @pl.when(w + 2 < NWH)
            def _():
                load_w(w + 2, d0, va0, vb0, sd0, sv0)

            accumulate(d1, va1, vb1)

        pltpu.sync_copy(acca, out_hbm.at[q, fa])
        pltpu.sync_copy(accb, out_hbm.at[q, fa + 8])

    return k(eaT, dst3)


def _tc_mlp_pool(x, aggx, agge, batch3, W_edge, W1, b1r, W2, b2r):
    def mmd(a, b):
        return lax.dot_general(a, b, (((1,), (0,)), ((), ())),
                               preferred_element_type=jnp.float32)

    def split(a):
        h = a.astype(jnp.bfloat16)
        l = (a - h.astype(jnp.float32)).astype(jnp.bfloat16)
        return h, l

    def mm(a, b):
        ah, al = split(a)
        bh, bl = split(b)
        return (mmd(ah, bl) + mmd(al, bh)) + mmd(ah, bh)

    def body(x_r, a0_r, a1_r, e0_r, e1_r, e2_r, e3_r, we_r, w1_r, b1_r,
             w2_r, b2_r, bat_r, nr_r, gr_r, sums, counts):
        i = pl.program_id(0)

        @pl.when(i == 0)
        def _():
            sums[...] = jnp.zeros_like(sums)
            counts[...] = jnp.zeros_like(counts)

        a16 = (e0_r[0] + e1_r[0]) + (e2_r[0] + e3_r[0])
        h0 = x_r[...] + a0_r[0] + a1_r[0] + mm(a16, we_r[...])
        h = jnp.maximum(mm(h0, w1_r[...]) + b1_r[...], 0.0)
        nr = mm(h, w2_r[...]) + b2_r[...]
        nr_r[...] = nr

        seg = bat_r[0]
        P = (lax.broadcasted_iota(jnp.int32, (G, BN), 0) == seg)
        Pb = P.astype(jnp.bfloat16)
        nh, nl = split(nr)
        sums[...] += mmd(Pb, nh) + mmd(Pb, nl)
        counts[...] += jnp.sum(P.astype(jnp.float32), axis=1, keepdims=True)

        @pl.when(i == NB - 1)
        def _():
            gr_r[...] = sums[...] / jnp.maximum(counts[...], 1.0)

    nr, gr = pl.pallas_call(
        body,
        grid=(NB,),
        in_specs=[
            pl.BlockSpec((BN, D), lambda i: (i, 0)),
            pl.BlockSpec((1, BN, D), lambda i: (0, i, 0)),
            pl.BlockSpec((1, BN, D), lambda i: (1, i, 0)),
            pl.BlockSpec((1, BN, DE), lambda i: (0, i, 0)),
            pl.BlockSpec((1, BN, DE), lambda i: (1, i, 0)),
            pl.BlockSpec((1, BN, DE), lambda i: (2, i, 0)),
            pl.BlockSpec((1, BN, DE), lambda i: (3, i, 0)),
            pl.BlockSpec((DE, D), lambda i: (0, 0)),
            pl.BlockSpec((D, 2 * D), lambda i: (0, 0)),
            pl.BlockSpec((1, 2 * D), lambda i: (0, 0)),
            pl.BlockSpec((2 * D, D), lambda i: (0, 0)),
            pl.BlockSpec((1, D), lambda i: (0, 0)),
            pl.BlockSpec((1, 1, BN), lambda i: (i, 0, 0)),
        ],
        out_specs=[
            pl.BlockSpec((BN, D), lambda i: (i, 0)),
            pl.BlockSpec((G, D), lambda i: (0, 0)),
        ],
        out_shape=[
            jax.ShapeDtypeStruct((N_NODES, D), jnp.float32),
            jax.ShapeDtypeStruct((G, D), jnp.float32),
        ],
        scratch_shapes=[
            pltpu.VMEM((G, D), jnp.float32),
            pltpu.VMEM((G, 1), jnp.float32),
        ],
        compiler_params=pltpu.CompilerParams(
            dimension_semantics=("arbitrary",)),
    )(x, aggx, aggx, agge, agge, agge, agge, W_edge, W1, b1r, W2, b2r, batch3)
    return gr, nr


def kernel(x, edge_index, edge_attr, batch, W_edge, W1, b1, W2, b2):
    src3 = edge_index[0].reshape(NW, NCH, CH)
    dst3 = edge_index[1].reshape(NW, NCH, CH)
    aggx = _sc_segment_sum_x(x, src3, dst3)
    agge = _sc_segment_sum_ea(edge_attr.T, dst3).transpose(0, 2, 1)
    batch3 = batch.reshape(NB, 1, BN)
    gr, nr = _tc_mlp_pool(x, aggx, agge, batch3, W_edge, W1,
                          b1.reshape(1, 2 * D), W2, b2.reshape(1, D))
    return (gr, nr)

# --- scband reference (transcript-rebuilt; emitter-appended) ---
"""Pipeline reference for scband-gnn-graphpred-4157528343200 (READ-ONLY COPY).

The authoritative reference and input builder live on the scoring server;
editing this copy changes nothing except your own understanding.
"""

import jax, jax.numpy as jnp
import numpy as np

N_NODES = 10000
N_EDGES = 320000
D_FEAT = 128
D_EDGE = 16
N_GRAPHS = 256


def setup_inputs(seed: int = 0) -> dict:
    key = jax.random.key(seed)
    ks = jax.random.split(key, 10)
    x = jax.random.normal(ks[0], (N_NODES, D_FEAT), dtype=jnp.float32)
    edge_index = jax.random.randint(ks[1], (2, N_EDGES), 0, N_NODES, dtype=jnp.int64 if jax.config.jax_enable_x64 else jnp.int32).astype(jnp.int32)
    edge_attr = jax.random.normal(ks[2], (N_EDGES, D_EDGE), dtype=jnp.float32)
    batch = jnp.sort(jax.random.randint(ks[3], (N_NODES,), 0, N_GRAPHS, dtype=jnp.int32))
    # learned parameters: edge encoder + GIN MLP (stand-in for molecule_node_model)
    W_edge = jax.random.normal(ks[4], (D_EDGE, D_FEAT), dtype=jnp.float32) * 0.1
    W1 = jax.random.normal(ks[5], (D_FEAT, 2 * D_FEAT), dtype=jnp.float32) * 0.05
    b1 = jnp.zeros((2 * D_FEAT,), dtype=jnp.float32)
    W2 = jax.random.normal(ks[6], (2 * D_FEAT, D_FEAT), dtype=jnp.float32) * 0.05
    b2 = jnp.zeros((D_FEAT,), dtype=jnp.float32)
    return {"x": x, "edge_index": edge_index, "edge_attr": edge_attr, "batch": batch,
            "W_edge": W_edge, "W1": W1, "b1": b1, "W2": W2, "b2": b2}


def reference(x, edge_index, edge_attr, batch, W_edge, W1, b1, W2, b2):
    # molecule_node_model: one GIN-style layer with edge features (edge info via addition)
    src = edge_index[0]
    dst = edge_index[1]
    edge_emb = edge_attr @ W_edge                      # [E, D]
    msg = x[src] + edge_emb                            # gather + add
    agg = jax.ops.segment_sum(msg, dst, num_segments=N_NODES)  # scatter-add
    h = x + agg                                        # GIN with eps=0 (self loop)
    h = jnp.maximum(h @ W1 + b1, 0.0)
    node_representation = h @ W2 + b2                  # [N, D]
    # global_mean_pool over batch vector
    sums = jax.ops.segment_sum(node_representation, batch, num_segments=N_GRAPHS)
    counts = jax.ops.segment_sum(jnp.ones((N_NODES,), dtype=jnp.float32), batch, num_segments=N_GRAPHS)
    graph_representation = sums / jnp.clip(counts, 1.0)[:, None]
    return (graph_representation, node_representation)

if __name__ == "__main__":
    import jax
    _d = setup_inputs()
    print(jax.jit(kernel)(*tuple(_d.values())))

</pallas_src>

<mosaic_0001>
#map = affine_map<(d0, d1) -> (0, 0)>
#map1 = affine_map<(d0, d1) -> (0, 0, 0)>
module attributes {stable_mosaic.version = 14 : i64} {
  func.func @k(%arg0: i32, %arg1: i32, %arg2: memref<16x320000xf32, #tpu.memory_space<hbm>>, %arg3: memref<32x125x80xi32, #tpu.memory_space<hbm>>, %arg4: memref<4x16x10240xf32, #tpu.memory_space<hbm>>, %arg5: memref<125x80xi32, #tpu.memory_space<vmem>>, %arg6: memref<125x80xi32, #tpu.memory_space<vmem>>, %arg7: memref<10000xf32, #tpu.memory_space<vmem>>, %arg8: memref<10000xf32, #tpu.memory_space<vmem>>, %arg9: memref<10000xf32, #tpu.memory_space<vmem>>, %arg10: memref<10000xf32, #tpu.memory_space<vmem>>, %arg11: memref<10240xf32, #tpu.memory_space<vmem>>, %arg12: memref<10240xf32, #tpu.memory_space<vmem>>, %arg13: memref<!tpu.dma_semaphore, #tpu.memory_space<semaphore_mem>>, %arg14: memref<!tpu.dma_semaphore, #tpu.memory_space<semaphore_mem>>, %arg15: memref<!tpu.dma_semaphore, #tpu.memory_space<semaphore_mem>>, %arg16: memref<!tpu.dma_semaphore, #tpu.memory_space<semaphore_mem>>) attributes {dimension_semantics = [#tpu.dimension_semantics<core_parallel>, #tpu.dimension_semantics<subcore_parallel>], iteration_bounds = array<i64: 2, 16>, scalar_prefetch = 0 : i64, scratch_operands = 12 : i64, tpu.core_type = #tpu.core_type<sc_vector_subcore>, window_params = [{transform_indices = #map}, {transform_indices = #map1}, {transform_indices = #map1}]} {
    %mul3A = arith.constant 2 : i32
    %mul3A_0 = arith.muli %arg0, %mul3A : i32
    %jit3A = arith.constant 8 : i32
    %div3A = arith.divsi %arg1, %jit3A : i32
    %sign3A = arith.constant 0 : i32
    %sign3A_1 = arith.cmpi sgt, %arg1, %sign3A : i32
    %sign3A_2 = arith.extui %sign3A_1 : i1 to i32
    %sign3A_3 = arith.constant 0 : i32
    %sign3A_4 = arith.cmpi slt, %arg1, %sign3A_3 : i32
    %sign3A_5 = arith.extui %sign3A_4 : i1 to i32
    %sign3A_6 = arith.subi %sign3A_2, %sign3A_5 : i32
    %sign3A_7 = arith.constant 0 : i32
    %sign3A_8 = arith.cmpi sgt, %jit3A, %sign3A_7 : i32
    %sign3A_9 = arith.extui %sign3A_8 : i1 to i32
    %sign3A_10 = arith.constant 0 : i32
    %sign3A_11 = arith.cmpi slt, %jit3A, %sign3A_10 : i32
    %sign3A_12 = arith.extui %sign3A_11 : i1 to i32
    %sign3A_13 = arith.subi %sign3A_9, %sign3A_12 : i32
    %ne3A = arith.cmpi ne, %sign3A_6, %sign3A_13 : i32
    %rem3A = arith.remsi %arg1, %jit3A : i32
    %ne3A_14 = arith.constant 0 : i32
    %ne3A_15 = arith.cmpi ne, %rem3A, %ne3A_14 : i32
    %and3A = arith.andi %ne3A, %ne3A_15 : i1
    %sub3A = arith.constant 1 : i32
    %sub3A_16 = arith.subi %div3A, %sub3A : i32
    %select_n3A = arith.select %and3A, %sub3A_16, %div3A : i32
    %add3A = arith.addi %mul3A_0, %select_n3A : i32
    %jit3A_17 = arith.constant 8 : i32
    %eq3A = arith.constant 0 : i32
    %eq3A_18 = arith.cmpi eq, %jit3A_17, %eq3A : i32
    %jit3A_19 = arith.constant 1 : i32
    %select_n3A_20 = arith.select %eq3A_18, %jit3A_19, %jit3A_17 : i32
    %rem3A_21 = arith.remsi %arg1, %select_n3A_20 : i32
    %ne3A_22 = arith.constant 0 : i32
    %ne3A_23 = arith.cmpi ne, %rem3A_21, %ne3A_22 : i32
    %lt3A = arith.constant 0 : i32
    %lt3A_24 = arith.cmpi slt, %rem3A_21, %lt3A : i32
    %lt3A_25 = arith.constant 0 : i32
    %lt3A_26 = arith.cmpi slt, %select_n3A_20, %lt3A_25 : i32
    %ne3A_27 = arith.xori %lt3A_24, %lt3A_26 : i1
    %and3A_28 = arith.andi %ne3A_27, %ne3A_23 : i1
    %add3A_29 = arith.addi %rem3A_21, %select_n3A_20 : i32
    %select_n3A_30 = arith.select %and3A_28, %add3A_29, %rem3A_21 : i32
    %mul3A_31 = arith.constant 8 : i32
    %mul3A_32 = arith.muli %add3A, %mul3A_31 : i32
    %scan3A = arith.constant 0 : i32
    %scan3A_33 = arith.constant 640 : i32
    %scan3A_34 = arith.addi %scan3A, %scan3A_33 : i32
    %scan3A_35 = arith.constant 1 : i32
    scf.for %scan3A_67 = %scan3A to %scan3A_34 step %scan3A_35  : i32 {
      %mul3A_68 = arith.constant 16 : i32
      %mul3A_69 = arith.muli %scan3A_67, %mul3A_68 : i32
      %add3A_70 = arith.constant 0 : i32
      %add3A_71 = arith.addi %add3A_70, %mul3A_69 : i32
      %broadcast_in_dim3A = arith.constant 0.000000e+00 : f32
      %broadcast_in_dim3A_72 = vector.broadcast %broadcast_in_dim3A : f32 to vector<16xf32>
      %swap3A = arith.index_cast %add3A_71 : i32 to index
      %swap3A_73 = tpu.vector_load %arg11[%swap3A] {strides = array<i32>} : memref<10240xf32, #tpu.memory_space<vmem>>, vector<16xf32>,
      tpu.vector_store %arg11[%swap3A], %broadcast_in_dim3A_72 {strides = array<i32>} : memref<10240xf32, #tpu.memory_space<vmem>>, vector<16xf32>,
      %broadcast_in_dim3A_74 = arith.constant 0.000000e+00 : f32
      %broadcast_in_dim3A_75 = vector.broadcast %broadcast_in_dim3A_74 : f32 to vector<16xf32>
      %swap3A_76 = arith.index_cast %add3A_71 : i32 to index
      %swap3A_77 = tpu.vector_load %arg12[%swap3A_76] {strides = array<i32>} : memref<10240xf32, #tpu.memory_space<vmem>>, vector<16xf32>,
      tpu.vector_store %arg12[%swap3A_76], %broadcast_in_dim3A_75 {strides = array<i32>} : memref<10240xf32, #tpu.memory_space<vmem>>, vector<16xf32>,
    }
    %scan3A_36 = arith.constant 640 : i32
    %add3A_37 = arith.constant 0 : i32
    %add3A_38 = arith.addi %mul3A_32, %add3A_37 : i32
    %dma_start3A = arith.constant 0 : i32
    %dma_start3A_39 = arith.constant 0 : i32
    %dma_start3A_40 = tpu.memref_slice %arg3[%add3A_38, %dma_start3A, %dma_start3A_39] : memref<32x125x80xi32, #tpu.memory_space<hbm>> -> memref<1x125x80xi32, #tpu.memory_space<hbm>>
    %dma_start3A_41 = tpu.memref_squeeze %dma_start3A_40 : memref<1x125x80xi32, #tpu.memory_space<hbm>> -> memref<125x80xi32, #tpu.memory_space<hbm>>
    %dma_start3A_42 = arith.constant 0 : i32
    %dma_start3A_43 = arith.constant 0 : i32
    %dma_start3A_44 = tpu.memref_slice %arg3[%add3A_38, %dma_start3A_42, %dma_start3A_43] : memref<32x125x80xi32, #tpu.memory_space<hbm>> -> memref<1x125x80xi32, #tpu.memory_space<hbm>>
    %dma_start3A_45 = tpu.memref_squeeze %dma_start3A_44 : memref<1x125x80xi32, #tpu.memory_space<hbm>> -> memref<125x80xi32, #tpu.memory_space<hbm>>
    tpu.enqueue_dma source(%dma_start3A_45 : memref<125x80xi32, #tpu.memory_space<hbm>>) target(%arg5 : memref<125x80xi32, #tpu.memory_space<vmem>>) target_semaphore(%arg13 : memref<!tpu.dma_semaphore, #tpu.memory_space<semaphore_mem>>)
    %add3A_46 = arith.constant 0 : i32
    %add3A_47 = arith.addi %mul3A_32, %add3A_46 : i32
    %mul3A_48 = arith.constant 10000 : i32
    %mul3A_49 = arith.muli %add3A_47, %mul3A_48 : i32
    %dma_start3A_50 = tpu.memref_slice %arg2[%select_n3A_30, %mul3A_49] : memref<16x320000xf32, #tpu.memory_space<hbm>> -> memref<1x10000xf32, #tpu.memory_space<hbm>>
    %dma_start3A_51 = tpu.memref_squeeze %dma_start3A_50 : memref<1x10000xf32, #tpu.memory_space<hbm>> -> memref<10000xf32, #tpu.memory_space<hbm>>
    %dma_start3A_52 = tpu.memref_slice %arg2[%select_n3A_30, %mul3A_49] : memref<16x320000xf32, #tpu.memory_space<hbm>> -> memref<1x10000xf32, #tpu.memory_space<hbm>>
    %dma_start3A_53 = tpu.memref_squeeze %dma_start3A_52 : memref<1x10000xf32, #tpu.memory_space<hbm>> -> memref<10000xf32, #tpu.memory_space<hbm>>
    tpu.enqueue_dma source(%dma_start3A_53 : memref<10000xf32, #tpu.memory_space<hbm>>) target(%arg7 : memref<10000xf32, #tpu.memory_space<vmem>>) target_semaphore(%arg15 : memref<!tpu.dma_semaphore, #tpu.memory_space<semaphore_mem>>)
    %add3A_54 = arith.constant 8 : i32
    %add3A_55 = arith.addi %select_n3A_30, %add3A_54 : i32
    %dma_start3A_56 = tpu.memref_slice %arg2[%add3A_55, %mul3A_49] : memref<16x320000xf32, #tpu.memory_space<hbm>> -> memref<1x10000xf32, #tpu.memory_space<hbm>>
    %dma_start3A_57 = tpu.memref_squeeze %dma_start3A_56 : memref<1x10000xf32, #tpu.memory_space<hbm>> -> memref<10000xf32, #tpu.memory_space<hbm>>
    %dma_start3A_58 = tpu.memref_slice %arg2[%add3A_55, %mul3A_49] : memref<16x320000xf32, #tpu.memory_space<hbm>> -> memref<1x10000xf32, #tpu.memory_space<hbm>>
    %dma_start3A_59 = tpu.memref_squeeze %dma_start3A_58 : memref<1x10000xf32, #tpu.memory_space<hbm>> -> memref<10000xf32, #tpu.memory_space<hbm>>
    tpu.enqueue_dma source(%dma_start3A_59 : memref<10000xf32, #tpu.memory_space<hbm>>) target(%arg9 : memref<10000xf32, #tpu.memory_space<vmem>>) target_semaphore(%arg15 : memref<!tpu.dma_semaphore, #tpu.memory_space<semaphore_mem>>)
    %scan3A_60 = arith.constant 0 : i32
    %scan3A_61 = arith.constant 4 : i32
    %scan3A_62 = arith.addi %scan3A_60, %scan3A_61 : i32
    %scan3A_63 = arith.constant 1 : i32
    scf.for %scan3A_67 = %scan3A_60 to %scan3A_62 step %scan3A_63  : i32 {
      %mul3A_68 = arith.constant 1 : i32
      %mul3A_69 = arith.muli %scan3A_67, %mul3A_68 : i32
      %add3A_70 = arith.constant 0 : i32
      %add3A_71 = arith.addi %add3A_70, %mul3A_69 : i32
      %mul3A_72 = arith.constant 2 : i32
      %mul3A_73 = arith.muli %mul3A_72, %add3A_71 : i32
      %dma_wait3A = arith.constant 0 : i32
      %dma_wait3A_74 = arith.constant 0 : i32
      %dma_wait3A_75 = arith.constant 0 : i32
      %dma_wait3A_76 = tpu.memref_slice %arg3[%dma_wait3A, %dma_wait3A_74, %dma_wait3A_75] : memref<32x125x80xi32, #tpu.memory_space<hbm>> -> memref<1x125x80xi32, #tpu.memory_space<hbm>>
      %dma_wait3A_77 = tpu.memref_squeeze %dma_wait3A_76 : memref<1x125x80xi32, #tpu.memory_space<hbm>> -> memref<125x80xi32, #tpu.memory_space<hbm>>
      %dma_wait3A_78 = arith.constant 0 : i32
      %dma_wait3A_79 = arith.constant 0 : i32
      %dma_wait3A_80 = tpu.memref_slice %arg3[%dma_wait3A, %dma_wait3A_78, %dma_wait3A_79] : memref<32x125x80xi32, #tpu.memory_space<hbm>> -> memref<1x125x80xi32, #tpu.memory_space<hbm>>
      %dma_wait3A_81 = tpu.memref_squeeze %dma_wait3A_80 : memref<1x125x80xi32, #tpu.memory_space<hbm>> -> memref<125x80xi32, #tpu.memory_space<hbm>>
      tpu.wait_dma2 semaphore(%arg13 : memref<!tpu.dma_semaphore, #tpu.memory_space<semaphore_mem>>) src(%dma_wait3A_81 : memref<125x80xi32, #tpu.memory_space<hbm>>) dst(%arg5 : memref<125x80xi32, #tpu.memory_space<vmem>>)
      %dma_wait3A_82 = arith.constant 0 : i32
      %dma_wait3A_83 = arith.constant 0 : i32
      %dma_wait3A_84 = tpu.memref_slice %arg2[%dma_wait3A_82, %dma_wait3A_83] : memref<16x320000xf32, #tpu.memory_space<hbm>> -> memref<1x10000xf32, #tpu.memory_space<hbm>>
      %dma_wait3A_85 = tpu.memref_squeeze %dma_wait3A_84 : memref<1x10000xf32, #tpu.memory_space<hbm>> -> memref<10000xf32, #tpu.memory_space<hbm>>
      %dma_wait3A_86 = arith.constant 0 : i32
      %dma_wait3A_87 = tpu.memref_slice %arg2[%dma_wait3A_82, %dma_wait3A_86] : memref<16x320000xf32, #tpu.memory_space<hbm>> -> memref<1x10000xf32, #tpu.memory_space<hbm>>
      %dma_wait3A_88 = tpu.memref_squeeze %dma_wait3A_87 : memref<1x10000xf32, #tpu.memory_space<hbm>> -> memref<10000xf32, #tpu.memory_space<hbm>>
      tpu.wait_dma2 semaphore(%arg15 : memref<!tpu.dma_semaphore, #tpu.memory_space<semaphore_mem>>) src(%dma_wait3A_88 : memref<10000xf32, #tpu.memory_space<hbm>>) dst(%arg7 : memref<10000xf32, #tpu.memory_space<vmem>>)
      %dma_wait3A_89 = arith.constant 0 : i32
      %dma_wait3A_90 = arith.constant 0 : i32
      %dma_wait3A_91 = tpu.memref_slice %arg2[%dma_wait3A_89, %dma_wait3A_90] : memref<16x320000xf32, #tpu.memory_space<hbm>> -> memref<1x10000xf32, #tpu.memory_space<hbm>>
      %dma_wait3A_92 = tpu.memref_squeeze %dma_wait3A_91 : memref<1x10000xf32, #tpu.memory_space<hbm>> -> memref<10000xf32, #tpu.memory_space<hbm>>
      %dma_wait3A_93 = arith.constant 0 : i32
      %dma_wait3A_94 = tpu.memref_slice %arg2[%dma_wait3A_89, %dma_wait3A_93] : memref<16x320000xf32, #tpu.memory_space<hbm>> -> memref<1x10000xf32, #tpu.memory_space<hbm>>
      %dma_wait3A_95 = tpu.memref_squeeze %dma_wait3A_94 : memref<1x10000xf32, #tpu.memory_space<hbm>> -> memref<10000xf32, #tpu.memory_space<hbm>>
      tpu.wait_dma2 semaphore(%arg15 : memref<!tpu.dma_semaphore, #tpu.memory_space<semaphore_mem>>) src(%dma_wait3A_95 : memref<10000xf32, #tpu.memory_space<hbm>>) dst(%arg9 : memref<10000xf32, #tpu.memory_space<vmem>>)
      %add3A_96 = arith.constant 1 : i32
      %add3A_97 = arith.addi %mul3A_73, %add3A_96 : i32
      %add3A_98 = arith.addi %mul3A_32, %add3A_97 : i32
      %dma_start3A_99 = arith.constant 0 : i32
      %dma_start3A_100 = arith.constant 0 : i32
      %dma_start3A_101 = tpu.memref_slice %arg3[%add3A_98, %dma_start3A_99, %dma_start3A_100] : memref<32x125x80xi32, #tpu.memory_space<hbm>> -> memref<1x125x80xi32, #tpu.memory_space<hbm>>
      %dma_start3A_102 = tpu.memref_squeeze %dma_start3A_101 : memref<1x125x80xi32, #tpu.memory_space<hbm>> -> memref<125x80xi32, #tpu.memory_space<hbm>>
      %dma_start3A_103 = arith.constant 0 : i32
      %dma_start3A_104 = arith.constant 0 : i32
      %dma_start3A_105 = tpu.memref_slice %arg3[%add3A_98, %dma_start3A_103, %dma_start3A_104] : memref<32x125x80xi32, #tpu.memory_space<hbm>> -> memref<1x125x80xi32, #tpu.memory_space<hbm>>
      %dma_start3A_106 = tpu.memref_squeeze %dma_start3A_105 : memref<1x125x80xi32, #tpu.memory_space<hbm>> -> memref<125x80xi32, #tpu.memory_space<hbm>>
      tpu.enqueue_dma source(%dma_start3A_106 : memref<125x80xi32, #tpu.memory_space<hbm>>) target(%arg6 : memref<125x80xi32, #tpu.memory_space<vmem>>) target_semaphore(%arg14 : memref<!tpu.dma_semaphore, #tpu.memory_space<semaphore_mem>>)
      %add3A_107 = arith.addi %mul3A_32, %add3A_97 : i32
      %mul3A_108 = arith.constant 10000 : i32
      %mul3A_109 = arith.muli %add3A_107, %mul3A_108 : i32
      %dma_start3A_110 = tpu.memref_slice %arg2[%select_n3A_30, %mul3A_109] : memref<16x320000xf32, #tpu.memory_space<hbm>> -> memref<1x10000xf32, #tpu.memory_space<hbm>>
      %dma_start3A_111 = tpu.memref_squeeze %dma_start3A_110 : memref<1x10000xf32, #tpu.memory_space<hbm>> -> memref<10000xf32, #tpu.memory_space<hbm>>
      %dma_start3A_112 = tpu.memref_slice %arg2[%select_n3A_30, %mul3A_109] : memref<16x320000xf32, #tpu.memory_space<hbm>> -> memref<1x10000xf32, #tpu.memory_space<hbm>>
      %dma_start3A_113 = tpu.memref_squeeze %dma_start3A_112 : memref<1x10000xf32, #tpu.memory_space<hbm>> -> memref<10000xf32, #tpu.memory_space<hbm>>
      tpu.enqueue_dma source(%dma_start3A_113 : memref<10000xf32, #tpu.memory_space<hbm>>) target(%arg8 : memref<10000xf32, #tpu.memory_space<vmem>>) target_semaphore(%arg16 : memref<!tpu.dma_semaphore, #tpu.memory_space<semaphore_mem>>)
      %add3A_114 = arith.constant 8 : i32
      %add3A_115 = arith.addi %select_n3A_30, %add3A_114 : i32
      %dma_start3A_116 = tpu.memref_slice %arg2[%add3A_115, %mul3A_109] : memref<16x320000xf32, #tpu.memory_space<hbm>> -> memref<1x10000xf32, #tpu.memory_space<hbm>>
      %dma_start3A_117 = tpu.memref_squeeze %dma_start3A_116 : memref<1x10000xf32, #tpu.memory_space<hbm>> -> memref<10000xf32, #tpu.memory_space<hbm>>
      %dma_start3A_118 = tpu.memref_slice %arg2[%add3A_115, %mul3A_109] : memref<16x320000xf32, #tpu.memory_space<hbm>> -> memref<1x10000xf32, #tpu.memory_space<hbm>>
      %dma_start3A_119 = tpu.memref_squeeze %dma_start3A_118 : memref<1x10000xf32, #tpu.memory_space<hbm>> -> memref<10000xf32, #tpu.memory_space<hbm>>
      tpu.enqueue_dma source(%dma_start3A_119 : memref<10000xf32, #tpu.memory_space<hbm>>) target(%arg10 : memref<10000xf32, #tpu.memory_space<vmem>>) target_semaphore(%arg16 : memref<!tpu.dma_semaphore, #tpu.memory_space<semaphore_mem>>)
      %scan3A_120 = arith.constant 0 : i32
      %scan3A_121 = arith.constant 25 : i32
      %scan3A_122 = arith.addi %scan3A_120, %scan3A_121 : i32
      %scan3A_123 = arith.constant 1 : i32
      scf.for %scan3A_158 = %scan3A_120 to %scan3A_122 step %scan3A_123  : i32 {
        %mul3A_159 = arith.constant 5 : i32
        %mul3A_160 = arith.muli %scan3A_158, %mul3A_159 : i32
        %add3A_161 = arith.constant 0 : i32
        %add3A_162 = arith.addi %add3A_161, %mul3A_160 : i32
        %add3A_163 = arith.constant 0 : i32
        %add3A_164 = arith.addi %add3A_162, %add3A_163 : i32
        %get3A = arith.index_cast %add3A_164 : i32 to index
        %get3A_165 = arith.constant 0 : index
        %get3A_166 = tpu.vector_load %arg5[%get3A, %get3A_165] {strides = array<i32>} : memref<125x80xi32, #tpu.memory_space<vmem>>, vector<16xi32>,
        %add3A_167 = arith.constant 0 : i32
        %add3A_168 = arith.addi %add3A_162, %add3A_167 : i32
        %mul3A_169 = arith.constant 80 : i32
        %mul3A_170 = arith.muli %add3A_168, %mul3A_169 : i32
        %add3A_171 = arith.constant 0 : i32
        %add3A_172 = arith.addi %mul3A_170, %add3A_171 : i32
        %get3A_173 = arith.index_cast %add3A_172 : i32 to index
        %get3A_174 = tpu.vector_load %arg7[%get3A_173] {strides = array<i32>} : memref<10000xf32, #tpu.memory_space<vmem>>, vector<16xf32>,
        tpu.vector_store_idx %arg11[%get3A_166], %get3A_174 {add = true} : memref<10240xf32, #tpu.memory_space<vmem>>[vector<16xi32>], vector<16xf32>,
        %get3A_175 = arith.index_cast %add3A_172 : i32 to index
        %get3A_176 = tpu.vector_load %arg9[%get3A_175] {strides = array<i32>} : memref<10000xf32, #tpu.memory_space<vmem>>, vector<16xf32>,
        tpu.vector_store_idx %arg12[%get3A_166], %get3A_176 {add = true} : memref<10240xf32, #tpu.memory_space<vmem>>[vector<16xi32>], vector<16xf32>,
        %add3A_177 = arith.constant 0 : i32
        %add3A_178 = arith.addi %add3A_162, %add3A_177 : i32
        %get3A_179 = arith.index_cast %add3A_178 : i32 to index
        %get3A_180 = arith.constant 16 : index
        %get3A_181 = tpu.vector_load %arg5[%get3A_179, %get3A_180] {strides = array<i32>} : memref<125x80xi32, #tpu.memory_space<vmem>>, vector<16xi32>,
        %add3A_182 = arith.constant 0 : i32
        %add3A_183 = arith.addi %add3A_162, %add3A_182 : i32
        %mul3A_184 = arith.constant 80 : i32
        %mul3A_185 = arith.muli %add3A_183, %mul3A_184 : i32
        %add3A_186 = arith.constant 16 : i32
        %add3A_187 = arith.addi %mul3A_185, %add3A_186 : i32
        %get3A_188 = arith.index_cast %add3A_187 : i32 to index
        %get3A_189 = tpu.vector_load %arg7[%get3A_188] {strides = array<i32>} : memref<10000xf32, #tpu.memory_space<vmem>>, vector<16xf32>,
        tpu.vector_store_idx %arg11[%get3A_181], %get3A_189 {add = true} : memref<10240xf32, #tpu.memory_space<vmem>>[vector<16xi32>], vector<16xf32>,
        %get3A_190 = arith.index_cast %add3A_187 : i32 to index
        %get3A_191 = tpu.vector_load %arg9[%get3A_190] {strides = array<i32>} : memref<10000xf32, #tpu.memory_space<vmem>>, vector<16xf32>,
        tpu.vector_store_idx %arg12[%get3A_181], %get3A_191 {add = true} : memref<10240xf32, #tpu.memory_space<vmem>>[vector<16xi32>], vector<16xf32>,
        %add3A_192 = arith.constant 0 : i32
        %add3A_193 = arith.addi %add3A_162, %add3A_192 : i32
        %get3A_194 = arith.index_cast %add3A_193 : i32 to index
        %get3A_195 = arith.constant 32 : index
        %get3A_196 = tpu.vector_load %arg5[%get3A_194, %get3A_195] {strides = array<i32>} : memref<125x80xi32, #tpu.memory_space<vmem>>, vector<16xi32>,
        %add3A_197 = arith.constant 0 : i32
        %add3A_198 = arith.addi %add3A_162, %add3A_197 : i32
        %mul3A_199 = arith.constant 80 : i32
        %mul3A_200 = arith.muli %add3A_198, %mul3A_199 : i32
        %add3A_201 = arith.constant 32 : i32
        %add3A_202 = arith.addi %mul3A_200, %add3A_201 : i32
        %get3A_203 = arith.index_cast %add3A_202 : i32 to index
        %get3A_204 = tpu.vector_load %arg7[%get3A_203] {strides = array<i32>} : memref<10000xf32, #tpu.memory_space<vmem>>, vector<16xf32>,
        tpu.vector_store_idx %arg11[%get3A_196], %get3A_204 {add = true} : memref<10240xf32, #tpu.memory_space<vmem>>[vector<16xi32>], vector<16xf32>,
        %get3A_205 = arith.index_cast %add3A_202 : i32 to index
        %get3A_206 = tpu.vector_load %arg9[%get3A_205] {strides = array<i32>} : memref<10000xf32, #tpu.memory_space<vmem>>, vector<16xf32>,
        tpu.vector_store_idx %arg12[%get3A_196], %get3A_206 {add = true} : memref<10240xf32, #tpu.memory_space<vmem>>[vector<16xi32>], vector<16xf32>,
        %add3A_207 = arith.constant 0 : i32
        %add3A_208 = arith.addi %add3A_162, %add3A_207 : i32
        %get3A_209 = arith.index_cast %add3A_208 : i32 to index
        %get3A_210 = arith.constant 48 : index
        %get3A_211 = tpu.vector_load %arg5[%get3A_209, %get3A_210] {strides = array<i32>} : memref<125x80xi32, #tpu.memory_space<vmem>>, vector<16xi32>,
        %add3A_212 = arith.constant 0 : i32
        %add3A_213 = arith.addi %add3A_162, %add3A_212 : i32
        %mul3A_214 = arith.constant 80 : i32
        %mul3A_215 = arith.muli %add3A_213, %mul3A_214 : i32
        %add3A_216 = arith.constant 48 : i32
        %add3A_217 = arith.addi %mul3A_215, %add3A_216 : i32
        %get3A_218 = arith.index_cast %add3A_217 : i32 to index
        %get3A_219 = tpu.vector_load %arg7[%get3A_218] {strides = array<i32>} : memref<10000xf32, #tpu.memory_space<vmem>>, vector<16xf32>,
        tpu.vector_store_idx %arg11[%get3A_211], %get3A_219 {add = true} : memref<10240xf32, #tpu.memory_space<vmem>>[vector<16xi32>], vector<16xf32>,
        %get3A_220 = arith.index_cast %add3A_217 : i32 to index
        %get3A_221 = tpu.vector_load %arg9[%get3A_220] {strides = array<i32>} : memref<10000xf32, #tpu.memory_space<vmem>>, vector<16xf32>,
        tpu.vector_store_idx %arg12[%get3A_211], %get3A_221 {add = true} : memref<10240xf32, #tpu.memory_space<vmem>>[vector<16xi32>], vector<16xf32>,
        %add3A_222 = arith.constant 0 : i32
        %add3A_223 = arith.addi %add3A_162, %add3A_222 : i32
        %get3A_224 = arith.index_cast %add3A_223 : i32 to index
        %get3A_225 = arith.constant 64 : index
        %get3A_226 = tpu.vector_load %arg5[%get3A_224, %get3A_225] {strides = array<i32>} : memref<125x80xi32, #tpu.memory_space<vmem>>, vector<16xi32>,
        %add3A_227 = arith.constant 0 : i32
        %add3A_228 = arith.addi %add3A_162, %add3A_227 : i32
        %mul3A_229 = arith.constant 80 : i32
        %mul3A_230 = arith.muli %add3A_228, %mul3A_229 : i32
        %add3A_231 = arith.constant 64 : i32
        %add3A_232 = arith.addi %mul3A_230, %add3A_231 : i32
        %get3A_233 = arith.index_cast %add3A_232 : i32 to index
        %get3A_234 = tpu.vector_load %arg7[%get3A_233] {strides = array<i32>} : memref<10000xf32, #tpu.memory_space<vmem>>, vector<16xf32>,
        tpu.vector_store_idx %arg11[%get3A_226], %get3A_234 {add = true} : memref<10240xf32, #tpu.memory_space<vmem>>[vector<16xi32>], vector<16xf32>,
        %get3A_235 = arith.index_cast %add3A_232 : i32 to index
        %get3A_236 = tpu.vector_load %arg9[%get3A_235] {strides = array<i32>} : memref<10000xf32, #tpu.memory_space<vmem>>, vector<16xf32>,
        tpu.vector_store_idx %arg12[%get3A_226], %get3A_236 {add = true} : memref<10240xf32, #tpu.memory_space<vmem>>[vector<16xi32>], vector<16xf32>,
        %add3A_237 = arith.constant 1 : i32
        %add3A_238 = arith.addi %add3A_162, %add3A_237 : i32
        %get3A_239 = arith.index_cast %add3A_238 : i32 to index
        %get3A_240 = arith.constant 0 : index
        %get3A_241 = tpu.vector_load %arg5[%get3A_239, %get3A_240] {strides = array<i32>} : memref<125x80xi32, #tpu.memory_space<vmem>>, vector<16xi32>,
        %add3A_242 = arith.constant 1 : i32
        %add3A_243 = arith.addi %add3A_162, %add3A_242 : i32
        %mul3A_244 = arith.constant 80 : i32
        %mul3A_245 = arith.muli %add3A_243, %mul3A_244 : i32
        %add3A_246 = arith.constant 0 : i32
        %add3A_247 = arith.addi %mul3A_245, %add3A_246 : i32
        %get3A_248 = arith.index_cast %add3A_247 : i32 to index
        %get3A_249 = tpu.vector_load %arg7[%get3A_248] {strides = array<i32>} : memref<10000xf32, #tpu.memory_space<vmem>>, vector<16xf32>,
        tpu.vector_store_idx %arg11[%get3A_241], %get3A_249 {add = true} : memref<10240xf32, #tpu.memory_space<vmem>>[vector<16xi32>], vector<16xf32>,
        %get3A_250 = arith.index_cast %add3A_247 : i32 to index
        %get3A_251 = tpu.vector_load %arg9[%get3A_250] {strides = array<i32>} : memref<10000xf32, #tpu.memory_space<vmem>>, vector<16xf32>,
        tpu.vector_store_idx %arg12[%get3A_241], %get3A_251 {add = true} : memref<10240xf32, #tpu.memory_space<vmem>>[vector<16xi32>], vector<16xf32>,
        %add3A_252 = arith.constant 1 : i32
        %add3A_253 = arith.addi %add3A_162, %add3A_252 : i32
        %get3A_254 = arith.index_cast %add3A_253 : i32 to index
        %get3A_255 = arith.constant 16 : index
        %get3A_256 = tpu.vector_load %arg5[%get3A_254, %get3A_255] {strides = array<i32>} : memref<125x80xi32, #tpu.memory_space<vmem>>, vector<16xi32>,
        %add3A_257 = arith.constant 1 : i32
        %add3A_258 = arith.addi %add3A_162, %add3A_257 : i32
        %mul3A_259 = arith.constant 80 : i32
        %mul3A_260 = arith.muli %add3A_258, %mul3A_259 : i32
        %add3A_261 = arith.constant 16 : i32
        %add3A_262 = arith.addi %mul3A_260, %add3A_261 : i32
        %get3A_263 = arith.index_cast %add3A_262 : i32 to index
        %get3A_264 = tpu.vector_load %arg7[%get3A_263] {strides = array<i32>} : memref<10000xf32, #tpu.memory_space<vmem>>, vector<16xf32>,
        tpu.vector_store_idx %arg11[%get3A_256], %get3A_264 {add = true} : memref<10240xf32, #tpu.memory_space<vmem>>[vector<16xi32>], vector<16xf32>,
        %get3A_265 = arith.index_cast %add3A_262 : i32 to index
        %get3A_266 = tpu.vector_load %arg9[%get3A_265] {strides = array<i32>} : memref<10000xf32, #tpu.memory_space<vmem>>, vector<16xf32>,
        tpu.vector_store_idx %arg12[%get3A_256], %get3A_266 {add = true} : memref<10240xf32, #tpu.memory_space<vmem>>[vector<16xi32>], vector<16xf32>,
        %add3A_267 = arith.constant 1 : i32
        %add3A_268 = arith.addi %add3A_162, %add3A_267 : i32
        %get3A_269 = arith.index_cast %add3A_268 : i32 to index
        %get3A_270 = arith.constant 32 : index
        %get3A_271 = tpu.vector_load %arg5[%get3A_269, %get3A_270] {strides = array<i32>} : memref<125x80xi32, #tpu.memory_space<vmem>>, vector<16xi32>,
        %add3A_272 = arith.constant 1 : i32
        %add3A_273 = arith.addi %add3A_162, %add3A_272 : i32
        %mul3A_274 = arith.constant 80 : i32
        %mul3A_275 = arith.muli %add3A_273, %mul3A_274 : i32
        %add3A_276 = arith.constant 32 : i32
        %add3A_277 = arith.addi %mul3A_275, %add3A_276 : i32
        %get3A_278 = arith.index_cast %add3A_277 : i32 to index
        %get3A_279 = tpu.vector_load %arg7[%get3A_278] {strides = array<i32>} : memref<10000xf32, #tpu.memory_space<vmem>>, vector<16xf32>,
        tpu.vector_store_idx %arg11[%get3A_271], %get3A_279 {add = true} : memref<10240xf32, #tpu.memory_space<vmem>>[vector<16xi32>], vector<16xf32>,
        %get3A_280 = arith.index_cast %add3A_277 : i32 to index
        %get3A_281 = tpu.vector_load %arg9[%get3A_280] {strides = array<i32>} : memref<10000xf32, #tpu.memory_space<vmem>>, vector<16xf32>,
        tpu.vector_store_idx %arg12[%get3A_271], %get3A_281 {add = true} : memref<10240xf32, #tpu.memory_space<vmem>>[vector<16xi32>], vector<16xf32>,
        %add3A_282 = arith.constant 1 : i32
        %add3A_283 = arith.addi %add3A_162, %add3A_282 : i32
        %get3A_284 = arith.index_cast %add3A_283 : i32 to index
        %get3A_285 = arith.constant 48 : index
        %get3A_286 = tpu.vector_load %arg5[%get3A_284, %get3A_285] {strides = array<i32>} : memref<125x80xi32, #tpu.memory_space<vmem>>, vector<16xi32>,
        %add3A_287 = arith.constant 1 : i32
        %add3A_288 = arith.addi %add3A_162, %add3A_287 : i32
        %mul3A_289 = arith.constant 80 : i32
        %mul3A_290 = arith.muli %add3A_288, %mul3A_289 : i32
        %add3A_291 = arith.constant 48 : i32
        %add3A_292 = arith.addi %mul3A_290, %add3A_291 : i32
        %get3A_293 = arith.index_cast %add3A_292 : i32 to index
        %get3A_294 = tpu.vector_load %arg7[%get3A_293] {strides = array<i32>} : memref<10000xf32, #tpu.memory_space<vmem>>, vector<16xf32>,
        tpu.vector_store_idx %arg11[%get3A_286], %get3A_294 {add = true} : memref<10240xf32, #tpu.memory_space<vmem>>[vector<16xi32>], vector<16xf32>,
        %get3A_295 = arith.index_cast %add3A_292 : i32 to index
        %get3A_296 = tpu.vector_load %arg9[%get3A_295] {strides = array<i32>} : memref<10000xf32, #tpu.memory_space<vmem>>, vector<16xf32>,
        tpu.vector_store_idx %arg12[%get3A_286], %get3A_296 {add = true} : memref<10240xf32, #tpu.memory_space<vmem>>[vector<16xi32>], vector<16xf32>,
        %add3A_297 = arith.constant 1 : i32
        %add3A_298 = arith.addi %add3A_162, %add3A_297 : i32
        %get3A_299 = arith.index_cast %add3A_298 : i32 to index
        %get3A_300 = arith.constant 64 : index
        %get3A_301 = tpu.vector_load %arg5[%get3A_299, %get3A_300] {strides = array<i32>} : memref<125x80xi32, #tpu.memory_space<vmem>>, vector<16xi32>,
        %add3A_302 = arith.constant 1 : i32
        %add3A_303 = arith.addi %add3A_162, %add3A_302 : i32
        %mul3A_304 = arith.constant 80 : i32
        %mul3A_305 = arith.muli %add3A_303, %mul3A_304 : i32
        %add3A_306 = arith.constant 64 : i32
        %add3A_307 = arith.addi %mul3A_305, %add3A_306 : i32
        %get3A_308 = arith.index_cast %add3A_307 : i32 to index
        %get3A_309 = tpu.vector_load %arg7[%get3A_308] {strides = array<i32>} : memref<10000xf32, #tpu.memory_space<vmem>>, vector<16xf32>,
        tpu.vector_store_idx %arg11[%get3A_301], %get3A_309 {add = true} : memref<10240xf32, #tpu.memory_space<vmem>>[vector<16xi32>], vector<16xf32>,
        %get3A_310 = arith.index_cast %add3A_307 : i32 to index
        %get3A_311 = tpu.vector_load %arg9[%get3A_310] {strides = array<i32>} : memref<10000xf32, #tpu.memory_space<vmem>>, vector<16xf32>,
        tpu.vector_store_idx %arg12[%get3A_301], %get3A_311 {add = true} : memref<10240xf32, #tpu.memory_space<vmem>>[vector<16xi32>], vector<16xf32>,
        %add3A_312 = arith.constant 2 : i32
        %add3A_313 = arith.addi %add3A_162, %add3A_312 : i32
        %get3A_314 = arith.index_cast %add3A_313 : i32 to index
        %get3A_315 = arith.constant 0 : index
        %get3A_316 = tpu.vector_load %arg5[%get3A_314, %get3A_315] {strides = array<i32>} : memref<125x80xi32, #tpu.memory_space<vmem>>, vector<16xi32>,
        %add3A_317 = arith.constant 2 : i32
        %add3A_318 = arith.addi %add3A_162, %add3A_317 : i32
        %mul3A_319 = arith.constant 80 : i32
        %mul3A_320 = arith.muli %add3A_318, %mul3A_319 : i32
        %add3A_321 = arith.constant 0 : i32
        %add3A_322 = arith.addi %mul3A_320, %add3A_321 : i32
        %get3A_323 = arith.index_cast %add3A_322 : i32 to index
        %get3A_324 = tpu.vector_load %arg7[%get3A_323] {strides = array<i32>} : memref<10000xf32, #tpu.memory_space<vmem>>, vector<16xf32>,
        tpu.vector_store_idx %arg11[%get3A_316], %get3A_324 {add = true} : memref<10240xf32, #tpu.memory_space<vmem>>[vector<16xi32>], vector<16xf32>,
        %get3A_325 = arith.index_cast %add3A_322 : i32 to index
        %get3A_326 = tpu.vector_load %arg9[%get3A_325] {strides = array<i32>} : memref<10000xf32, #tpu.memory_space<vmem>>, vector<16xf32>,
        tpu.vector_store_idx %arg12[%get3A_316], %get3A_326 {add = true} : memref<10240xf32, #tpu.memory_space<vmem>>[vector<16xi32>], vector<16xf32>,
        %add3A_327 = arith.constant 2 : i32
        %add3A_328 = arith.addi %add3A_162, %add3A_327 : i32
        %get3A_329 = arith.index_cast %add3A_328 : i32 to index
        %get3A_330 = arith.constant 16 : index
        %get3A_331 = tpu.vector_load %arg5[%get3A_329, %get3A_330] {strides = array<i32>} : memref<125x80xi32, #tpu.memory_space<vmem>>, vector<16xi32>,
        %add3A_332 = arith.constant 2 : i32
        %add3A_333 = arith.addi %add3A_162, %add3A_332 : i32
        %mul3A_334 = arith.constant 80 : i32
        %mul3A_335 = arith.muli %add3A_333, %mul3A_334 : i32
        %add3A_336 = arith.constant 16 : i32
        %add3A_337 = arith.addi %mul3A_335, %add3A_336 : i32
        %get3A_338 = arith.index_cast %add3A_337 : i32 to index
        %get3A_339 = tpu.vector_load %arg7[%get3A_338] {strides = array<i32>} : memref<10000xf32, #tpu.memory_space<vmem>>, vector<16xf32>,
        tpu.vector_store_idx %arg11[%get3A_331], %get3A_339 {add = true} : memref<10240xf32, #tpu.memory_space<vmem>>[vector<16xi32>], vector<16xf32>,
        %get3A_340 = arith.index_cast %add3A_337 : i32 to index
        %get3A_341 = tpu.vector_load %arg9[%get3A_340] {strides = array<i32>} : memref<10000xf32, #tpu.memory_space<vmem>>, vector<16xf32>,
        tpu.vector_store_idx %arg12[%get3A_331], %get3A_341 {add = true} : memref<10240xf32, #tpu.memory_space<vmem>>[vector<16xi32>], vector<16xf32>,
        %add3A_342 = arith.constant 2 : i32
        %add3A_343 = arith.addi %add3A_162, %add3A_342 : i32
        %get3A_344 = arith.index_cast %add3A_343 : i32 to index
        %get3A_345 = arith.constant 32 : index
        %get3A_346 = tpu.vector_load %arg5[%get3A_344, %get3A_345] {strides = array<i32>} : memref<125x80xi32, #tpu.memory_space<vmem>>, vector<16xi32>,
        %add3A_347 = arith.constant 2 : i32
        %add3A_348 = arith.addi %add3A_162, %add3A_347 : i32
        %mul3A_349 = arith.constant 80 : i32
        %mul3A_350 = arith.muli %add3A_348, %mul3A_349 : i32
        %add3A_351 = arith.constant 32 : i32
        %add3A_352 = arith.addi %mul3A_350, %add3A_351 : i32
        %get3A_353 = arith.index_cast %add3A_352 : i32 to index
        %get3A_354 = tpu.vector_load %arg7[%get3A_353] {strides = array<i32>} : memref<10000xf32, #tpu.memory_space<vmem>>, vector<16xf32>,
        tpu.vector_store_idx %arg11[%get3A_346], %get3A_354 {add = true} : memref<10240xf32, #tpu.memory_space<vmem>>[vector<16xi32>], vector<16xf32>,
        %get3A_355 = arith.index_cast %add3A_352 : i32 to index
        %get3A_356 = tpu.vector_load %arg9[%get3A_355] {strides = array<i32>} : memref<10000xf32, #tpu.memory_space<vmem>>, vector<16xf32>,
        tpu.vector_store_idx %arg12[%get3A_346], %get3A_356 {add = true} : memref<10240xf32, #tpu.memory_space<vmem>>[vector<16xi32>], vector<16xf32>,
        %add3A_357 = arith.constant 2 : i32
        %add3A_358 = arith.addi %add3A_162, %add3A_357 : i32
        %get3A_359 = arith.index_cast %add3A_358 : i32 to index
        %get3A_360 = arith.constant 48 : index
        %get3A_361 = tpu.vector_load %arg5[%get3A_359, %get3A_360] {strides = array<i32>} : memref<125x80xi32, #tpu.memory_space<vmem>>, vector<16xi32>,
        %add3A_362 = arith.constant 2 : i32
        %add3A_363 = arith.addi %add3A_162, %add3A_362 : i32
        %mul3A_364 = arith.constant 80 : i32
        %mul3A_365 = arith.muli %add3A_363, %mul3A_364 : i32
        %add3A_366 = arith.constant 48 : i32
        %add3A_367 = arith.addi %mul3A_365, %add3A_366 : i32
        %get3A_368 = arith.index_cast %add3A_367 : i32 to index
        %get3A_369 = tpu.vector_load %arg7[%get3A_368] {strides = array<i32>} : memref<10000xf32, #tpu.memory_space<vmem>>, vector<16xf32>,
        tpu.vector_store_idx %arg11[%get3A_361], %get3A_369 {add = true} : memref<10240xf32, #tpu.memory_space<vmem>>[vector<16xi32>], vector<16xf32>,
        %get3A_370 = arith.index_cast %add3A_367 : i32 to index
        %get3A_371 = tpu.vector_load %arg9[%get3A_370] {strides = array<i32>} : memref<10000xf32, #tpu.memory_space<vmem>>, vector<16xf32>,
        tpu.vector_store_idx %arg12[%get3A_361], %get3A_371 {add = true} : memref<10240xf32, #tpu.memory_space<vmem>>[vector<16xi32>], vector<16xf32>,
        %add3A_372 = arith.constant 2 : i32
        %add3A_373 = arith.addi %add3A_162, %add3A_372 : i32
        %get3A_374 = arith.index_cast %add3A_373 : i32 to index
        %get3A_375 = arith.constant 64 : index
        %get3A_376 = tpu.vector_load %arg5[%get3A_374, %get3A_375] {strides = array<i32>} : memref<125x80xi32, #tpu.memory_space<vmem>>, vector<16xi32>,
        %add3A_377 = arith.constant 2 : i32
        %add3A_378 = arith.addi %add3A_162, %add3A_377 : i32
        %mul3A_379 = arith.constant 80 : i32
        %mul3A_380 = arith.muli %add3A_378, %mul3A_379 : i32
        %add3A_381 = arith.constant 64 : i32
        %add3A_382 = arith.addi %mul3A_380, %add3A_381 : i32
        %get3A_383 = arith.index_cast %add3A_382 : i32 to index
        %get3A_384 = tpu.vector_load %arg7[%get3A_383] {strides = array<i32>} : memref<10000xf32, #tpu.memory_space<vmem>>, vector<16xf32>,
        tpu.vector_store_idx %arg11[%get3A_376], %get3A_384 {add = true} : memref<10240xf32, #tpu.memory_space<vmem>>[vector<16xi32>], vector<16xf32>,
        %get3A_385 = arith.index_cast %add3A_382 : i32 to index
        %get3A_386 = tpu.vector_load %arg9[%get3A_385] {strides = array<i32>} : memref<10000xf32, #tpu.memory_space<vmem>>, vector<16xf32>,
        tpu.vector_store_idx %arg12[%get3A_376], %get3A_386 {add = true} : memref<10240xf32, #tpu.memory_space<vmem>>[vector<16xi32>], vector<16xf32>,
        %add3A_387 = arith.constant 3 : i32
        %add3A_388 = arith.addi %add3A_162, %add3A_387 : i32
        %get3A_389 = arith.index_cast %add3A_388 : i32 to index
        %get3A_390 = arith.constant 0 : index
        %get3A_391 = tpu.vector_load %arg5[%get3A_389, %get3A_390] {strides = array<i32>} : memref<125x80xi32, #tpu.memory_space<vmem>>, vector<16xi32>,
        %add3A_392 = arith.constant 3 : i32
        %add3A_393 = arith.addi %add3A_162, %add3A_392 : i32
        %mul3A_394 = arith.constant 80 : i32
        %mul3A_395 = arith.muli %add3A_393, %mul3A_394 : i32
        %add3A_396 = arith.constant 0 : i32
        %add3A_397 = arith.addi %mul3A_395, %add3A_396 : i32
        %get3A_398 = arith.index_cast %add3A_397 : i32 to index
        %get3A_399 = tpu.vector_load %arg7[%get3A_398] {strides = array<i32>} : memref<10000xf32, #tpu.memory_space<vmem>>, vector<16xf32>,
        tpu.vector_store_idx %arg11[%get3A_391], %get3A_399 {add = true} : memref<10240xf32, #tpu.memory_space<vmem>>[vector<16xi32>], vector<16xf32>,
        %get3A_400 = arith.index_cast %add3A_397 : i32 to index
        %get3A_401 = tpu.vector_load %arg9[%get3A_400] {strides = array<i32>} : memref<10000xf32, #tpu.memory_space<vmem>>, vector<16xf32>,
        tpu.vector_store_idx %arg12[%get3A_391], %get3A_401 {add = true} : memref<10240xf32, #tpu.memory_space<vmem>>[vector<16xi32>], vector<16xf32>,
        %add3A_402 = arith.constant 3 : i32
        %add3A_403 = arith.addi %add3A_162, %add3A_402 : i32
        %get3A_404 = arith.index_cast %add3A_403 : i32 to index
        %get3A_405 = arith.constant 16 : index
        %get3A_406 = tpu.vector_load %arg5[%get3A_404, %get3A_405] {strides = array<i32>} : memref<125x80xi32, #tpu.memory_space<vmem>>, vector<16xi32>,
        %add3A_407 = arith.constant 3 : i32
        %add3A_408 = arith.addi %add3A_162, %add3A_407 : i32
        %mul3A_409 = arith.constant 80 : i32
        %mul3A_410 = arith.muli %add3A_408, %mul3A_409 : i32
        %add3A_411 = arith.constant 16 : i32
        %add3A_412 = arith.addi %mul3A_410, %add3A_411 : i32
        %get3A_413 = arith.index_cast %add3A_412 : i32 to index
        %get3A_414 = tpu.vector_load %arg7[%get3A_413] {strides = array<i32>} : memref<10000xf32, #tpu.memory_space<vmem>>, vector<16xf32>,
        tpu.vector_store_idx %arg11[%get3A_406], %get3A_414 {add = true} : memref<10240xf32, #tpu.memory_space<vmem>>[vector<16xi32>], vector<16xf32>,
        %get3A_415 = arith.index_cast %add3A_412 : i32 to index
        %get3A_416 = tpu.vector_load %arg9[%get3A_415] {strides = array<i32>} : memref<10000xf32, #tpu.memory_space<vmem>>, vector<16xf32>,
        tpu.vector_store_idx %arg12[%get3A_406], %get3A_416 {add = true} : memref<10240xf32, #tpu.memory_space<vmem>>[vector<16xi32>], vector<16xf32>,
        %add3A_417 = arith.constant 3 : i32
        %add3A_418 = arith.addi %add3A_162, %add3A_417 : i32
        %get3A_419 = arith.index_cast %add3A_418 : i32 to index
        %get3A_420 = arith.constant 32 : index
        %get3A_421 = tpu.vector_load %arg5[%get3A_419, %get3A_420] {strides = array<i32>} : memref<125x80xi32, #tpu.memory_space<vmem>>, vector<16xi32>,
        %add3A_422 = arith.constant 3 : i32
        %add3A_423 = arith.addi %add3A_162, %add3A_422 : i32
        %mul3A_424 = arith.constant 80 : i32
        %mul3A_425 = arith.muli %add3A_423, %mul3A_424 : i32
        %add3A_426 = arith.constant 32 : i32
        %add3A_427 = arith.addi %mul3A_425, %add3A_426 : i32
        %get3A_428 = arith.index_cast %add3A_427 : i32 to index
        %get3A_429 = tpu.vector_load %arg7[%get3A_428] {strides = array<i32>} : memref<10000xf32, #tpu.memory_space<vmem>>, vector<16xf32>,
        tpu.vector_store_idx %arg11[%get3A_421], %get3A_429 {add = true} : memref<10240xf32, #tpu.memory_space<vmem>>[vector<16xi32>], vector<16xf32>,
        %get3A_430 = arith.index_cast %add3A_427 : i32 to index
        %get3A_431 = tpu.vector_load %arg9[%get3A_430] {strides = array<i32>} : memref<10000xf32, #tpu.memory_space<vmem>>, vector<16xf32>,
        tpu.vector_store_idx %arg12[%get3A_421], %get3A_431 {add = true} : memref<10240xf32, #tpu.memory_space<vmem>>[vector<16xi32>], vector<16xf32>,
        %add3A_432 = arith.constant 3 : i32
        %add3A_433 = arith.addi %add3A_162, %add3A_432 : i32
        %get3A_434 = arith.index_cast %add3A_433 : i32 to index
        %get3A_435 = arith.constant 48 : index
        %get3A_436 = tpu.vector_load %arg5[%get3A_434, %get3A_435] {strides = array<i32>} : memref<125x80xi32, #tpu.memory_space<vmem>>, vector<16xi32>,
        %add3A_437 = arith.constant 3 : i32
        %add3A_438 = arith.addi %add3A_162, %add3A_437 : i32
        %mul3A_439 = arith.constant 80 : i32
        %mul3A_440 = arith.muli %add3A_438, %mul3A_439 : i32
        %add3A_441 = arith.constant 48 : i32
        %add3A_442 = arith.addi %mul3A_440, %add3A_441 : i32
        %get3A_443 = arith.index_cast %add3A_442 : i32 to index
        %get3A_444 = tpu.vector_load %arg7[%get3A_443] {strides = array<i32>} : memref<10000xf32, #tpu.memory_space<vmem>>, vector<16xf32>,
        tpu.vector_store_idx %arg11[%get3A_436], %get3A_444 {add = true} : memref<10240xf32, #tpu.memory_space<vmem>>[vector<16xi32>], vector<16xf32>,
        %get3A_445 = arith.index_cast %add3A_442 : i32 to index
        %get3A_446 = tpu.vector_load %arg9[%get3A_445] {strides = array<i32>} : memref<10000xf32, #tpu.memory_space<vmem>>, vector<16xf32>,
        tpu.vector_store_idx %arg12[%get3A_436], %get3A_446 {add = true} : memref<10240xf32, #tpu.memory_space<vmem>>[vector<16xi32>], vector<16xf32>,
        %add3A_447 = arith.constant 3 : i32
        %add3A_448 = arith.addi %add3A_162, %add3A_447 : i32
        %get3A_449 = arith.index_cast %add3A_448 : i32 to index
        %get3A_450 = arith.constant 64 : index
        %get3A_451 = tpu.vector_load %arg5[%get3A_449, %get3A_450] {strides = array<i32>} : memref<125x80xi32, #tpu.memory_space<vmem>>, vector<16xi32>,
        %add3A_452 = arith.constant 3 : i32
        %add3A_453 = arith.addi %add3A_162, %add3A_452 : i32
        %mul3A_454 = arith.constant 80 : i32
        %mul3A_455 = arith.muli %add3A_453, %mul3A_454 : i32
        %add3A_456 = arith.constant 64 : i32
        %add3A_457 = arith.addi %mul3A_455, %add3A_456 : i32
        %get3A_458 = arith.index_cast %add3A_457 : i32 to index
        %get3A_459 = tpu.vector_load %arg7[%get3A_458] {strides = array<i32>} : memref<10000xf32, #tpu.memory_space<vmem>>, vector<16xf32>,
        tpu.vector_store_idx %arg11[%get3A_451], %get3A_459 {add = true} : memref<10240xf32, #tpu.memory_space<vmem>>[vector<16xi32>], vector<16xf32>,
        %get3A_460 = arith.index_cast %add3A_457 : i32 to index
        %get3A_461 = tpu.vector_load %arg9[%get3A_460] {strides = array<i32>} : memref<10000xf32, #tpu.memory_space<vmem>>, vector<16xf32>,
        tpu.vector_store_idx %arg12[%get3A_451], %get3A_461 {add = true} : memref<10240xf32, #tpu.memory_space<vmem>>[vector<16xi32>], vector<16xf32>,
        %add3A_462 = arith.constant 4 : i32
        %add3A_463 = arith.addi %add3A_162, %add3A_462 : i32
        %get3A_464 = arith.index_cast %add3A_463 : i32 to index
        %get3A_465 = arith.constant 0 : index
        %get3A_466 = tpu.vector_load %arg5[%get3A_464, %get3A_465] {strides = array<i32>} : memref<125x80xi32, #tpu.memory_space<vmem>>, vector<16xi32>,
        %add3A_467 = arith.constant 4 : i32
        %add3A_468 = arith.addi %add3A_162, %add3A_467 : i32
        %mul3A_469 = arith.constant 80 : i32
        %mul3A_470 = arith.muli %add3A_468, %mul3A_469 : i32
        %add3A_471 = arith.constant 0 : i32
        %add3A_472 = arith.addi %mul3A_470, %add3A_471 : i32
        %get3A_473 = arith.index_cast %add3A_472 : i32 to index
        %get3A_474 = tpu.vector_load %arg7[%get3A_473] {strides = array<i32>} : memref<10000xf32, #tpu.memory_space<vmem>>, vector<16xf32>,
        tpu.vector_store_idx %arg11[%get3A_466], %get3A_474 {add = true} : memref<10240xf32, #tpu.memory_space<vmem>>[vector<16xi32>], vector<16xf32>,
        %get3A_475 = arith.index_cast %add3A_472 : i32 to index
        %get3A_476 = tpu.vector_load %arg9[%get3A_475] {strides = array<i32>} : memref<10000xf32, #tpu.memory_space<vmem>>, vector<16xf32>,
        tpu.vector_store_idx %arg12[%get3A_466], %get3A_476 {add = true} : memref<10240xf32, #tpu.memory_space<vmem>>[vector<16xi32>], vector<16xf32>,
        %add3A_477 = arith.constant 4 : i32
        %add3A_478 = arith.addi %add3A_162, %add3A_477 : i32
        %get3A_479 = arith.index_cast %add3A_478 : i32 to index
        %get3A_480 = arith.constant 16 : index
        %get3A_481 = tpu.vector_load %arg5[%get3A_479, %get3A_480] {strides = array<i32>} : memref<125x80xi32, #tpu.memory_space<vmem>>, vector<16xi32>,
        %add3A_482 = arith.constant 4 : i32
        %add3A_483 = arith.addi %add3A_162, %add3A_482 : i32
        %mul3A_484 = arith.constant 80 : i32
        %mul3A_485 = arith.muli %add3A_483, %mul3A_484 : i32
        %add3A_486 = arith.constant 16 : i32
        %add3A_487 = arith.addi %mul3A_485, %add3A_486 : i32
        %get3A_488 = arith.index_cast %add3A_487 : i32 to index
        %get3A_489 = tpu.vector_load %arg7[%get3A_488] {strides = array<i32>} : memref<10000xf32, #tpu.memory_space<vmem>>, vector<16xf32>,
        tpu.vector_store_idx %arg11[%get3A_481], %get3A_489 {add = true} : memref<10240xf32, #tpu.memory_space<vmem>>[vector<16xi32>], vector<16xf32>,
        %get3A_490 = arith.index_cast %add3A_487 : i32 to index
        %get3A_491 = tpu.vector_load %arg9[%get3A_490] {strides = array<i32>} : memref<10000xf32, #tpu.memory_space<vmem>>, vector<16xf32>,
        tpu.vector_store_idx %arg12[%get3A_481], %get3A_491 {add = true} : memref<10240xf32, #tpu.memory_space<vmem>>[vector<16xi32>], vector<16xf32>,
        %add3A_492 = arith.constant 4 : i32
        %add3A_493 = arith.addi %add3A_162, %add3A_492 : i32
        %get3A_494 = arith.index_cast %add3A_493 : i32 to index
        %get3A_495 = arith.constant 32 : index
        %get3A_496 = tpu.vector_load %arg5[%get3A_494, %get3A_495] {strides = array<i32>} : memref<125x80xi32, #tpu.memory_space<vmem>>, vector<16xi32>,
        %add3A_497 = arith.constant 4 : i32
        %add3A_498 = arith.addi %add3A_162, %add3A_497 : i32
        %mul3A_499 = arith.constant 80 : i32
        %mul3A_500 = arith.muli %add3A_498, %mul3A_499 : i32
        %add3A_501 = arith.constant 32 : i32
        %add3A_502 = arith.addi %mul3A_500, %add3A_501 : i32
        %get3A_503 = arith.index_cast %add3A_502 : i32 to index
        %get3A_504 = tpu.vector_load %arg7[%get3A_503] {strides = array<i32>} : memref<10000xf32, #tpu.memory_space<vmem>>, vector<16xf32>,
        tpu.vector_store_idx %arg11[%get3A_496], %get3A_504 {add = true} : memref<10240xf32, #tpu.memory_space<vmem>>[vector<16xi32>], vector<16xf32>,
        %get3A_505 = arith.index_cast %add3A_502 : i32 to index
        %get3A_506 = tpu.vector_load %arg9[%get3A_505] {strides = array<i32>} : memref<10000xf32, #tpu.memory_space<vmem>>, vector<16xf32>,
        tpu.vector_store_idx %arg12[%get3A_496], %get3A_506 {add = true} : memref<10240xf32, #tpu.memory_space<vmem>>[vector<16xi32>], vector<16xf32>,
        %add3A_507 = arith.constant 4 : i32
        %add3A_508 = arith.addi %add3A_162, %add3A_507 : i32
        %get3A_509 = arith.index_cast %add3A_508 : i32 to index
        %get3A_510 = arith.constant 48 : index
        %get3A_511 = tpu.vector_load %arg5[%get3A_509, %get3A_510] {strides = array<i32>} : memref<125x80xi32, #tpu.memory_space<vmem>>, vector<16xi32>,
        %add3A_512 = arith.constant 4 : i32
        %add3A_513 = arith.addi %add3A_162, %add3A_512 : i32
        %mul3A_514 = arith.constant 80 : i32
        %mul3A_515 = arith.muli %add3A_513, %mul3A_514 : i32
        %add3A_516 = arith.constant 48 : i32
        %add3A_517 = arith.addi %mul3A_515, %add3A_516 : i32
        %get3A_518 = arith.index_cast %add3A_517 : i32 to index
        %get3A_519 = tpu.vector_load %arg7[%get3A_518] {strides = array<i32>} : memref<10000xf32, #tpu.memory_space<vmem>>, vector<16xf32>,
        tpu.vector_store_idx %arg11[%get3A_511], %get3A_519 {add = true} : memref<10240xf32, #tpu.memory_space<vmem>>[vector<16xi32>], vector<16xf32>,
        %get3A_520 = arith.index_cast %add3A_517 : i32 to index
        %get3A_521 = tpu.vector_load %arg9[%get3A_520] {strides = array<i32>} : memref<10000xf32, #tpu.memory_space<vmem>>, vector<16xf32>,
        tpu.vector_store_idx %arg12[%get3A_511], %get3A_521 {add = true} : memref<10240xf32, #tpu.memory_space<vmem>>[vector<16xi32>], vector<16xf32>,
        %add3A_522 = arith.constant 4 : i32
        %add3A_523 = arith.addi %add3A_162, %add3A_522 : i32
        %get3A_524 = arith.index_cast %add3A_523 : i32 to index
        %get3A_525 = arith.constant 64 : index
        %get3A_526 = tpu.vector_load %arg5[%get3A_524, %get3A_525] {strides = array<i32>} : memref<125x80xi32, #tpu.memory_space<vmem>>, vector<16xi32>,
        %add3A_527 = arith.constant 4 : i32
        %add3A_528 = arith.addi %add3A_162, %add3A_527 : i32
        %mul3A_529 = arith.constant 80 : i32
        %mul3A_530 = arith.muli %add3A_528, %mul3A_529 : i32
        %add3A_531 = arith.constant 64 : i32
        %add3A_532 = arith.addi %mul3A_530, %add3A_531 : i32
        %get3A_533 = arith.index_cast %add3A_532 : i32 to index
        %get3A_534 = tpu.vector_load %arg7[%get3A_533] {strides = array<i32>} : memref<10000xf32, #tpu.memory_space<vmem>>, vector<16xf32>,
        tpu.vector_store_idx %arg11[%get3A_526], %get3A_534 {add = true} : memref<10240xf32, #tpu.memory_space<vmem>>[vector<16xi32>], vector<16xf32>,
        %get3A_535 = arith.index_cast %add3A_532 : i32 to index
        %get3A_536 = tpu.vector_load %arg9[%get3A_535] {strides = array<i32>} : memref<10000xf32, #tpu.memory_space<vmem>>, vector<16xf32>,
        tpu.vector_store_idx %arg12[%get3A_526], %get3A_536 {add = true} : memref<10240xf32, #tpu.memory_space<vmem>>[vector<16xi32>], vector<16xf32>,
      }
      %scan3A_124 = arith.constant 25 : i32
      %dma_wait3A_125 = arith.constant 0 : i32
      %dma_wait3A_126 = arith.constant 0 : i32
      %dma_wait3A_127 = arith.constant 0 : i32
      %dma_wait3A_128 = tpu.memref_slice %arg3[%dma_wait3A_125, %dma_wait3A_126, %dma_wait3A_127] : memref<32x125x80xi32, #tpu.memory_space<hbm>> -> memref<1x125x80xi32, #tpu.memory_space<hbm>>
      %dma_wait3A_129 = tpu.memref_squeeze %dma_wait3A_128 : memref<1x125x80xi32, #tpu.memory_space<hbm>> -> memref<125x80xi32, #tpu.memory_space<hbm>>
      %dma_wait3A_130 = arith.constant 0 : i32
      %dma_wait3A_131 = arith.constant 0 : i32
      %dma_wait3A_132 = tpu.memref_slice %arg3[%dma_wait3A_125, %dma_wait3A_130, %dma_wait3A_131] : memref<32x125x80xi32, #tpu.memory_space<hbm>> -> memref<1x125x80xi32, #tpu.memory_space<hbm>>
      %dma_wait3A_133 = tpu.memref_squeeze %dma_wait3A_132 : memref<1x125x80xi32, #tpu.memory_space<hbm>> -> memref<125x80xi32, #tpu.memory_space<hbm>>
      tpu.wait_dma2 semaphore(%arg14 : memref<!tpu.dma_semaphore, #tpu.memory_space<semaphore_mem>>) src(%dma_wait3A_133 : memref<125x80xi32, #tpu.memory_space<hbm>>) dst(%arg6 : memref<125x80xi32, #tpu.memory_space<vmem>>)
      %dma_wait3A_134 = arith.constant 0 : i32
      %dma_wait3A_135 = arith.constant 0 : i32
      %dma_wait3A_136 = tpu.memref_slice %arg2[%dma_wait3A_134, %dma_wait3A_135] : memref<16x320000xf32, #tpu.memory_space<hbm>> -> memref<1x10000xf32, #tpu.memory_space<hbm>>
      %dma_wait3A_137 = tpu.memref_squeeze %dma_wait3A_136 : memref<1x10000xf32, #tpu.memory_space<hbm>> -> memref<10000xf32, #tpu.memory_space<hbm>>
      %dma_wait3A_138 = arith.constant 0 : i32
      %dma_wait3A_139 = tpu.memref_slice %arg2[%dma_wait3A_134, %dma_wait3A_138] : memref<16x320000xf32, #tpu.memory_space<hbm>> -> memref<1x10000xf32, #tpu.memory_space<hbm>>
      %dma_wait3A_140 = tpu.memref_squeeze %dma_wait3A_139 : memref<1x10000xf32, #tpu.memory_space<hbm>> -> memref<10000xf32, #tpu.memory_space<hbm>>
      tpu.wait_dma2 semaphore(%arg16 : memref<!tpu.dma_semaphore, #tpu.memory_space<semaphore_mem>>) src(%dma_wait3A_140 : memref<10000xf32, #tpu.memory_space<hbm>>) dst(%arg8 : memref<10000xf32, #tpu.memory_space<vmem>>)
      %dma_wait3A_141 = arith.constant 0 : i32
      %dma_wait3A_142 = arith.constant 0 : i32
      %dma_wait3A_143 = tpu.memref_slice %arg2[%dma_wait3A_141, %dma_wait3A_142] : memref<16x320000xf32, #tpu.memory_space<hbm>> -> memref<1x10000xf32, #tpu.memory_space<hbm>>
      %dma_wait3A_144 = tpu.memref_squeeze %dma_wait3A_143 : memref<1x10000xf32, #tpu.memory_space<hbm>> -> memref<10000xf32, #tpu.memory_space<hbm>>
      %dma_wait3A_145 = arith.constant 0 : i32
      %dma_wait3A_146 = tpu.memref_slice %arg2[%dma_wait3A_141, %dma_wait3A_145] : memref<16x320000xf32, #tpu.memory_space<hbm>> -> memref<1x10000xf32, #tpu.memory_space<hbm>>
      %dma_wait3A_147 = tpu.memref_squeeze %dma_wait3A_146 : memref<1x10000xf32, #tpu.memory_space<hbm>> -> memref<10000xf32, #tpu.memory_space<hbm>>
      tpu.wait_dma2 semaphore(%arg16 : memref<!tpu.dma_semaphore, #tpu.memory_space<semaphore_mem>>) src(%dma_wait3A_147 : memref<10000xf32, #tpu.memory_space<hbm>>) dst(%arg10 : memref<10000xf32, #tpu.memory_space<vmem>>)
      %add3A_148 = arith.constant 2 : i32
      %add3A_149 = arith.addi %mul3A_73, %add3A_148 : i32
      %lt3A_150 = arith.constant 8 : i32
      %lt3A_151 = arith.cmpi slt, %add3A_149, %lt3A_150 : i32
      %convert_element_type3A = arith.extui %lt3A_151 : i1 to i32
      %cond3A = arith.constant 0 : i32
      %cond3A_152 = arith.cmpi ne, %convert_element_type3A, %cond3A : i32
      scf.if %cond3A_152 {
        %add3A_158 = arith.constant 2 : i32
        %add3A_159 = arith.addi %mul3A_73, %add3A_158 : i32
        %add3A_160 = arith.addi %mul3A_32, %add3A_159 : i32
        %dma_start3A_161 = arith.constant 0 : i32
        %dma_start3A_162 = arith.constant 0 : i32
        %dma_start3A_163 = tpu.memref_slice %arg3[%add3A_160, %dma_start3A_161, %dma_start3A_162] : memref<32x125x80xi32, #tpu.memory_space<hbm>> -> memref<1x125x80xi32, #tpu.memory_space<hbm>>
        %dma_start3A_164 = tpu.memref_squeeze %dma_start3A_163 : memref<1x125x80xi32, #tpu.memory_space<hbm>> -> memref<125x80xi32, #tpu.memory_space<hbm>>
        %dma_start3A_165 = arith.constant 0 : i32
        %dma_start3A_166 = arith.constant 0 : i32
        %dma_start3A_167 = tpu.memref_slice %arg3[%add3A_160, %dma_start3A_165, %dma_start3A_166] : memref<32x125x80xi32, #tpu.memory_space<hbm>> -> memref<1x125x80xi32, #tpu.memory_space<hbm>>
        %dma_start3A_168 = tpu.memref_squeeze %dma_start3A_167 : memref<1x125x80xi32, #tpu.memory_space<hbm>> -> memref<125x80xi32, #tpu.memory_space<hbm>>
        tpu.enqueue_dma source(%dma_start3A_168 : memref<125x80xi32, #tpu.memory_space<hbm>>) target(%arg5 : memref<125x80xi32, #tpu.memory_space<vmem>>) target_semaphore(%arg13 : memref<!tpu.dma_semaphore, #tpu.memory_space<semaphore_mem>>)
        %add3A_169 = arith.addi %mul3A_32, %add3A_159 : i32
        %mul3A_170 = arith.constant 10000 : i32
        %mul3A_171 = arith.muli %add3A_169, %mul3A_170 : i32
        %dma_start3A_172 = tpu.memref_slice %arg2[%select_n3A_30, %mul3A_171] : memref<16x320000xf32, #tpu.memory_space<hbm>> -> memref<1x10000xf32, #tpu.memory_space<hbm>>
        %dma_start3A_173 = tpu.memref_squeeze %dma_start3A_172 : memref<1x10000xf32, #tpu.memory_space<hbm>> -> memref<10000xf32, #tpu.memory_space<hbm>>
        %dma_start3A_174 = tpu.memref_slice %arg2[%select_n3A_30, %mul3A_171] : memref<16x320000xf32, #tpu.memory_space<hbm>> -> memref<1x10000xf32, #tpu.memory_space<hbm>>
        %dma_start3A_175 = tpu.memref_squeeze %dma_start3A_174 : memref<1x10000xf32, #tpu.memory_space<hbm>> -> memref<10000xf32, #tpu.memory_space<hbm>>
        tpu.enqueue_dma source(%dma_start3A_175 : memref<10000xf32, #tpu.memory_space<hbm>>) target(%arg7 : memref<10000xf32, #tpu.memory_space<vmem>>) target_semaphore(%arg15 : memref<!tpu.dma_semaphore, #tpu.memory_space<semaphore_mem>>)
        %add3A_176 = arith.constant 8 : i32
        %add3A_177 = arith.addi %select_n3A_30, %add3A_176 : i32
        %dma_start3A_178 = tpu.memref_slice %arg2[%add3A_177, %mul3A_171] : memref<16x320000xf32, #tpu.memory_space<hbm>> -> memref<1x10000xf32, #tpu.memory_space<hbm>>
        %dma_start3A_179 = tpu.memref_squeeze %dma_start3A_178 : memref<1x10000xf32, #tpu.memory_space<hbm>> -> memref<10000xf32, #tpu.memory_space<hbm>>
        %dma_start3A_180 = tpu.memref_slice %arg2[%add3A_177, %mul3A_171] : memref<16x320000xf32, #tpu.memory_space<hbm>> -> memref<1x10000xf32, #tpu.memory_space<hbm>>
        %dma_start3A_181 = tpu.memref_squeeze %dma_start3A_180 : memref<1x10000xf32, #tpu.memory_space<hbm>> -> memref<10000xf32, #tpu.memory_space<hbm>>
        tpu.enqueue_dma source(%dma_start3A_181 : memref<10000xf32, #tpu.memory_space<hbm>>) target(%arg9 : memref<10000xf32, #tpu.memory_space<vmem>>) target_semaphore(%arg15 : memref<!tpu.dma_semaphore, #tpu.memory_space<semaphore_mem>>)
      } else {
      }
      %scan3A_153 = arith.constant 0 : i32
      %scan3A_154 = arith.constant 25 : i32
      %scan3A_155 = arith.addi %scan3A_153, %scan3A_154 : i32
      %scan3A_156 = arith.constant 1 : i32
      scf.for %scan3A_158 = %scan3A_153 to %scan3A_155 step %scan3A_156  : i32 {
        %mul3A_159 = arith.constant 5 : i32
        %mul3A_160 = arith.muli %scan3A_158, %mul3A_159 : i32
        %add3A_161 = arith.constant 0 : i32
        %add3A_162 = arith.addi %add3A_161, %mul3A_160 : i32
        %add3A_163 = arith.constant 0 : i32
        %add3A_164 = arith.addi %add3A_162, %add3A_163 : i32
        %get3A = arith.index_cast %add3A_164 : i32 to index
        %get3A_165 = arith.constant 0 : index
        %get3A_166 = tpu.vector_load %arg6[%get3A, %get3A_165] {strides = array<i32>} : memref<125x80xi32, #tpu.memory_space<vmem>>, vector<16xi32>,
        %add3A_167 = arith.constant 0 : i32
        %add3A_168 = arith.addi %add3A_162, %add3A_167 : i32
        %mul3A_169 = arith.constant 80 : i32
        %mul3A_170 = arith.muli %add3A_168, %mul3A_169 : i32
        %add3A_171 = arith.constant 0 : i32
        %add3A_172 = arith.addi %mul3A_170, %add3A_171 : i32
        %get3A_173 = arith.index_cast %add3A_172 : i32 to index
        %get3A_174 = tpu.vector_load %arg8[%get3A_173] {strides = array<i32>} : memref<10000xf32, #tpu.memory_space<vmem>>, vector<16xf32>,
        tpu.vector_store_idx %arg11[%get3A_166], %get3A_174 {add = true} : memref<10240xf32, #tpu.memory_space<vmem>>[vector<16xi32>], vector<16xf32>,
        %get3A_175 = arith.index_cast %add3A_172 : i32 to index
        %get3A_176 = tpu.vector_load %arg10[%get3A_175] {strides = array<i32>} : memref<10000xf32, #tpu.memory_space<vmem>>, vector<16xf32>,
        tpu.vector_store_idx %arg12[%get3A_166], %get3A_176 {add = true} : memref<10240xf32, #tpu.memory_space<vmem>>[vector<16xi32>], vector<16xf32>,
        %add3A_177 = arith.constant 0 : i32
        %add3A_178 = arith.addi %add3A_162, %add3A_177 : i32
        %get3A_179 = arith.index_cast %add3A_178 : i32 to index
        %get3A_180 = arith.constant 16 : index
        %get3A_181 = tpu.vector_load %arg6[%get3A_179, %get3A_180] {strides = array<i32>} : memref<125x80xi32, #tpu.memory_space<vmem>>, vector<16xi32>,
        %add3A_182 = arith.constant 0 : i32
        %add3A_183 = arith.addi %add3A_162, %add3A_182 : i32
        %mul3A_184 = arith.constant 80 : i32
        %mul3A_185 = arith.muli %add3A_183, %mul3A_184 : i32
        %add3A_186 = arith.constant 16 : i32
        %add3A_187 = arith.addi %mul3A_185, %add3A_186 : i32
        %get3A_188 = arith.index_cast %add3A_187 : i32 to index
        %get3A_189 = tpu.vector_load %arg8[%get3A_188] {strides = array<i32>} : memref<10000xf32, #tpu.memory_space<vmem>>, vector<16xf32>,
        tpu.vector_store_idx %arg11[%get3A_181], %get3A_189 {add = true} : memref<10240xf32, #tpu.memory_space<vmem>>[vector<16xi32>], vector<16xf32>,
        %get3A_190 = arith.index_cast %add3A_187 : i32 to index
        %get3A_191 = tpu.vector_load %arg10[%get3A_190] {strides = array<i32>} : memref<10000xf32, #tpu.memory_space<vmem>>, vector<16xf32>,
        tpu.vector_store_idx %arg12[%get3A_181], %get3A_191 {add = true} : memref<10240xf32, #tpu.memory_space<vmem>>[vector<16xi32>], vector<16xf32>,
        %add3A_192 = arith.constant 0 : i32
        %add3A_193 = arith.addi %add3A_162, %add3A_192 : i32
        %get3A_194 = arith.index_cast %add3A_193 : i32 to index
        %get3A_195 = arith.constant 32 : index
        %get3A_196 = tpu.vector_load %arg6[%get3A_194, %get3A_195] {strides = array<i32>} : memref<125x80xi32, #tpu.memory_space<vmem>>, vector<16xi32>,
        %add3A_197 = arith.constant 0 : i32
        %add3A_198 = arith.addi %add3A_162, %add3A_197 : i32
        %mul3A_199 = arith.constant 80 : i32
        %mul3A_200 = arith.muli %add3A_198, %mul3A_199 : i32
        %add3A_201 = arith.constant 32 : i32
        %add3A_202 = arith.addi %mul3A_200, %add3A_201 : i32
        %get3A_203 = arith.index_cast %add3A_202 : i32 to index
        %get3A_204 = tpu.vector_load %arg8[%get3A_203] {strides = array<i32>} : memref<10000xf32, #tpu.memory_space<vmem>>, vector<16xf32>,
        tpu.vector_store_idx %arg11[%get3A_196], %get3A_204 {add = true} : memref<10240xf32, #tpu.memory_space<vmem>>[vector<16xi32>], vector<16xf32>,
        %get3A_205 = arith.index_cast %add3A_202 : i32 to index
        %get3A_206 = tpu.vector_load %arg10[%get3A_205] {strides = array<i32>} : memref<10000xf32, #tpu.memory_space<vmem>>, vector<16xf32>,
        tpu.vector_store_idx %arg12[%get3A_196], %get3A_206 {add = true} : memref<10240xf32, #tpu.memory_space<vmem>>[vector<16xi32>], vector<16xf32>,
        %add3A_207 = arith.constant 0 : i32
        %add3A_208 = arith.addi %add3A_162, %add3A_207 : i32
        %get3A_209 = arith.index_cast %add3A_208 : i32 to index
        %get3A_210 = arith.constant 48 : index
        %get3A_211 = tpu.vector_load %arg6[%get3A_209, %get3A_210] {strides = array<i32>} : memref<125x80xi32, #tpu.memory_space<vmem>>, vector<16xi32>,
        %add3A_212 = arith.constant 0 : i32
        %add3A_213 = arith.addi %add3A_162, %add3A_212 : i32
        %mul3A_214 = arith.constant 80 : i32
        %mul3A_215 = arith.muli %add3A_213, %mul3A_214 : i32
        %add3A_216 = arith.constant 48 : i32
        %add3A_217 = arith.addi %mul3A_215, %add3A_216 : i32
        %get3A_218 = arith.index_cast %add3A_217 : i32 to index
        %get3A_219 = tpu.vector_load %arg8[%get3A_218] {strides = array<i32>} : memref<10000xf32, #tpu.memory_space<vmem>>, vector<16xf32>,
        tpu.vector_store_idx %arg11[%get3A_211], %get3A_219 {add = true} : memref<10240xf32, #tpu.memory_space<vmem>>[vector<16xi32>], vector<16xf32>,
        %get3A_220 = arith.index_cast %add3A_217 : i32 to index
        %get3A_221 = tpu.vector_load %arg10[%get3A_220] {strides = array<i32>} : memref<10000xf32, #tpu.memory_space<vmem>>, vector<16xf32>,
        tpu.vector_store_idx %arg12[%get3A_211], %get3A_221 {add = true} : memref<10240xf32, #tpu.memory_space<vmem>>[vector<16xi32>], vector<16xf32>,
        %add3A_222 = arith.constant 0 : i32
        %add3A_223 = arith.addi %add3A_162, %add3A_222 : i32
        %get3A_224 = arith.index_cast %add3A_223 : i32 to index
        %get3A_225 = arith.constant 64 : index
        %get3A_226 = tpu.vector_load %arg6[%get3A_224, %get3A_225] {strides = array<i32>} : memref<125x80xi32, #tpu.memory_space<vmem>>, vector<16xi32>,
        %add3A_227 = arith.constant 0 : i32
        %add3A_228 = arith.addi %add3A_162, %add3A_227 : i32
        %mul3A_229 = arith.constant 80 : i32
        %mul3A_230 = arith.muli %add3A_228, %mul3A_229 : i32
        %add3A_231 = arith.constant 64 : i32
        %add3A_232 = arith.addi %mul3A_230, %add3A_231 : i32
        %get3A_233 = arith.index_cast %add3A_232 : i32 to index
        %get3A_234 = tpu.vector_load %arg8[%get3A_233] {strides = array<i32>} : memref<10000xf32, #tpu.memory_space<vmem>>, vector<16xf32>,
        tpu.vector_store_idx %arg11[%get3A_226], %get3A_234 {add = true} : memref<10240xf32, #tpu.memory_space<vmem>>[vector<16xi32>], vector<16xf32>,
        %get3A_235 = arith.index_cast %add3A_232 : i32 to index
        %get3A_236 = tpu.vector_load %arg10[%get3A_235] {strides = array<i32>} : memref<10000xf32, #tpu.memory_space<vmem>>, vector<16xf32>,
        tpu.vector_store_idx %arg12[%get3A_226], %get3A_236 {add = true} : memref<10240xf32, #tpu.memory_space<vmem>>[vector<16xi32>], vector<16xf32>,
        %add3A_237 = arith.constant 1 : i32
        %add3A_238 = arith.addi %add3A_162, %add3A_237 : i32
        %get3A_239 = arith.index_cast %add3A_238 : i32 to index
        %get3A_240 = arith.constant 0 : index
        %get3A_241 = tpu.vector_load %arg6[%get3A_239, %get3A_240] {strides = array<i32>} : memref<125x80xi32, #tpu.memory_space<vmem>>, vector<16xi32>,
        %add3A_242 = arith.constant 1 : i32
        %add3A_243 = arith.addi %add3A_162, %add3A_242 : i32
        %mul3A_244 = arith.constant 80 : i32
        %mul3A_245 = arith.muli %add3A_243, %mul3A_244 : i32
        %add3A_246 = arith.constant 0 : i32
        %add3A_247 = arith.addi %mul3A_245, %add3A_246 : i32
        %get3A_248 = arith.index_cast %add3A_247 : i32 to index
        %get3A_249 = tpu.vector_load %arg8[%get3A_248] {strides = array<i32>} : memref<10000xf32, #tpu.memory_space<vmem>>, vector<16xf32>,
        tpu.vector_store_idx %arg11[%get3A_241], %get3A_249 {add = true} : memref<10240xf32, #tpu.memory_space<vmem>>[vector<16xi32>], vector<16xf32>,
        %get3A_250 = arith.index_cast %add3A_247 : i32 to index
        %get3A_251 = tpu.vector_load %arg10[%get3A_250] {strides = array<i32>} : memref<10000xf32, #tpu.memory_space<vmem>>, vector<16xf32>,
        tpu.vector_store_idx %arg12[%get3A_241], %get3A_251 {add = true} : memref<10240xf32, #tpu.memory_space<vmem>>[vector<16xi32>], vector<16xf32>,
        %add3A_252 = arith.constant 1 : i32
        %add3A_253 = arith.addi %add3A_162, %add3A_252 : i32
        %get3A_254 = arith.index_cast %add3A_253 : i32 to index
        %get3A_255 = arith.constant 16 : index
        %get3A_256 = tpu.vector_load %arg6[%get3A_254, %get3A_255] {strides = array<i32>} : memref<125x80xi32, #tpu.memory_space<vmem>>, vector<16xi32>,
        %add3A_257 = arith.constant 1 : i32
        %add3A_258 = arith.addi %add3A_162, %add3A_257 : i32
        %mul3A_259 = arith.constant 80 : i32
        %mul3A_260 = arith.muli %add3A_258, %mul3A_259 : i32
        %add3A_261 = arith.constant 16 : i32
        %add3A_262 = arith.addi %mul3A_260, %add3A_261 : i32
        %get3A_263 = arith.index_cast %add3A_262 : i32 to index
        %get3A_264 = tpu.vector_load %arg8[%get3A_263] {strides = array<i32>} : memref<10000xf32, #tpu.memory_space<vmem>>, vector<16xf32>,
        tpu.vector_store_idx %arg11[%get3A_256], %get3A_264 {add = true} : memref<10240xf32, #tpu.memory_space<vmem>>[vector<16xi32>], vector<16xf32>,
        %get3A_265 = arith.index_cast %add3A_262 : i32 to index
        %get3A_266 = tpu.vector_load %arg10[%get3A_265] {strides = array<i32>} : memref<10000xf32, #tpu.memory_space<vmem>>, vector<16xf32>,
        tpu.vector_store_idx %arg12[%get3A_256], %get3A_266 {add = true} : memref<10240xf32, #tpu.memory_space<vmem>>[vector<16xi32>], vector<16xf32>,
        %add3A_267 = arith.constant 1 : i32
        %add3A_268 = arith.addi %add3A_162, %add3A_267 : i32
        %get3A_269 = arith.index_cast %add3A_268 : i32 to index
        %get3A_270 = arith.constant 32 : index
        %get3A_271 = tpu.vector_load %arg6[%get3A_269, %get3A_270] {strides = array<i32>} : memref<125x80xi32, #tpu.memory_space<vmem>>, vector<16xi32>,
        %add3A_272 = arith.constant 1 : i32
        %add3A_273 = arith.addi %add3A_162, %add3A_272 : i32
        %mul3A_274 = arith.constant 80 : i32
        %mul3A_275 = arith.muli %add3A_273, %mul3A_274 : i32
        %add3A_276 = arith.constant 32 : i32
        %add3A_277 = arith.addi %mul3A_275, %add3A_276 : i32
        %get3A_278 = arith.index_cast %add3A_277 : i32 to index
        %get3A_279 = tpu.vector_load %arg8[%get3A_278] {strides = array<i32>} : memref<10000xf32, #tpu.memory_space<vmem>>, vector<16xf32>,
        tpu.vector_store_idx %arg11[%get3A_271], %get3A_279 {add = true} : memref<10240xf32, #tpu.memory_space<vmem>>[vector<16xi32>], vector<16xf32>,
        %get3A_280 = arith.index_cast %add3A_277 : i32 to index
        %get3A_281 = tpu.vector_load %arg10[%get3A_280] {strides = array<i32>} : memref<10000xf32, #tpu.memory_space<vmem>>, vector<16xf32>,
        tpu.vector_store_idx %arg12[%get3A_271], %get3A_281 {add = true} : memref<10240xf32, #tpu.memory_space<vmem>>[vector<16xi32>], vector<16xf32>,
        %add3A_282 = arith.constant 1 : i32
        %add3A_283 = arith.addi %add3A_162, %add3A_282 : i32
        %get3A_284 = arith.index_cast %add3A_283 : i32 to index
        %get3A_285 = arith.constant 48 : index
        %get3A_286 = tpu.vector_load %arg6[%get3A_284, %get3A_285] {strides = array<i32>} : memref<125x80xi32, #tpu.memory_space<vmem>>, vector<16xi32>,
        %add3A_287 = arith.constant 1 : i32
        %add3A_288 = arith.addi %add3A_162, %add3A_287 : i32
        %mul3A_289 = arith.constant 80 : i32
        %mul3A_290 = arith.muli %add3A_288, %mul3A_289 : i32
        %add3A_291 = arith.constant 48 : i32
        %add3A_292 = arith.addi %mul3A_290, %add3A_291 : i32
        %get3A_293 = arith.index_cast %add3A_292 : i32 to index
        %get3A_294 = tpu.vector_load %arg8[%get3A_293] {strides = array<i32>} : memref<10000xf32, #tpu.memory_space<vmem>>, vector<16xf32>,
        tpu.vector_store_idx %arg11[%get3A_286], %get3A_294 {add = true} : memref<10240xf32, #tpu.memory_space<vmem>>[vector<16xi32>], vector<16xf32>,
        %get3A_295 = arith.index_cast %add3A_292 : i32 to index
        %get3A_296 = tpu.vector_load %arg10[%get3A_295] {strides = array<i32>} : memref<10000xf32, #tpu.memory_space<vmem>>, vector<16xf32>,
        tpu.vector_store_idx %arg12[%get3A_286], %get3A_296 {add = true} : memref<10240xf32, #tpu.memory_space<vmem>>[vector<16xi32>], vector<16xf32>,
        %add3A_297 = arith.constant 1 : i32
        %add3A_298 = arith.addi %add3A_162, %add3A_297 : i32
        %get3A_299 = arith.index_cast %add3A_298 : i32 to index
        %get3A_300 = arith.constant 64 : index
        %get3A_301 = tpu.vector_load %arg6[%get3A_299, %get3A_300] {strides = array<i32>} : memref<125x80xi32, #tpu.memory_space<vmem>>, vector<16xi32>,
        %add3A_302 = arith.constant 1 : i32
        %add3A_303 = arith.addi %add3A_162, %add3A_302 : i32
        %mul3A_304 = arith.constant 80 : i32
        %mul3A_305 = arith.muli %add3A_303, %mul3A_304 : i32
        %add3A_306 = arith.constant 64 : i32
        %add3A_307 = arith.addi %mul3A_305, %add3A_306 : i32
        %get3A_308 = arith.index_cast %add3A_307 : i32 to index
        %get3A_309 = tpu.vector_load %arg8[%get3A_308] {strides = array<i32>} : memref<10000xf32, #tpu.memory_space<vmem>>, vector<16xf32>,
        tpu.vector_store_idx %arg11[%get3A_301], %get3A_309 {add = true} : memref<10240xf32, #tpu.memory_space<vmem>>[vector<16xi32>], vector<16xf32>,
        %get3A_310 = arith.index_cast %add3A_307 : i32 to index
        %get3A_311 = tpu.vector_load %arg10[%get3A_310] {strides = array<i32>} : memref<10000xf32, #tpu.memory_space<vmem>>, vector<16xf32>,
        tpu.vector_store_idx %arg12[%get3A_301], %get3A_311 {add = true} : memref<10240xf32, #tpu.memory_space<vmem>>[vector<16xi32>], vector<16xf32>,
        %add3A_312 = arith.constant 2 : i32
        %add3A_313 = arith.addi %add3A_162, %add3A_312 : i32
        %get3A_314 = arith.index_cast %add3A_313 : i32 to index
        %get3A_315 = arith.constant 0 : index
        %get3A_316 = tpu.vector_load %arg6[%get3A_314, %get3A_315] {strides = array<i32>} : memref<125x80xi32, #tpu.memory_space<vmem>>, vector<16xi32>,
        %add3A_317 = arith.constant 2 : i32
        %add3A_318 = arith.addi %add3A_162, %add3A_317 : i32
        %mul3A_319 = arith.constant 80 : i32
        %mul3A_320 = arith.muli %add3A_318, %mul3A_319 : i32
        %add3A_321 = arith.constant 0 : i32
        %add3A_322 = arith.addi %mul3A_320, %add3A_321 : i32
        %get3A_323 = arith.index_cast %add3A_322 : i32 to index
        %get3A_324 = tpu.vector_load %arg8[%get3A_323] {strides = array<i32>} : memref<10000xf32, #tpu.memory_space<vmem>>, vector<16xf32>,
        tpu.vector_store_idx %arg11[%get3A_316], %get3A_324 {add = true} : memref<10240xf32, #tpu.memory_space<vmem>>[vector<16xi32>], vector<16xf32>,
        %get3A_325 = arith.index_cast %add3A_322 : i32 to index
        %get3A_326 = tpu.vector_load %arg10[%get3A_325] {strides = array<i32>} : memref<10000xf32, #tpu.memory_space<vmem>>, vector<16xf32>,
        tpu.vector_store_idx %arg12[%get3A_316], %get3A_326 {add = true} : memref<10240xf32, #tpu.memory_space<vmem>>[vector<16xi32>], vector<16xf32>,
        %add3A_327 = arith.constant 2 : i32
        %add3A_328 = arith.addi %add3A_162, %add3A_327 : i32
        %get3A_329 = arith.index_cast %add3A_328 : i32 to index
        %get3A_330 = arith.constant 16 : index
        %get3A_331 = tpu.vector_load %arg6[%get3A_329, %get3A_330] {strides = array<i32>} : memref<125x80xi32, #tpu.memory_space<vmem>>, vector<16xi32>,
        %add3A_332 = arith.constant 2 : i32
        %add3A_333 = arith.addi %add3A_162, %add3A_332 : i32
        %mul3A_334 = arith.constant 80 : i32
        %mul3A_335 = arith.muli %add3A_333, %mul3A_334 : i32
        %add3A_336 = arith.constant 16 : i32
        %add3A_337 = arith.addi %mul3A_335, %add3A_336 : i32
        %get3A_338 = arith.index_cast %add3A_337 : i32 to index
        %get3A_339 = tpu.vector_load %arg8[%get3A_338] {strides = array<i32>} : memref<10000xf32, #tpu.memory_space<vmem>>, vector<16xf32>,
        tpu.vector_store_idx %arg11[%get3A_331], %get3A_339 {add = true} : memref<10240xf32, #tpu.memory_space<vmem>>[vector<16xi32>], vector<16xf32>,
        %get3A_340 = arith.index_cast %add3A_337 : i32 to index
        %get3A_341 = tpu.vector_load %arg10[%get3A_340] {strides = array<i32>} : memref<10000xf32, #tpu.memory_space<vmem>>, vector<16xf32>,
        tpu.vector_store_idx %arg12[%get3A_331], %get3A_341 {add = true} : memref<10240xf32, #tpu.memory_space<vmem>>[vector<16xi32>], vector<16xf32>,
        %add3A_342 = arith.constant 2 : i32
        %add3A_343 = arith.addi %add3A_162, %add3A_342 : i32
        %get3A_344 = arith.index_cast %add3A_343 : i32 to index
        %get3A_345 = arith.constant 32 : index
        %get3A_346 = tpu.vector_load %arg6[%get3A_344, %get3A_345] {strides = array<i32>} : memref<125x80xi32, #tpu.memory_space<vmem>>, vector<16xi32>,
        %add3A_347 = arith.constant 2 : i32
        %add3A_348 = arith.addi %add3A_162, %add3A_347 : i32
        %mul3A_349 = arith.constant 80 : i32
        %mul3A_350 = arith.muli %add3A_348, %mul3A_349 : i32
        %add3A_351 = arith.constant 32 : i32
        %add3A_352 = arith.addi %mul3A_350, %add3A_351 : i32
        %get3A_353 = arith.index_cast %add3A_352 : i32 to index
        %get3A_354 = tpu.vector_load %arg8[%get3A_353] {strides = array<i32>} : memref<10000xf32, #tpu.memory_space<vmem>>, vector<16xf32>,
        tpu.vector_store_idx %arg11[%get3A_346], %get3A_354 {add = true} : memref<10240xf32, #tpu.memory_space<vmem>>[vector<16xi32>], vector<16xf32>,
        %get3A_355 = arith.index_cast %add3A_352 : i32 to index
        %get3A_356 = tpu.vector_load %arg10[%get3A_355] {strides = array<i32>} : memref<10000xf32, #tpu.memory_space<vmem>>, vector<16xf32>,
        tpu.vector_store_idx %arg12[%get3A_346], %get3A_356 {add = true} : memref<10240xf32, #tpu.memory_space<vmem>>[vector<16xi32>], vector<16xf32>,
        %add3A_357 = arith.constant 2 : i32
        %add3A_358 = arith.addi %add3A_162, %add3A_357 : i32
        %get3A_359 = arith.index_cast %add3A_358 : i32 to index
        %get3A_360 = arith.constant 48 : index
        %get3A_361 = tpu.vector_load %arg6[%get3A_359, %get3A_360] {strides = array<i32>} : memref<125x80xi32, #tpu.memory_space<vmem>>, vector<16xi32>,
        %add3A_362 = arith.constant 2 : i32
        %add3A_363 = arith.addi %add3A_162, %add3A_362 : i32
        %mul3A_364 = arith.constant 80 : i32
        %mul3A_365 = arith.muli %add3A_363, %mul3A_364 : i32
        %add3A_366 = arith.constant 48 : i32
        %add3A_367 = arith.addi %mul3A_365, %add3A_366 : i32
        %get3A_368 = arith.index_cast %add3A_367 : i32 to index
        %get3A_369 = tpu.vector_load %arg8[%get3A_368] {strides = array<i32>} : memref<10000xf32, #tpu.memory_space<vmem>>, vector<16xf32>,
        tpu.vector_store_idx %arg11[%get3A_361], %get3A_369 {add = true} : memref<10240xf32, #tpu.memory_space<vmem>>[vector<16xi32>], vector<16xf32>,
        %get3A_370 = arith.index_cast %add3A_367 : i32 to index
        %get3A_371 = tpu.vector_load %arg10[%get3A_370] {strides = array<i32>} : memref<10000xf32, #tpu.memory_space<vmem>>, vector<16xf32>,
        tpu.vector_store_idx %arg12[%get3A_361], %get3A_371 {add = true} : memref<10240xf32, #tpu.memory_space<vmem>>[vector<16xi32>], vector<16xf32>,
        %add3A_372 = arith.constant 2 : i32
        %add3A_373 = arith.addi %add3A_162, %add3A_372 : i32
        %get3A_374 = arith.index_cast %add3A_373 : i32 to index
        %get3A_375 = arith.constant 64 : index
        %get3A_376 = tpu.vector_load %arg6[%get3A_374, %get3A_375] {strides = array<i32>} : memref<125x80xi32, #tpu.memory_space<vmem>>, vector<16xi32>,
        %add3A_377 = arith.constant 2 : i32
        %add3A_378 = arith.addi %add3A_162, %add3A_377 : i32
        %mul3A_379 = arith.constant 80 : i32
        %mul3A_380 = arith.muli %add3A_378, %mul3A_379 : i32
        %add3A_381 = arith.constant 64 : i32
        %add3A_382 = arith.addi %mul3A_380, %add3A_381 : i32
        %get3A_383 = arith.index_cast %add3A_382 : i32 to index
        %get3A_384 = tpu.vector_load %arg8[%get3A_383] {strides = array<i32>} : memref<10000xf32, #tpu.memory_space<vmem>>, vector<16xf32>,
        tpu.vector_store_idx %arg11[%get3A_376], %get3A_384 {add = true} : memref<10240xf32, #tpu.memory_space<vmem>>[vector<16xi32>], vector<16xf32>,
        %get3A_385 = arith.index_cast %add3A_382 : i32 to index
        %get3A_386 = tpu.vector_load %arg10[%get3A_385] {strides = array<i32>} : memref<10000xf32, #tpu.memory_space<vmem>>, vector<16xf32>,
        tpu.vector_store_idx %arg12[%get3A_376], %get3A_386 {add = true} : memref<10240xf32, #tpu.memory_space<vmem>>[vector<16xi32>], vector<16xf32>,
        %add3A_387 = arith.constant 3 : i32
        %add3A_388 = arith.addi %add3A_162, %add3A_387 : i32
        %get3A_389 = arith.index_cast %add3A_388 : i32 to index
        %get3A_390 = arith.constant 0 : index
        %get3A_391 = tpu.vector_load %arg6[%get3A_389, %get3A_390] {strides = array<i32>} : memref<125x80xi32, #tpu.memory_space<vmem>>, vector<16xi32>,
        %add3A_392 = arith.constant 3 : i32
        %add3A_393 = arith.addi %add3A_162, %add3A_392 : i32
        %mul3A_394 = arith.constant 80 : i32
        %mul3A_395 = arith.muli %add3A_393, %mul3A_394 : i32
        %add3A_396 = arith.constant 0 : i32
        %add3A_397 = arith.addi %mul3A_395, %add3A_396 : i32
        %get3A_398 = arith.index_cast %add3A_397 : i32 to index
        %get3A_399 = tpu.vector_load %arg8[%get3A_398] {strides = array<i32>} : memref<10000xf32, #tpu.memory_space<vmem>>, vector<16xf32>,
        tpu.vector_store_idx %arg11[%get3A_391], %get3A_399 {add = true} : memref<10240xf32, #tpu.memory_space<vmem>>[vector<16xi32>], vector<16xf32>,
        %get3A_400 = arith.index_cast %add3A_397 : i32 to index
        %get3A_401 = tpu.vector_load %arg10[%get3A_400] {strides = array<i32>} : memref<10000xf32, #tpu.memory_space<vmem>>, vector<16xf32>,
        tpu.vector_store_idx %arg12[%get3A_391], %get3A_401 {add = true} : memref<10240xf32, #tpu.memory_space<vmem>>[vector<16xi32>], vector<16xf32>,
        %add3A_402 = arith.constant 3 : i32
        %add3A_403 = arith.addi %add3A_162, %add3A_402 : i32
        %get3A_404 = arith.index_cast %add3A_403 : i32 to index
        %get3A_405 = arith.constant 16 : index
        %get3A_406 = tpu.vector_load %arg6[%get3A_404, %get3A_405] {strides = array<i32>} : memref<125x80xi32, #tpu.memory_space<vmem>>, vector<16xi32>,
        %add3A_407 = arith.constant 3 : i32
        %add3A_408 = arith.addi %add3A_162, %add3A_407 : i32
        %mul3A_409 = arith.constant 80 : i32
        %mul3A_410 = arith.muli %add3A_408, %mul3A_409 : i32
        %add3A_411 = arith.constant 16 : i32
        %add3A_412 = arith.addi %mul3A_410, %add3A_411 : i32
        %get3A_413 = arith.index_cast %add3A_412 : i32 to index
        %get3A_414 = tpu.vector_load %arg8[%get3A_413] {strides = array<i32>} : memref<10000xf32, #tpu.memory_space<vmem>>, vector<16xf32>,
        tpu.vector_store_idx %arg11[%get3A_406], %get3A_414 {add = true} : memref<10240xf32, #tpu.memory_space<vmem>>[vector<16xi32>], vector<16xf32>,
        %get3A_415 = arith.index_cast %add3A_412 : i32 to index
        %get3A_416 = tpu.vector_load %arg10[%get3A_415] {strides = array<i32>} : memref<10000xf32, #tpu.memory_space<vmem>>, vector<16xf32>,
        tpu.vector_store_idx %arg12[%get3A_406], %get3A_416 {add = true} : memref<10240xf32, #tpu.memory_space<vmem>>[vector<16xi32>], vector<16xf32>,
        %add3A_417 = arith.constant 3 : i32
        %add3A_418 = arith.addi %add3A_162, %add3A_417 : i32
        %get3A_419 = arith.index_cast %add3A_418 : i32 to index
        %get3A_420 = arith.constant 32 : index
        %get3A_421 = tpu.vector_load %arg6[%get3A_419, %get3A_420] {strides = array<i32>} : memref<125x80xi32, #tpu.memory_space<vmem>>, vector<16xi32>,
        %add3A_422 = arith.constant 3 : i32
        %add3A_423 = arith.addi %add3A_162, %add3A_422 : i32
        %mul3A_424 = arith.constant 80 : i32
        %mul3A_425 = arith.muli %add3A_423, %mul3A_424 : i32
        %add3A_426 = arith.constant 32 : i32
        %add3A_427 = arith.addi %mul3A_425, %add3A_426 : i32
        %get3A_428 = arith.index_cast %add3A_427 : i32 to index
        %get3A_429 = tpu.vector_load %arg8[%get3A_428] {strides = array<i32>} : memref<10000xf32, #tpu.memory_space<vmem>>, vector<16xf32>,
        tpu.vector_store_idx %arg11[%get3A_421], %get3A_429 {add = true} : memref<10240xf32, #tpu.memory_space<vmem>>[vector<16xi32>], vector<16xf32>,
        %get3A_430 = arith.index_cast %add3A_427 : i32 to index
        %get3A_431 = tpu.vector_load %arg10[%get3A_430] {strides = array<i32>} : memref<10000xf32, #tpu.memory_space<vmem>>, vector<16xf32>,
        tpu.vector_store_idx %arg12[%get3A_421], %get3A_431 {add = true} : memref<10240xf32, #tpu.memory_space<vmem>>[vector<16xi32>], vector<16xf32>,
        %add3A_432 = arith.constant 3 : i32
        %add3A_433 = arith.addi %add3A_162, %add3A_432 : i32
        %get3A_434 = arith.index_cast %add3A_433 : i32 to index
        %get3A_435 = arith.constant 48 : index
        %get3A_436 = tpu.vector_load %arg6[%get3A_434, %get3A_435] {strides = array<i32>} : memref<125x80xi32, #tpu.memory_space<vmem>>, vector<16xi32>,
        %add3A_437 = arith.constant 3 : i32
        %add3A_438 = arith.addi %add3A_162, %add3A_437 : i32
        %mul3A_439 = arith.constant 80 : i32
        %mul3A_440 = arith.muli %add3A_438, %mul3A_439 : i32
        %add3A_441 = arith.constant 48 : i32
        %add3A_442 = arith.addi %mul3A_440, %add3A_441 : i32
        %get3A_443 = arith.index_cast %add3A_442 : i32 to index
        %get3A_444 = tpu.vector_load %arg8[%get3A_443] {strides = array<i32>} : memref<10000xf32, #tpu.memory_space<vmem>>, vector<16xf32>,
        tpu.vector_store_idx %arg11[%get3A_436], %get3A_444 {add = true} : memref<10240xf32, #tpu.memory_space<vmem>>[vector<16xi32>], vector<16xf32>,
        %get3A_445 = arith.index_cast %add3A_442 : i32 to index
        %get3A_446 = tpu.vector_load %arg10[%get3A_445] {strides = array<i32>} : memref<10000xf32, #tpu.memory_space<vmem>>, vector<16xf32>,
        tpu.vector_store_idx %arg12[%get3A_436], %get3A_446 {add = true} : memref<10240xf32, #tpu.memory_space<vmem>>[vector<16xi32>], vector<16xf32>,
        %add3A_447 = arith.constant 3 : i32
        %add3A_448 = arith.addi %add3A_162, %add3A_447 : i32
        %get3A_449 = arith.index_cast %add3A_448 : i32 to index
        %get3A_450 = arith.constant 64 : index
        %get3A_451 = tpu.vector_load %arg6[%get3A_449, %get3A_450] {strides = array<i32>} : memref<125x80xi32, #tpu.memory_space<vmem>>, vector<16xi32>,
        %add3A_452 = arith.constant 3 : i32
        %add3A_453 = arith.addi %add3A_162, %add3A_452 : i32
        %mul3A_454 = arith.constant 80 : i32
        %mul3A_455 = arith.muli %add3A_453, %mul3A_454 : i32
        %add3A_456 = arith.constant 64 : i32
        %add3A_457 = arith.addi %mul3A_455, %add3A_456 : i32
        %get3A_458 = arith.index_cast %add3A_457 : i32 to index
        %get3A_459 = tpu.vector_load %arg8[%get3A_458] {strides = array<i32>} : memref<10000xf32, #tpu.memory_space<vmem>>, vector<16xf32>,
        tpu.vector_store_idx %arg11[%get3A_451], %get3A_459 {add = true} : memref<10240xf32, #tpu.memory_space<vmem>>[vector<16xi32>], vector<16xf32>,
        %get3A_460 = arith.index_cast %add3A_457 : i32 to index
        %get3A_461 = tpu.vector_load %arg10[%get3A_460] {strides = array<i32>} : memref<10000xf32, #tpu.memory_space<vmem>>, vector<16xf32>,
        tpu.vector_store_idx %arg12[%get3A_451], %get3A_461 {add = true} : memref<10240xf32, #tpu.memory_space<vmem>>[vector<16xi32>], vector<16xf32>,
        %add3A_462 = arith.constant 4 : i32
        %add3A_463 = arith.addi %add3A_162, %add3A_462 : i32
        %get3A_464 = arith.index_cast %add3A_463 : i32 to index
        %get3A_465 = arith.constant 0 : index
        %get3A_466 = tpu.vector_load %arg6[%get3A_464, %get3A_465] {strides = array<i32>} : memref<125x80xi32, #tpu.memory_space<vmem>>, vector<16xi32>,
        %add3A_467 = arith.constant 4 : i32
        %add3A_468 = arith.addi %add3A_162, %add3A_467 : i32
        %mul3A_469 = arith.constant 80 : i32
        %mul3A_470 = arith.muli %add3A_468, %mul3A_469 : i32
        %add3A_471 = arith.constant 0 : i32
        %add3A_472 = arith.addi %mul3A_470, %add3A_471 : i32
        %get3A_473 = arith.index_cast %add3A_472 : i32 to index
        %get3A_474 = tpu.vector_load %arg8[%get3A_473] {strides = array<i32>} : memref<10000xf32, #tpu.memory_space<vmem>>, vector<16xf32>,
        tpu.vector_store_idx %arg11[%get3A_466], %get3A_474 {add = true} : memref<10240xf32, #tpu.memory_space<vmem>>[vector<16xi32>], vector<16xf32>,
        %get3A_475 = arith.index_cast %add3A_472 : i32 to index
        %get3A_476 = tpu.vector_load %arg10[%get3A_475] {strides = array<i32>} : memref<10000xf32, #tpu.memory_space<vmem>>, vector<16xf32>,
        tpu.vector_store_idx %arg12[%get3A_466], %get3A_476 {add = true} : memref<10240xf32, #tpu.memory_space<vmem>>[vector<16xi32>], vector<16xf32>,
        %add3A_477 = arith.constant 4 : i32
        %add3A_478 = arith.addi %add3A_162, %add3A_477 : i32
        %get3A_479 = arith.index_cast %add3A_478 : i32 to index
        %get3A_480 = arith.constant 16 : index
        %get3A_481 = tpu.vector_load %arg6[%get3A_479, %get3A_480] {strides = array<i32>} : memref<125x80xi32, #tpu.memory_space<vmem>>, vector<16xi32>,
        %add3A_482 = arith.constant 4 : i32
        %add3A_483 = arith.addi %add3A_162, %add3A_482 : i32
        %mul3A_484 = arith.constant 80 : i32
        %mul3A_485 = arith.muli %add3A_483, %mul3A_484 : i32
        %add3A_486 = arith.constant 16 : i32
        %add3A_487 = arith.addi %mul3A_485, %add3A_486 : i32
        %get3A_488 = arith.index_cast %add3A_487 : i32 to index
        %get3A_489 = tpu.vector_load %arg8[%get3A_488] {strides = array<i32>} : memref<10000xf32, #tpu.memory_space<vmem>>, vector<16xf32>,
        tpu.vector_store_idx %arg11[%get3A_481], %get3A_489 {add = true} : memref<10240xf32, #tpu.memory_space<vmem>>[vector<16xi32>], vector<16xf32>,
        %get3A_490 = arith.index_cast %add3A_487 : i32 to index
        %get3A_491 = tpu.vector_load %arg10[%get3A_490] {strides = array<i32>} : memref<10000xf32, #tpu.memory_space<vmem>>, vector<16xf32>,
        tpu.vector_store_idx %arg12[%get3A_481], %get3A_491 {add = true} : memref<10240xf32, #tpu.memory_space<vmem>>[vector<16xi32>], vector<16xf32>,
        %add3A_492 = arith.constant 4 : i32
        %add3A_493 = arith.addi %add3A_162, %add3A_492 : i32
        %get3A_494 = arith.index_cast %add3A_493 : i32 to index
        %get3A_495 = arith.constant 32 : index
        %get3A_496 = tpu.vector_load %arg6[%get3A_494, %get3A_495] {strides = array<i32>} : memref<125x80xi32, #tpu.memory_space<vmem>>, vector<16xi32>,
        %add3A_497 = arith.constant 4 : i32
        %add3A_498 = arith.addi %add3A_162, %add3A_497 : i32
        %mul3A_499 = arith.constant 80 : i32
        %mul3A_500 = arith.muli %add3A_498, %mul3A_499 : i32
        %add3A_501 = arith.constant 32 : i32
        %add3A_502 = arith.addi %mul3A_500, %add3A_501 : i32
        %get3A_503 = arith.index_cast %add3A_502 : i32 to index
        %get3A_504 = tpu.vector_load %arg8[%get3A_503] {strides = array<i32>} : memref<10000xf32, #tpu.memory_space<vmem>>, vector<16xf32>,
        tpu.vector_store_idx %arg11[%get3A_496], %get3A_504 {add = true} : memref<10240xf32, #tpu.memory_space<vmem>>[vector<16xi32>], vector<16xf32>,
        %get3A_505 = arith.index_cast %add3A_502 : i32 to index
        %get3A_506 = tpu.vector_load %arg10[%get3A_505] {strides = array<i32>} : memref<10000xf32, #tpu.memory_space<vmem>>, vector<16xf32>,
        tpu.vector_store_idx %arg12[%get3A_496], %get3A_506 {add = true} : memref<10240xf32, #tpu.memory_space<vmem>>[vector<16xi32>], vector<16xf32>,
        %add3A_507 = arith.constant 4 : i32
        %add3A_508 = arith.addi %add3A_162, %add3A_507 : i32
        %get3A_509 = arith.index_cast %add3A_508 : i32 to index
        %get3A_510 = arith.constant 48 : index
        %get3A_511 = tpu.vector_load %arg6[%get3A_509, %get3A_510] {strides = array<i32>} : memref<125x80xi32, #tpu.memory_space<vmem>>, vector<16xi32>,
        %add3A_512 = arith.constant 4 : i32
        %add3A_513 = arith.addi %add3A_162, %add3A_512 : i32
        %mul3A_514 = arith.constant 80 : i32
        %mul3A_515 = arith.muli %add3A_513, %mul3A_514 : i32
        %add3A_516 = arith.constant 48 : i32
        %add3A_517 = arith.addi %mul3A_515, %add3A_516 : i32
        %get3A_518 = arith.index_cast %add3A_517 : i32 to index
        %get3A_519 = tpu.vector_load %arg8[%get3A_518] {strides = array<i32>} : memref<10000xf32, #tpu.memory_space<vmem>>, vector<16xf32>,
        tpu.vector_store_idx %arg11[%get3A_511], %get3A_519 {add = true} : memref<10240xf32, #tpu.memory_space<vmem>>[vector<16xi32>], vector<16xf32>,
        %get3A_520 = arith.index_cast %add3A_517 : i32 to index
        %get3A_521 = tpu.vector_load %arg10[%get3A_520] {strides = array<i32>} : memref<10000xf32, #tpu.memory_space<vmem>>, vector<16xf32>,
        tpu.vector_store_idx %arg12[%get3A_511], %get3A_521 {add = true} : memref<10240xf32, #tpu.memory_space<vmem>>[vector<16xi32>], vector<16xf32>,
        %add3A_522 = arith.constant 4 : i32
        %add3A_523 = arith.addi %add3A_162, %add3A_522 : i32
        %get3A_524 = arith.index_cast %add3A_523 : i32 to index
        %get3A_525 = arith.constant 64 : index
        %get3A_526 = tpu.vector_load %arg6[%get3A_524, %get3A_525] {strides = array<i32>} : memref<125x80xi32, #tpu.memory_space<vmem>>, vector<16xi32>,
        %add3A_527 = arith.constant 4 : i32
        %add3A_528 = arith.addi %add3A_162, %add3A_527 : i32
        %mul3A_529 = arith.constant 80 : i32
        %mul3A_530 = arith.muli %add3A_528, %mul3A_529 : i32
        %add3A_531 = arith.constant 64 : i32
        %add3A_532 = arith.addi %mul3A_530, %add3A_531 : i32
        %get3A_533 = arith.index_cast %add3A_532 : i32 to index
        %get3A_534 = tpu.vector_load %arg8[%get3A_533] {strides = array<i32>} : memref<10000xf32, #tpu.memory_space<vmem>>, vector<16xf32>,
        tpu.vector_store_idx %arg11[%get3A_526], %get3A_534 {add = true} : memref<10240xf32, #tpu.memory_space<vmem>>[vector<16xi32>], vector<16xf32>,
        %get3A_535 = arith.index_cast %add3A_532 : i32 to index
        %get3A_536 = tpu.vector_load %arg10[%get3A_535] {strides = array<i32>} : memref<10000xf32, #tpu.memory_space<vmem>>, vector<16xf32>,
        tpu.vector_store_idx %arg12[%get3A_526], %get3A_536 {add = true} : memref<10240xf32, #tpu.memory_space<vmem>>[vector<16xi32>], vector<16xf32>,
      }
      %scan3A_157 = arith.constant 25 : i32
    }
    %scan3A_64 = arith.constant 4 : i32
    "tpu.region"() ({
      %run_scoped3A = tpu.sem_alloc : memref<!tpu.dma_semaphore, #tpu.memory_space<semaphore_mem>>
      %dma_start3A_67 = arith.constant 0 : i32
      %dma_start3A_68 = tpu.memref_slice %arg4[%add3A, %select_n3A_30, %dma_start3A_67] : memref<4x16x10240xf32, #tpu.memory_space<hbm>> -> memref<1x1x10240xf32, #tpu.memory_space<hbm>>
      %dma_start3A_69 = tpu.memref_squeeze %dma_start3A_68 : memref<1x1x10240xf32, #tpu.memory_space<hbm>> -> memref<10240xf32, #tpu.memory_space<hbm>>
      %dma_start3A_70 = arith.constant 0 : i32
      %dma_start3A_71 = tpu.memref_slice %arg4[%add3A, %select_n3A_30, %dma_start3A_70] : memref<4x16x10240xf32, #tpu.memory_space<hbm>> -> memref<1x1x10240xf32, #tpu.memory_space<hbm>>
      %dma_start3A_72 = tpu.memref_squeeze %dma_start3A_71 : memref<1x1x10240xf32, #tpu.memory_space<hbm>> -> memref<10240xf32, #tpu.memory_space<hbm>>
      tpu.enqueue_dma source(%arg11 : memref<10240xf32, #tpu.memory_space<vmem>>) target(%dma_start3A_72 : memref<10240xf32, #tpu.memory_space<hbm>>) target_semaphore(%run_scoped3A : memref<!tpu.dma_semaphore, #tpu.memory_space<semaphore_mem>>)
      %dma_wait3A = arith.constant 0 : i32
      %dma_wait3A_73 = tpu.memref_slice %arg4[%add3A, %select_n3A_30, %dma_wait3A] : memref<4x16x10240xf32, #tpu.memory_space<hbm>> -> memref<1x1x10240xf32, #tpu.memory_space<hbm>>
      %dma_wait3A_74 = tpu.memref_squeeze %dma_wait3A_73 : memref<1x1x10240xf32, #tpu.memory_space<hbm>> -> memref<10240xf32, #tpu.memory_space<hbm>>
      %dma_wait3A_75 = arith.constant 0 : i32
      %dma_wait3A_76 = tpu.memref_slice %arg4[%add3A, %select_n3A_30, %dma_wait3A_75] : memref<4x16x10240xf32, #tpu.memory_space<hbm>> -> memref<1x1x10240xf32, #tpu.memory_space<hbm>>
      %dma_wait3A_77 = tpu.memref_squeeze %dma_wait3A_76 : memref<1x1x10240xf32, #tpu.memory_space<hbm>> -> memref<10240xf32, #tpu.memory_space<hbm>>
      tpu.wait_dma2 semaphore(%run_scoped3A : memref<!tpu.dma_semaphore, #tpu.memory_space<semaphore_mem>>) src(%arg11 : memref<10240xf32, #tpu.memory_space<vmem>>) dst(%dma_wait3A_77 : memref<10240xf32, #tpu.memory_space<hbm>>)
      tpu.yield
    }) : () -> ()
    %add3A_65 = arith.constant 8 : i32
    %add3A_66 = arith.addi %select_n3A_30, %add3A_65 : i32
    "tpu.region"() ({
      %run_scoped3A = tpu.sem_alloc : memref<!tpu.dma_semaphore, #tpu.memory_space<semaphore_mem>>
      %dma_start3A_67 = arith.constant 0 : i32
      %dma_start3A_68 = tpu.memref_slice %arg4[%add3A, %add3A_66, %dma_start3A_67] : memref<4x16x10240xf32, #tpu.memory_space<hbm>> -> memref<1x1x10240xf32, #tpu.memory_space<hbm>>
      %dma_start3A_69 = tpu.memref_squeeze %dma_start3A_68 : memref<1x1x10240xf32, #tpu.memory_space<hbm>> -> memref<10240xf32, #tpu.memory_space<hbm>>
      %dma_start3A_70 = arith.constant 0 : i32
      %dma_start3A_71 = tpu.memref_slice %arg4[%add3A, %add3A_66, %dma_start3A_70] : memref<4x16x10240xf32, #tpu.memory_space<hbm>> -> memref<1x1x10240xf32, #tpu.memory_space<hbm>>
      %dma_start3A_72 = tpu.memref_squeeze %dma_start3A_71 : memref<1x1x10240xf32, #tpu.memory_space<hbm>> -> memref<10240xf32, #tpu.memory_space<hbm>>
      tpu.enqueue_dma source(%arg12 : memref<10240xf32, #tpu.memory_space<vmem>>) target(%dma_start3A_72 : memref<10240xf32, #tpu.memory_space<hbm>>) target_semaphore(%run_scoped3A : memref<!tpu.dma_semaphore, #tpu.memory_space<semaphore_mem>>)
      %dma_wait3A = arith.constant 0 : i32
      %dma_wait3A_73 = tpu.memref_slice %arg4[%add3A, %add3A_66, %dma_wait3A] : memref<4x16x10240xf32, #tpu.memory_space<hbm>> -> memref<1x1x10240xf32, #tpu.memory_space<hbm>>
      %dma_wait3A_74 = tpu.memref_squeeze %dma_wait3A_73 : memref<1x1x10240xf32, #tpu.memory_space<hbm>> -> memref<10240xf32, #tpu.memory_space<hbm>>
      %dma_wait3A_75 = arith.constant 0 : i32
      %dma_wait3A_76 = tpu.memref_slice %arg4[%add3A, %add3A_66, %dma_wait3A_75] : memref<4x16x10240xf32, #tpu.memory_space<hbm>> -> memref<1x1x10240xf32, #tpu.memory_space<hbm>>
      %dma_wait3A_77 = tpu.memref_squeeze %dma_wait3A_76 : memref<1x1x10240xf32, #tpu.memory_space<hbm>> -> memref<10240xf32, #tpu.memory_space<hbm>>
      tpu.wait_dma2 semaphore(%run_scoped3A : memref<!tpu.dma_semaphore, #tpu.memory_space<semaphore_mem>>) src(%arg12 : memref<10240xf32, #tpu.memory_space<vmem>>) dst(%dma_wait3A_77 : memref<10240xf32, #tpu.memory_space<hbm>>)
      tpu.yield
    }) : () -> ()
    return
  }
}

#map = affine_map<(d0, d1) -> (0, 0)>
#map1 = affine_map<(d0, d1) -> (0, 0, 0)>
module attributes {stable_mosaic.version = 14 : i64} {
  func.func @k(%arg0: i32, %arg1: i32, %arg2: memref<10000x128xf32, #tpu.memory_space<hbm>>, %arg3: memref<32x125x80xi32, #tpu.memory_space<hbm>>, %arg4: memref<32x125x80xi32, #tpu.memory_space<hbm>>, %arg5: memref<2x10240x128xf32, #tpu.memory_space<hbm>>, %arg6: memref<125x80xi32, #tpu.memory_space<vmem>>, %arg7: memref<125x80xi32, #tpu.memory_space<vmem>>, %arg8: memref<80x128xf32, #tpu.memory_space<vmem>>, %arg9: memref<80x128xf32, #tpu.memory_space<vmem>>, %arg10: memref<10240x128xf32, #tpu.memory_space<vmem_shared>>, %arg11: memref<!tpu.dma_semaphore, #tpu.memory_space<semaphore_mem>>, %arg12: memref<!tpu.dma_semaphore, #tpu.memory_space<semaphore_mem>>) attributes {dimension_semantics = [#tpu.dimension_semantics<core_parallel>, #tpu.dimension_semantics<subcore_parallel>], iteration_bounds = array<i64: 2, 16>, scalar_prefetch = 0 : i64, scratch_operands = 7 : i64, tpu.core_type = #tpu.core_type<sc_vector_subcore>, window_params = [{transform_indices = #map}, {transform_indices = #map1}, {transform_indices = #map1}, {transform_indices = #map1}]} {
    %mul3A = arith.constant 16 : i32
    %mul3A_0 = arith.muli %arg0, %mul3A : i32
    %add3A = arith.addi %mul3A_0, %arg1 : i32
    %scan3A = arith.constant 0 : i32
    %scan3A_1 = arith.constant 80 : i32
    %scan3A_2 = arith.addi %scan3A, %scan3A_1 : i32
    %scan3A_3 = arith.constant 1 : i32
    scf.for %scan3A_40 = %scan3A to %scan3A_2 step %scan3A_3  : i32 {
      %mul3A_41 = arith.constant 1 : i32
      %mul3A_42 = arith.muli %scan3A_40, %mul3A_41 : i32
      %add3A_43 = arith.constant 0 : i32
      %add3A_44 = arith.addi %add3A_43, %mul3A_42 : i32
      %scan3A_45 = arith.constant 0 : i32
      %scan3A_46 = arith.constant 8 : i32
      %scan3A_47 = arith.addi %scan3A_45, %scan3A_46 : i32
      %scan3A_48 = arith.constant 1 : i32
      scf.for %scan3A_50 = %scan3A_45 to %scan3A_47 step %scan3A_48  : i32 {
        %mul3A_51 = arith.constant 16 : i32
        %mul3A_52 = arith.muli %scan3A_50, %mul3A_51 : i32
        %add3A_53 = arith.constant 0 : i32
        %add3A_54 = arith.addi %add3A_53, %mul3A_52 : i32
        %broadcast_in_dim3A = arith.constant 0.000000e+00 : f32
        %broadcast_in_dim3A_55 = vector.broadcast %broadcast_in_dim3A : f32 to vector<16xf32>
        %swap3A = arith.index_cast %add3A_44 : i32 to index
        %swap3A_56 = arith.index_cast %add3A_54 : i32 to index
        %swap3A_57 = tpu.vector_load %arg8[%swap3A, %swap3A_56] {strides = array<i32>} : memref<80x128xf32, #tpu.memory_space<vmem>>, vector<1x16xf32>,
        %swap3A_58 = vector.shape_cast %swap3A_57 : vector<1x16xf32> to vector<16xf32>
        %swap3A_59 = vector.shape_cast %broadcast_in_dim3A_55 : vector<16xf32> to vector<1x16xf32>
        tpu.vector_store %arg8[%swap3A, %swap3A_56], %swap3A_59 {strides = array<i32>} : memref<80x128xf32, #tpu.memory_space<vmem>>, vector<1x16xf32>,
      }
      %scan3A_49 = arith.constant 8 : i32
    }
    %scan3A_4 = arith.constant 80 : i32
    %mul3A_5 = arith.constant 640 : i32
    %mul3A_6 = arith.muli %arg1, %mul3A_5 : i32
    %add3A_7 = arith.constant 0 : i32
    %add3A_8 = arith.addi %mul3A_6, %add3A_7 : i32
    "tpu.region"() ({
      %run_scoped3A_40 = tpu.sem_alloc : memref<!tpu.dma_semaphore, #tpu.memory_space<semaphore_mem>>
      %dma_start3A_41 = arith.constant 0 : i32
      %dma_start3A_42 = tpu.memref_slice %arg10[%add3A_8, %dma_start3A_41] : memref<10240x128xf32, #tpu.memory_space<vmem_shared>> -> memref<80x128xf32, #tpu.memory_space<vmem_shared>>
      %dma_start3A_43 = arith.constant 0 : i32
      %dma_start3A_44 = tpu.memref_slice %arg10[%add3A_8, %dma_start3A_43] : memref<10240x128xf32, #tpu.memory_space<vmem_shared>> -> memref<80x128xf32, #tpu.memory_space<vmem_shared>>
      tpu.enqueue_dma source(%arg8 : memref<80x128xf32, #tpu.memory_space<vmem>>) target(%dma_start3A_44 : memref<80x128xf32, #tpu.memory_space<vmem_shared>>) target_semaphore(%run_scoped3A_40 : memref<!tpu.dma_semaphore, #tpu.memory_space<semaphore_mem>>)
      %dma_wait3A_45 = arith.constant 0 : i32
      %dma_wait3A_46 = tpu.memref_slice %arg10[%add3A_8, %dma_wait3A_45] : memref<10240x128xf32, #tpu.memory_space<vmem_shared>> -> memref<80x128xf32, #tpu.memory_space<vmem_shared>>
      %dma_wait3A_47 = arith.constant 0 : i32
      %dma_wait3A_48 = tpu.memref_slice %arg10[%add3A_8, %dma_wait3A_47] : memref<10240x128xf32, #tpu.memory_space<vmem_shared>> -> memref<80x128xf32, #tpu.memory_space<vmem_shared>>
      tpu.wait_dma2 semaphore(%run_scoped3A_40 : memref<!tpu.dma_semaphore, #tpu.memory_space<semaphore_mem>>) src(%arg8 : memref<80x128xf32, #tpu.memory_space<vmem>>) dst(%dma_wait3A_48 : memref<80x128xf32, #tpu.memory_space<vmem_shared>>)
      tpu.yield
    }) : () -> ()
    %add3A_9 = arith.constant 80 : i32
    %add3A_10 = arith.addi %mul3A_6, %add3A_9 : i32
    "tpu.region"() ({
      %run_scoped3A_40 = tpu.sem_alloc : memref<!tpu.dma_semaphore, #tpu.memory_space<semaphore_mem>>
      %dma_start3A_41 = arith.constant 0 : i32
      %dma_start3A_42 = tpu.memref_slice %arg10[%add3A_10, %dma_start3A_41] : memref<10240x128xf32, #tpu.memory_space<vmem_shared>> -> memref<80x128xf32, #tpu.memory_space<vmem_shared>>
      %dma_start3A_43 = arith.constant 0 : i32
      %dma_start3A_44 = tpu.memref_slice %arg10[%add3A_10, %dma_start3A_43] : memref<10240x128xf32, #tpu.memory_space<vmem_shared>> -> memref<80x128xf32, #tpu.memory_space<vmem_shared>>
      tpu.enqueue_dma source(%arg8 : memref<80x128xf32, #tpu.memory_space<vmem>>) target(%dma_start3A_44 : memref<80x128xf32, #tpu.memory_space<vmem_shared>>) target_semaphore(%run_scoped3A_40 : memref<!tpu.dma_semaphore, #tpu.memory_space<semaphore_mem>>)
      %dma_wait3A_45 = arith.constant 0 : i32
      %dma_wait3A_46 = tpu.memref_slice %arg10[%add3A_10, %dma_wait3A_45] : memref<10240x128xf32, #tpu.memory_space<vmem_shared>> -> memref<80x128xf32, #tpu.memory_space<vmem_shared>>
      %dma_wait3A_47 = arith.constant 0 : i32
      %dma_wait3A_48 = tpu.memref_slice %arg10[%add3A_10, %dma_wait3A_47] : memref<10240x128xf32, #tpu.memory_space<vmem_shared>> -> memref<80x128xf32, #tpu.memory_space<vmem_shared>>
      tpu.wait_dma2 semaphore(%run_scoped3A_40 : memref<!tpu.dma_semaphore, #tpu.memory_space<semaphore_mem>>) src(%arg8 : memref<80x128xf32, #tpu.memory_space<vmem>>) dst(%dma_wait3A_48 : memref<80x128xf32, #tpu.memory_space<vmem_shared>>)
      tpu.yield
    }) : () -> ()
    %add3A_11 = arith.constant 160 : i32
    %add3A_12 = arith.addi %mul3A_6, %add3A_11 : i32
    "tpu.region"() ({
      %run_scoped3A_40 = tpu.sem_alloc : memref<!tpu.dma_semaphore, #tpu.memory_space<semaphore_mem>>
      %dma_start3A_41 = arith.constant 0 : i32
      %dma_start3A_42 = tpu.memref_slice %arg10[%add3A_12, %dma_start3A_41] : memref<10240x128xf32, #tpu.memory_space<vmem_shared>> -> memref<80x128xf32, #tpu.memory_space<vmem_shared>>
      %dma_start3A_43 = arith.constant 0 : i32
      %dma_start3A_44 = tpu.memref_slice %arg10[%add3A_12, %dma_start3A_43] : memref<10240x128xf32, #tpu.memory_space<vmem_shared>> -> memref<80x128xf32, #tpu.memory_space<vmem_shared>>
      tpu.enqueue_dma source(%arg8 : memref<80x128xf32, #tpu.memory_space<vmem>>) target(%dma_start3A_44 : memref<80x128xf32, #tpu.memory_space<vmem_shared>>) target_semaphore(%run_scoped3A_40 : memref<!tpu.dma_semaphore, #tpu.memory_space<semaphore_mem>>)
      %dma_wait3A_45 = arith.constant 0 : i32
      %dma_wait3A_46 = tpu.memref_slice %arg10[%add3A_12, %dma_wait3A_45] : memref<10240x128xf32, #tpu.memory_space<vmem_shared>> -> memref<80x128xf32, #tpu.memory_space<vmem_shared>>
      %dma_wait3A_47 = arith.constant 0 : i32
      %dma_wait3A_48 = tpu.memref_slice %arg10[%add3A_12, %dma_wait3A_47] : memref<10240x128xf32, #tpu.memory_space<vmem_shared>> -> memref<80x128xf32, #tpu.memory_space<vmem_shared>>
      tpu.wait_dma2 semaphore(%run_scoped3A_40 : memref<!tpu.dma_semaphore, #tpu.memory_space<semaphore_mem>>) src(%arg8 : memref<80x128xf32, #tpu.memory_space<vmem>>) dst(%dma_wait3A_48 : memref<80x128xf32, #tpu.memory_space<vmem_shared>>)
      tpu.yield
    }) : () -> ()
    %add3A_13 = arith.constant 240 : i32
    %add3A_14 = arith.addi %mul3A_6, %add3A_13 : i32
    "tpu.region"() ({
      %run_scoped3A_40 = tpu.sem_alloc : memref<!tpu.dma_semaphore, #tpu.memory_space<semaphore_mem>>
      %dma_start3A_41 = arith.constant 0 : i32
      %dma_start3A_42 = tpu.memref_slice %arg10[%add3A_14, %dma_start3A_41] : memref<10240x128xf32, #tpu.memory_space<vmem_shared>> -> memref<80x128xf32, #tpu.memory_space<vmem_shared>>
      %dma_start3A_43 = arith.constant 0 : i32
      %dma_start3A_44 = tpu.memref_slice %arg10[%add3A_14, %dma_start3A_43] : memref<10240x128xf32, #tpu.memory_space<vmem_shared>> -> memref<80x128xf32, #tpu.memory_space<vmem_shared>>
      tpu.enqueue_dma source(%arg8 : memref<80x128xf32, #tpu.memory_space<vmem>>) target(%dma_start3A_44 : memref<80x128xf32, #tpu.memory_space<vmem_shared>>) target_semaphore(%run_scoped3A_40 : memref<!tpu.dma_semaphore, #tpu.memory_space<semaphore_mem>>)
      %dma_wait3A_45 = arith.constant 0 : i32
      %dma_wait3A_46 = tpu.memref_slice %arg10[%add3A_14, %dma_wait3A_45] : memref<10240x128xf32, #tpu.memory_space<vmem_shared>> -> memref<80x128xf32, #tpu.memory_space<vmem_shared>>
      %dma_wait3A_47 = arith.constant 0 : i32
      %dma_wait3A_48 = tpu.memref_slice %arg10[%add3A_14, %dma_wait3A_47] : memref<10240x128xf32, #tpu.memory_space<vmem_shared>> -> memref<80x128xf32, #tpu.memory_space<vmem_shared>>
      tpu.wait_dma2 semaphore(%run_scoped3A_40 : memref<!tpu.dma_semaphore, #tpu.memory_space<semaphore_mem>>) src(%arg8 : memref<80x128xf32, #tpu.memory_space<vmem>>) dst(%dma_wait3A_48 : memref<80x128xf32, #tpu.memory_space<vmem_shared>>)
      tpu.yield
    }) : () -> ()
    %add3A_15 = arith.constant 320 : i32
    %add3A_16 = arith.addi %mul3A_6, %add3A_15 : i32
    "tpu.region"() ({
      %run_scoped3A_40 = tpu.sem_alloc : memref<!tpu.dma_semaphore, #tpu.memory_space<semaphore_mem>>
      %dma_start3A_41 = arith.constant 0 : i32
      %dma_start3A_42 = tpu.memref_slice %arg10[%add3A_16, %dma_start3A_41] : memref<10240x128xf32, #tpu.memory_space<vmem_shared>> -> memref<80x128xf32, #tpu.memory_space<vmem_shared>>
      %dma_start3A_43 = arith.constant 0 : i32
      %dma_start3A_44 = tpu.memref_slice %arg10[%add3A_16, %dma_start3A_43] : memref<10240x128xf32, #tpu.memory_space<vmem_shared>> -> memref<80x128xf32, #tpu.memory_space<vmem_shared>>
      tpu.enqueue_dma source(%arg8 : memref<80x128xf32, #tpu.memory_space<vmem>>) target(%dma_start3A_44 : memref<80x128xf32, #tpu.memory_space<vmem_shared>>) target_semaphore(%run_scoped3A_40 : memref<!tpu.dma_semaphore, #tpu.memory_space<semaphore_mem>>)
      %dma_wait3A_45 = arith.constant 0 : i32
      %dma_wait3A_46 = tpu.memref_slice %arg10[%add3A_16, %dma_wait3A_45] : memref<10240x128xf32, #tpu.memory_space<vmem_shared>> -> memref<80x128xf32, #tpu.memory_space<vmem_shared>>
      %dma_wait3A_47 = arith.constant 0 : i32
      %dma_wait3A_48 = tpu.memref_slice %arg10[%add3A_16, %dma_wait3A_47] : memref<10240x128xf32, #tpu.memory_space<vmem_shared>> -> memref<80x128xf32, #tpu.memory_space<vmem_shared>>
      tpu.wait_dma2 semaphore(%run_scoped3A_40 : memref<!tpu.dma_semaphore, #tpu.memory_space<semaphore_mem>>) src(%arg8 : memref<80x128xf32, #tpu.memory_space<vmem>>) dst(%dma_wait3A_48 : memref<80x128xf32, #tpu.memory_space<vmem_shared>>)
      tpu.yield
    }) : () -> ()
    %add3A_17 = arith.constant 400 : i32
    %add3A_18 = arith.addi %mul3A_6, %add3A_17 : i32
    "tpu.region"() ({
      %run_scoped3A_40 = tpu.sem_alloc : memref<!tpu.dma_semaphore, #tpu.memory_space<semaphore_mem>>
      %dma_start3A_41 = arith.constant 0 : i32
      %dma_start3A_42 = tpu.memref_slice %arg10[%add3A_18, %dma_start3A_41] : memref<10240x128xf32, #tpu.memory_space<vmem_shared>> -> memref<80x128xf32, #tpu.memory_space<vmem_shared>>
      %dma_start3A_43 = arith.constant 0 : i32
      %dma_start3A_44 = tpu.memref_slice %arg10[%add3A_18, %dma_start3A_43] : memref<10240x128xf32, #tpu.memory_space<vmem_shared>> -> memref<80x128xf32, #tpu.memory_space<vmem_shared>>
      tpu.enqueue_dma source(%arg8 : memref<80x128xf32, #tpu.memory_space<vmem>>) target(%dma_start3A_44 : memref<80x128xf32, #tpu.memory_space<vmem_shared>>) target_semaphore(%run_scoped3A_40 : memref<!tpu.dma_semaphore, #tpu.memory_space<semaphore_mem>>)
      %dma_wait3A_45 = arith.constant 0 : i32
      %dma_wait3A_46 = tpu.memref_slice %arg10[%add3A_18, %dma_wait3A_45] : memref<10240x128xf32, #tpu.memory_space<vmem_shared>> -> memref<80x128xf32, #tpu.memory_space<vmem_shared>>
      %dma_wait3A_47 = arith.constant 0 : i32
      %dma_wait3A_48 = tpu.memref_slice %arg10[%add3A_18, %dma_wait3A_47] : memref<10240x128xf32, #tpu.memory_space<vmem_shared>> -> memref<80x128xf32, #tpu.memory_space<vmem_shared>>
      tpu.wait_dma2 semaphore(%run_scoped3A_40 : memref<!tpu.dma_semaphore, #tpu.memory_space<semaphore_mem>>) src(%arg8 : memref<80x128xf32, #tpu.memory_space<vmem>>) dst(%dma_wait3A_48 : memref<80x128xf32, #tpu.memory_space<vmem_shared>>)
      tpu.yield
    }) : () -> ()
    %add3A_19 = arith.constant 480 : i32
    %add3A_20 = arith.addi %mul3A_6, %add3A_19 : i32
    "tpu.region"() ({
      %run_scoped3A_40 = tpu.sem_alloc : memref<!tpu.dma_semaphore, #tpu.memory_space<semaphore_mem>>
      %dma_start3A_41 = arith.constant 0 : i32
      %dma_start3A_42 = tpu.memref_slice %arg10[%add3A_20, %dma_start3A_41] : memref<10240x128xf32, #tpu.memory_space<vmem_shared>> -> memref<80x128xf32, #tpu.memory_space<vmem_shared>>
      %dma_start3A_43 = arith.constant 0 : i32
      %dma_start3A_44 = tpu.memref_slice %arg10[%add3A_20, %dma_start3A_43] : memref<10240x128xf32, #tpu.memory_space<vmem_shared>> -> memref<80x128xf32, #tpu.memory_space<vmem_shared>>
      tpu.enqueue_dma source(%arg8 : memref<80x128xf32, #tpu.memory_space<vmem>>) target(%dma_start3A_44 : memref<80x128xf32, #tpu.memory_space<vmem_shared>>) target_semaphore(%run_scoped3A_40 : memref<!tpu.dma_semaphore, #tpu.memory_space<semaphore_mem>>)
      %dma_wait3A_45 = arith.constant 0 : i32
      %dma_wait3A_46 = tpu.memref_slice %arg10[%add3A_20, %dma_wait3A_45] : memref<10240x128xf32, #tpu.memory_space<vmem_shared>> -> memref<80x128xf32, #tpu.memory_space<vmem_shared>>
      %dma_wait3A_47 = arith.constant 0 : i32
      %dma_wait3A_48 = tpu.memref_slice %arg10[%add3A_20, %dma_wait3A_47] : memref<10240x128xf32, #tpu.memory_space<vmem_shared>> -> memref<80x128xf32, #tpu.memory_space<vmem_shared>>
      tpu.wait_dma2 semaphore(%run_scoped3A_40 : memref<!tpu.dma_semaphore, #tpu.memory_space<semaphore_mem>>) src(%arg8 : memref<80x128xf32, #tpu.memory_space<vmem>>) dst(%dma_wait3A_48 : memref<80x128xf32, #tpu.memory_space<vmem_shared>>)
      tpu.yield
    }) : () -> ()
    %add3A_21 = arith.constant 560 : i32
    %add3A_22 = arith.addi %mul3A_6, %add3A_21 : i32
    "tpu.region"() ({
      %run_scoped3A_40 = tpu.sem_alloc : memref<!tpu.dma_semaphore, #tpu.memory_space<semaphore_mem>>
      %dma_start3A_41 = arith.constant 0 : i32
      %dma_start3A_42 = tpu.memref_slice %arg10[%add3A_22, %dma_start3A_41] : memref<10240x128xf32, #tpu.memory_space<vmem_shared>> -> memref<80x128xf32, #tpu.memory_space<vmem_shared>>
      %dma_start3A_43 = arith.constant 0 : i32
      %dma_start3A_44 = tpu.memref_slice %arg10[%add3A_22, %dma_start3A_43] : memref<10240x128xf32, #tpu.memory_space<vmem_shared>> -> memref<80x128xf32, #tpu.memory_space<vmem_shared>>
      tpu.enqueue_dma source(%arg8 : memref<80x128xf32, #tpu.memory_space<vmem>>) target(%dma_start3A_44 : memref<80x128xf32, #tpu.memory_space<vmem_shared>>) target_semaphore(%run_scoped3A_40 : memref<!tpu.dma_semaphore, #tpu.memory_space<semaphore_mem>>)
      %dma_wait3A_45 = arith.constant 0 : i32
      %dma_wait3A_46 = tpu.memref_slice %arg10[%add3A_22, %dma_wait3A_45] : memref<10240x128xf32, #tpu.memory_space<vmem_shared>> -> memref<80x128xf32, #tpu.memory_space<vmem_shared>>
      %dma_wait3A_47 = arith.constant 0 : i32
      %dma_wait3A_48 = tpu.memref_slice %arg10[%add3A_22, %dma_wait3A_47] : memref<10240x128xf32, #tpu.memory_space<vmem_shared>> -> memref<80x128xf32, #tpu.memory_space<vmem_shared>>
      tpu.wait_dma2 semaphore(%run_scoped3A_40 : memref<!tpu.dma_semaphore, #tpu.memory_space<semaphore_mem>>) src(%arg8 : memref<80x128xf32, #tpu.memory_space<vmem>>) dst(%dma_wait3A_48 : memref<80x128xf32, #tpu.memory_space<vmem_shared>>)
      tpu.yield
    }) : () -> ()
    %barrier3A = arith.constant 0 : index
    tpu.barrier barrier_id(%barrier3A)
    "tpu.region"() ({
      %run_scoped3A_40 = tpu.sem_alloc : memref<!tpu.dma_semaphore, #tpu.memory_space<semaphore_mem>>
      %dma_start3A_41 = arith.constant 0 : i32
      %dma_start3A_42 = arith.constant 0 : i32
      %dma_start3A_43 = tpu.memref_slice %arg3[%add3A, %dma_start3A_41, %dma_start3A_42] : memref<32x125x80xi32, #tpu.memory_space<hbm>> -> memref<1x125x80xi32, #tpu.memory_space<hbm>>
      %dma_start3A_44 = tpu.memref_squeeze %dma_start3A_43 : memref<1x125x80xi32, #tpu.memory_space<hbm>> -> memref<125x80xi32, #tpu.memory_space<hbm>>
      %dma_start3A_45 = arith.constant 0 : i32
      %dma_start3A_46 = arith.constant 0 : i32
      %dma_start3A_47 = tpu.memref_slice %arg3[%add3A, %dma_start3A_45, %dma_start3A_46] : memref<32x125x80xi32, #tpu.memory_space<hbm>> -> memref<1x125x80xi32, #tpu.memory_space<hbm>>
      %dma_start3A_48 = tpu.memref_squeeze %dma_start3A_47 : memref<1x125x80xi32, #tpu.memory_space<hbm>> -> memref<125x80xi32, #tpu.memory_space<hbm>>
      tpu.enqueue_dma source(%dma_start3A_48 : memref<125x80xi32, #tpu.memory_space<hbm>>) target(%arg6 : memref<125x80xi32, #tpu.memory_space<vmem>>) target_semaphore(%run_scoped3A_40 : memref<!tpu.dma_semaphore, #tpu.memory_space<semaphore_mem>>)
      %dma_wait3A_49 = arith.constant 0 : i32
      %dma_wait3A_50 = arith.constant 0 : i32
      %dma_wait3A_51 = tpu.memref_slice %arg3[%add3A, %dma_wait3A_49, %dma_wait3A_50] : memref<32x125x80xi32, #tpu.memory_space<hbm>> -> memref<1x125x80xi32, #tpu.memory_space<hbm>>
      %dma_wait3A_52 = tpu.memref_squeeze %dma_wait3A_51 : memref<1x125x80xi32, #tpu.memory_space<hbm>> -> memref<125x80xi32, #tpu.memory_space<hbm>>
      %dma_wait3A_53 = arith.constant 0 : i32
      %dma_wait3A_54 = arith.constant 0 : i32
      %dma_wait3A_55 = tpu.memref_slice %arg3[%add3A, %dma_wait3A_53, %dma_wait3A_54] : memref<32x125x80xi32, #tpu.memory_space<hbm>> -> memref<1x125x80xi32, #tpu.memory_space<hbm>>
      %dma_wait3A_56 = tpu.memref_squeeze %dma_wait3A_55 : memref<1x125x80xi32, #tpu.memory_space<hbm>> -> memref<125x80xi32, #tpu.memory_space<hbm>>
      tpu.wait_dma2 semaphore(%run_scoped3A_40 : memref<!tpu.dma_semaphore, #tpu.memory_space<semaphore_mem>>) src(%dma_wait3A_56 : memref<125x80xi32, #tpu.memory_space<hbm>>) dst(%arg6 : memref<125x80xi32, #tpu.memory_space<vmem>>)
      tpu.yield
    }) : () -> ()
    "tpu.region"() ({
      %run_scoped3A_40 = tpu.sem_alloc : memref<!tpu.dma_semaphore, #tpu.memory_space<semaphore_mem>>
      %dma_start3A_41 = arith.constant 0 : i32
      %dma_start3A_42 = arith.constant 0 : i32
      %dma_start3A_43 = tpu.memref_slice %arg4[%add3A, %dma_start3A_41, %dma_start3A_42] : memref<32x125x80xi32, #tpu.memory_space<hbm>> -> memref<1x125x80xi32, #tpu.memory_space<hbm>>
      %dma_start3A_44 = tpu.memref_squeeze %dma_start3A_43 : memref<1x125x80xi32, #tpu.memory_space<hbm>> -> memref<125x80xi32, #tpu.memory_space<hbm>>
      %dma_start3A_45 = arith.constant 0 : i32
      %dma_start3A_46 = arith.constant 0 : i32
      %dma_start3A_47 = tpu.memref_slice %arg4[%add3A, %dma_start3A_45, %dma_start3A_46] : memref<32x125x80xi32, #tpu.memory_space<hbm>> -> memref<1x125x80xi32, #tpu.memory_space<hbm>>
      %dma_start3A_48 = tpu.memref_squeeze %dma_start3A_47 : memref<1x125x80xi32, #tpu.memory_space<hbm>> -> memref<125x80xi32, #tpu.memory_space<hbm>>
      tpu.enqueue_dma source(%dma_start3A_48 : memref<125x80xi32, #tpu.memory_space<hbm>>) target(%arg7 : memref<125x80xi32, #tpu.memory_space<vmem>>) target_semaphore(%run_scoped3A_40 : memref<!tpu.dma_semaphore, #tpu.memory_space<semaphore_mem>>)
      %dma_wait3A_49 = arith.constant 0 : i32
      %dma_wait3A_50 = arith.constant 0 : i32
      %dma_wait3A_51 = tpu.memref_slice %arg4[%add3A, %dma_wait3A_49, %dma_wait3A_50] : memref<32x125x80xi32, #tpu.memory_space<hbm>> -> memref<1x125x80xi32, #tpu.memory_space<hbm>>
      %dma_wait3A_52 = tpu.memref_squeeze %dma_wait3A_51 : memref<1x125x80xi32, #tpu.memory_space<hbm>> -> memref<125x80xi32, #tpu.memory_space<hbm>>
      %dma_wait3A_53 = arith.constant 0 : i32
      %dma_wait3A_54 = arith.constant 0 : i32
      %dma_wait3A_55 = tpu.memref_slice %arg4[%add3A, %dma_wait3A_53, %dma_wait3A_54] : memref<32x125x80xi32, #tpu.memory_space<hbm>> -> memref<1x125x80xi32, #tpu.memory_space<hbm>>
      %dma_wait3A_56 = tpu.memref_squeeze %dma_wait3A_55 : memref<1x125x80xi32, #tpu.memory_space<hbm>> -> memref<125x80xi32, #tpu.memory_space<hbm>>
      tpu.wait_dma2 semaphore(%run_scoped3A_40 : memref<!tpu.dma_semaphore, #tpu.memory_space<semaphore_mem>>) src(%dma_wait3A_56 : memref<125x80xi32, #tpu.memory_space<hbm>>) dst(%arg7 : memref<125x80xi32, #tpu.memory_space<vmem>>)
      tpu.yield
    }) : () -> ()
    %dma_start3A = arith.constant 0 : i32
    %dma_start3A_23 = arith.constant 0 : i32
    %dma_start3A_24 = tpu.memref_slice %arg6[%dma_start3A, %dma_start3A_23] : memref<125x80xi32, #tpu.memory_space<vmem>> -> memref<1x80xi32, #tpu.memory_space<vmem>>
    %dma_start3A_25 = tpu.memref_squeeze %dma_start3A_24 : memref<1x80xi32, #tpu.memory_space<vmem>> -> memref<80xi32, #tpu.memory_space<vmem>>
    %dma_start3A_26 = arith.constant 0 : i32
    %dma_start3A_27 = arith.constant 0 : i32
    %dma_start3A_28 = tpu.memref_slice %arg2[%dma_start3A_26, %dma_start3A_27] : memref<10000x128xf32, #tpu.memory_space<hbm>> -> memref<10000x128xf32, #tpu.memory_space<hbm>>
    tpu.enqueue_indirect_dma source(%dma_start3A_28 : memref<10000x128xf32, #tpu.memory_space<hbm>>) target(%arg8 : memref<80x128xf32, #tpu.memory_space<vmem>>) offsets(%dma_start3A_25 : memref<80xi32, #tpu.memory_space<vmem>>) semaphore(%arg11 : memref<!tpu.dma_semaphore, #tpu.memory_space<semaphore_mem>>)
    %scan3A_29 = arith.constant 0 : i32
    %scan3A_30 = arith.constant 62 : i32
    %scan3A_31 = arith.addi %scan3A_29, %scan3A_30 : i32
    %scan3A_32 = arith.constant 1 : i32
    scf.for %scan3A_40 = %scan3A_29 to %scan3A_31 step %scan3A_32  : i32 {
      %mul3A_41 = arith.constant 1 : i32
      %mul3A_42 = arith.muli %scan3A_40, %mul3A_41 : i32
      %add3A_43 = arith.constant 0 : i32
      %add3A_44 = arith.addi %add3A_43, %mul3A_42 : i32
      %mul3A_45 = arith.constant 2 : i32
      %mul3A_46 = arith.muli %mul3A_45, %add3A_44 : i32
      %dma_wait3A_47 = arith.constant 0 : i32
      %dma_wait3A_48 = arith.constant 0 : i32
      %dma_wait3A_49 = tpu.memref_slice %arg2[%dma_wait3A_47, %dma_wait3A_48] : memref<10000x128xf32, #tpu.memory_space<hbm>> -> memref<80x128xf32, #tpu.memory_space<hbm>>
      %dma_wait3A_50 = arith.constant 0 : i32
      %dma_wait3A_51 = arith.constant 0 : i32
      %dma_wait3A_52 = tpu.memref_slice %arg2[%dma_wait3A_50, %dma_wait3A_51] : memref<10000x128xf32, #tpu.memory_space<hbm>> -> memref<80x128xf32, #tpu.memory_space<hbm>>
      tpu.wait_dma2 semaphore(%arg11 : memref<!tpu.dma_semaphore, #tpu.memory_space<semaphore_mem>>) src(%dma_wait3A_52 : memref<80x128xf32, #tpu.memory_space<hbm>>) dst(%arg8 : memref<80x128xf32, #tpu.memory_space<vmem>>)
      %add3A_53 = arith.constant 1 : i32
      %add3A_54 = arith.addi %mul3A_46, %add3A_53 : i32
      %dma_start3A_55 = arith.constant 0 : i32
      %dma_start3A_56 = tpu.memref_slice %arg6[%add3A_54, %dma_start3A_55] : memref<125x80xi32, #tpu.memory_space<vmem>> -> memref<1x80xi32, #tpu.memory_space<vmem>>
      %dma_start3A_57 = tpu.memref_squeeze %dma_start3A_56 : memref<1x80xi32, #tpu.memory_space<vmem>> -> memref<80xi32, #tpu.memory_space<vmem>>
      %dma_start3A_58 = arith.constant 0 : i32
      %dma_start3A_59 = arith.constant 0 : i32
      %dma_start3A_60 = tpu.memref_slice %arg2[%dma_start3A_58, %dma_start3A_59] : memref<10000x128xf32, #tpu.memory_space<hbm>> -> memref<10000x128xf32, #tpu.memory_space<hbm>>
      tpu.enqueue_indirect_dma source(%dma_start3A_60 : memref<10000x128xf32, #tpu.memory_space<hbm>>) target(%arg9 : memref<80x128xf32, #tpu.memory_space<vmem>>) offsets(%dma_start3A_57 : memref<80xi32, #tpu.memory_space<vmem>>) semaphore(%arg12 : memref<!tpu.dma_semaphore, #tpu.memory_space<semaphore_mem>>)
      "tpu.region"() ({
        %run_scoped3A_77 = tpu.sem_alloc : memref<!tpu.dma_semaphore, #tpu.memory_space<semaphore_mem>>
        %dma_start3A_78 = arith.constant 0 : i32
        %dma_start3A_79 = tpu.memref_slice %arg7[%mul3A_46, %dma_start3A_78] : memref<125x80xi32, #tpu.memory_space<vmem>> -> memref<1x80xi32, #tpu.memory_space<vmem>>
        %dma_start3A_80 = tpu.memref_squeeze %dma_start3A_79 : memref<1x80xi32, #tpu.memory_space<vmem>> -> memref<80xi32, #tpu.memory_space<vmem>>
        %dma_start3A_81 = arith.constant 0 : i32
        %dma_start3A_82 = arith.constant 0 : i32
        %dma_start3A_83 = tpu.memref_slice %arg10[%dma_start3A_81, %dma_start3A_82] : memref<10240x128xf32, #tpu.memory_space<vmem_shared>> -> memref<10240x128xf32, #tpu.memory_space<vmem_shared>>
        tpu.enqueue_indirect_dma source(%arg8 : memref<80x128xf32, #tpu.memory_space<vmem>>) target(%dma_start3A_83 : memref<10240x128xf32, #tpu.memory_space<vmem_shared>>) offsets(%dma_start3A_80 : memref<80xi32, #tpu.memory_space<vmem>>) semaphore(%run_scoped3A_77 : memref<!tpu.dma_semaphore, #tpu.memory_space<semaphore_mem>>) {add = true}
        %dma_wait3A_84 = arith.constant 0 : i32
        %dma_wait3A_85 = tpu.memref_slice %arg7[%mul3A_46, %dma_wait3A_84] : memref<125x80xi32, #tpu.memory_space<vmem>> -> memref<1x80xi32, #tpu.memory_space<vmem>>
        %dma_wait3A_86 = tpu.memref_squeeze %dma_wait3A_85 : memref<1x80xi32, #tpu.memory_space<vmem>> -> memref<80xi32, #tpu.memory_space<vmem>>
        %dma_wait3A_87 = arith.constant 0 : i32
        %dma_wait3A_88 = arith.constant 0 : i32
        %dma_wait3A_89 = tpu.memref_slice %arg10[%dma_wait3A_87, %dma_wait3A_88] : memref<10240x128xf32, #tpu.memory_space<vmem_shared>> -> memref<10240x128xf32, #tpu.memory_space<vmem_shared>>
        tpu.wait_indirect_dma semaphore(%run_scoped3A_77 : memref<!tpu.dma_semaphore, #tpu.memory_space<semaphore_mem>>) src(%arg8 : memref<80x128xf32, #tpu.memory_space<vmem>>) dst(%dma_wait3A_89 : memref<10240x128xf32, #tpu.memory_space<vmem_shared>>)
        tpu.yield
      }) : () -> ()
      %dma_wait3A_61 = arith.constant 0 : i32
      %dma_wait3A_62 = arith.constant 0 : i32
      %dma_wait3A_63 = tpu.memref_slice %arg2[%dma_wait3A_61, %dma_wait3A_62] : memref<10000x128xf32, #tpu.memory_space<hbm>> -> memref<80x128xf32, #tpu.memory_space<hbm>>
      %dma_wait3A_64 = arith.constant 0 : i32
      %dma_wait3A_65 = arith.constant 0 : i32
      %dma_wait3A_66 = tpu.memref_slice %arg2[%dma_wait3A_64, %dma_wait3A_65] : memref<10000x128xf32, #tpu.memory_space<hbm>> -> memref<80x128xf32, #tpu.memory_space<hbm>>
      tpu.wait_dma2 semaphore(%arg12 : memref<!tpu.dma_semaphore, #tpu.memory_space<semaphore_mem>>) src(%dma_wait3A_66 : memref<80x128xf32, #tpu.memory_space<hbm>>) dst(%arg9 : memref<80x128xf32, #tpu.memory_space<vmem>>)
      %add3A_67 = arith.constant 2 : i32
      %add3A_68 = arith.addi %mul3A_46, %add3A_67 : i32
      %dma_start3A_69 = arith.constant 0 : i32
      %dma_start3A_70 = tpu.memref_slice %arg6[%add3A_68, %dma_start3A_69] : memref<125x80xi32, #tpu.memory_space<vmem>> -> memref<1x80xi32, #tpu.memory_space<vmem>>
      %dma_start3A_71 = tpu.memref_squeeze %dma_start3A_70 : memref<1x80xi32, #tpu.memory_space<vmem>> -> memref<80xi32, #tpu.memory_space<vmem>>
      %dma_start3A_72 = arith.constant 0 : i32
      %dma_start3A_73 = arith.constant 0 : i32
      %dma_start3A_74 = tpu.memref_slice %arg2[%dma_start3A_72, %dma_start3A_73] : memref<10000x128xf32, #tpu.memory_space<hbm>> -> memref<10000x128xf32, #tpu.memory_space<hbm>>
      tpu.enqueue_indirect_dma source(%dma_start3A_74 : memref<10000x128xf32, #tpu.memory_space<hbm>>) target(%arg8 : memref<80x128xf32, #tpu.memory_space<vmem>>) offsets(%dma_start3A_71 : memref<80xi32, #tpu.memory_space<vmem>>) semaphore(%arg11 : memref<!tpu.dma_semaphore, #tpu.memory_space<semaphore_mem>>)
      %add3A_75 = arith.constant 1 : i32
      %add3A_76 = arith.addi %mul3A_46, %add3A_75 : i32
      "tpu.region"() ({
        %run_scoped3A_77 = tpu.sem_alloc : memref<!tpu.dma_semaphore, #tpu.memory_space<semaphore_mem>>
        %dma_start3A_78 = arith.constant 0 : i32
        %dma_start3A_79 = tpu.memref_slice %arg7[%add3A_76, %dma_start3A_78] : memref<125x80xi32, #tpu.memory_space<vmem>> -> memref<1x80xi32, #tpu.memory_space<vmem>>
        %dma_start3A_80 = tpu.memref_squeeze %dma_start3A_79 : memref<1x80xi32, #tpu.memory_space<vmem>> -> memref<80xi32, #tpu.memory_space<vmem>>
        %dma_start3A_81 = arith.constant 0 : i32
        %dma_start3A_82 = arith.constant 0 : i32
        %dma_start3A_83 = tpu.memref_slice %arg10[%dma_start3A_81, %dma_start3A_82] : memref<10240x128xf32, #tpu.memory_space<vmem_shared>> -> memref<10240x128xf32, #tpu.memory_space<vmem_shared>>
        tpu.enqueue_indirect_dma source(%arg9 : memref<80x128xf32, #tpu.memory_space<vmem>>) target(%dma_start3A_83 : memref<10240x128xf32, #tpu.memory_space<vmem_shared>>) offsets(%dma_start3A_80 : memref<80xi32, #tpu.memory_space<vmem>>) semaphore(%run_scoped3A_77 : memref<!tpu.dma_semaphore, #tpu.memory_space<semaphore_mem>>) {add = true}
        %dma_wait3A_84 = arith.constant 0 : i32
        %dma_wait3A_85 = tpu.memref_slice %arg7[%add3A_76, %dma_wait3A_84] : memref<125x80xi32, #tpu.memory_space<vmem>> -> memref<1x80xi32, #tpu.memory_space<vmem>>
        %dma_wait3A_86 = tpu.memref_squeeze %dma_wait3A_85 : memref<1x80xi32, #tpu.memory_space<vmem>> -> memref<80xi32, #tpu.memory_space<vmem>>
        %dma_wait3A_87 = arith.constant 0 : i32
        %dma_wait3A_88 = arith.constant 0 : i32
        %dma_wait3A_89 = tpu.memref_slice %arg10[%dma_wait3A_87, %dma_wait3A_88] : memref<10240x128xf32, #tpu.memory_space<vmem_shared>> -> memref<10240x128xf32, #tpu.memory_space<vmem_shared>>
        tpu.wait_indirect_dma semaphore(%run_scoped3A_77 : memref<!tpu.dma_semaphore, #tpu.memory_space<semaphore_mem>>) src(%arg9 : memref<80x128xf32, #tpu.memory_space<vmem>>) dst(%dma_wait3A_89 : memref<10240x128xf32, #tpu.memory_space<vmem_shared>>)
        tpu.yield
      }) : () -> ()
    }
    %scan3A_33 = arith.constant 62 : i32
    %dma_wait3A = arith.constant 0 : i32
    %dma_wait3A_34 = arith.constant 0 : i32
    %dma_wait3A_35 = tpu.memref_slice %arg2[%dma_wait3A, %dma_wait3A_34] : memref<10000x128xf32, #tpu.memory_space<hbm>> -> memref<80x128xf32, #tpu.memory_space<hbm>>
    %dma_wait3A_36 = arith.constant 0 : i32
    %dma_wait3A_37 = arith.constant 0 : i32
    %dma_wait3A_38 = tpu.memref_slice %arg2[%dma_wait3A_36, %dma_wait3A_37] : memref<10000x128xf32, #tpu.memory_space<hbm>> -> memref<80x128xf32, #tpu.memory_space<hbm>>
    tpu.wait_dma2 semaphore(%arg11 : memref<!tpu.dma_semaphore, #tpu.memory_space<semaphore_mem>>) src(%dma_wait3A_38 : memref<80x128xf32, #tpu.memory_space<hbm>>) dst(%arg8 : memref<80x128xf32, #tpu.memory_space<vmem>>)
    %run_scoped3A = arith.constant 124 : i32
    "tpu.region"() ({
      %run_scoped3A_40 = tpu.sem_alloc : memref<!tpu.dma_semaphore, #tpu.memory_space<semaphore_mem>>
      %dma_start3A_41 = arith.constant 0 : i32
      %dma_start3A_42 = tpu.memref_slice %arg7[%run_scoped3A, %dma_start3A_41] : memref<125x80xi32, #tpu.memory_space<vmem>> -> memref<1x80xi32, #tpu.memory_space<vmem>>
      %dma_start3A_43 = tpu.memref_squeeze %dma_start3A_42 : memref<1x80xi32, #tpu.memory_space<vmem>> -> memref<80xi32, #tpu.memory_space<vmem>>
      %dma_start3A_44 = arith.constant 0 : i32
      %dma_start3A_45 = arith.constant 0 : i32
      %dma_start3A_46 = tpu.memref_slice %arg10[%dma_start3A_44, %dma_start3A_45] : memref<10240x128xf32, #tpu.memory_space<vmem_shared>> -> memref<10240x128xf32, #tpu.memory_space<vmem_shared>>
      tpu.enqueue_indirect_dma source(%arg8 : memref<80x128xf32, #tpu.memory_space<vmem>>) target(%dma_start3A_46 : memref<10240x128xf32, #tpu.memory_space<vmem_shared>>) offsets(%dma_start3A_43 : memref<80xi32, #tpu.memory_space<vmem>>) semaphore(%run_scoped3A_40 : memref<!tpu.dma_semaphore, #tpu.memory_space<semaphore_mem>>) {add = true}
      %dma_wait3A_47 = arith.constant 0 : i32
      %dma_wait3A_48 = tpu.memref_slice %arg7[%run_scoped3A, %dma_wait3A_47] : memref<125x80xi32, #tpu.memory_space<vmem>> -> memref<1x80xi32, #tpu.memory_space<vmem>>
      %dma_wait3A_49 = tpu.memref_squeeze %dma_wait3A_48 : memref<1x80xi32, #tpu.memory_space<vmem>> -> memref<80xi32, #tpu.memory_space<vmem>>
      %dma_wait3A_50 = arith.constant 0 : i32
      %dma_wait3A_51 = arith.constant 0 : i32
      %dma_wait3A_52 = tpu.memref_slice %arg10[%dma_wait3A_50, %dma_wait3A_51] : memref<10240x128xf32, #tpu.memory_space<vmem_shared>> -> memref<10240x128xf32, #tpu.memory_space<vmem_shared>>
      tpu.wait_indirect_dma semaphore(%run_scoped3A_40 : memref<!tpu.dma_semaphore, #tpu.memory_space<semaphore_mem>>) src(%arg8 : memref<80x128xf32, #tpu.memory_space<vmem>>) dst(%dma_wait3A_52 : memref<10240x128xf32, #tpu.memory_space<vmem_shared>>)
      tpu.yield
    }) : () -> ()
    %barrier3A_39 = arith.constant 0 : index
    tpu.barrier barrier_id(%barrier3A_39)
    "tpu.region"() ({
      %run_scoped3A_40 = tpu.sem_alloc : memref<!tpu.dma_semaphore, #tpu.memory_space<semaphore_mem>>
      %dma_start3A_41 = arith.constant 0 : i32
      %dma_start3A_42 = tpu.memref_slice %arg5[%arg0, %mul3A_6, %dma_start3A_41] : memref<2x10240x128xf32, #tpu.memory_space<hbm>> -> memref<1x640x128xf32, #tpu.memory_space<hbm>>
      %dma_start3A_43 = tpu.memref_squeeze %dma_start3A_42 : memref<1x640x128xf32, #tpu.memory_space<hbm>> -> memref<640x128xf32, #tpu.memory_space<hbm>>
      %dma_start3A_44 = arith.constant 0 : i32
      %dma_start3A_45 = tpu.memref_slice %arg10[%mul3A_6, %dma_start3A_44] : memref<10240x128xf32, #tpu.memory_space<vmem_shared>> -> memref<640x128xf32, #tpu.memory_space<vmem_shared>>
      tpu.enqueue_dma source(%dma_start3A_45 : memref<640x128xf32, #tpu.memory_space<vmem_shared>>) target(%dma_start3A_43 : memref<640x128xf32, #tpu.memory_space<hbm>>) target_semaphore(%run_scoped3A_40 : memref<!tpu.dma_semaphore, #tpu.memory_space<semaphore_mem>>)
      %dma_wait3A_46 = arith.constant 0 : i32
      %dma_wait3A_47 = tpu.memref_slice %arg5[%arg0, %mul3A_6, %dma_wait3A_46] : memref<2x10240x128xf32, #tpu.memory_space<hbm>> -> memref<1x640x128xf32, #tpu.memory_space<hbm>>
      %dma_wait3A_48 = tpu.memref_squeeze %dma_wait3A_47 : memref<1x640x128xf32, #tpu.memory_space<hbm>> -> memref<640x128xf32, #tpu.memory_space<hbm>>
      %dma_wait3A_49 = arith.constant 0 : i32
      %dma_wait3A_50 = tpu.memref_slice %arg10[%mul3A_6, %dma_wait3A_49] : memref<10240x128xf32, #tpu.memory_space<vmem_shared>> -> memref<640x128xf32, #tpu.memory_space<vmem_shared>>
      tpu.wait_dma2 semaphore(%run_scoped3A_40 : memref<!tpu.dma_semaphore, #tpu.memory_space<semaphore_mem>>) src(%dma_wait3A_50 : memref<640x128xf32, #tpu.memory_space<vmem_shared>>) dst(%dma_wait3A_48 : memref<640x128xf32, #tpu.memory_space<hbm>>)
      tpu.yield
    }) : () -> ()
    return
  }
}

module attributes {stable_mosaic.version = 14 : i64} {
  func.func @body(%arg0: i32, %arg1: memref<2000x128xf32, #tpu.memory_space<vmem>>, %arg2: memref<1x2000x128xf32, #tpu.memory_space<vmem>>, %arg3: memref<1x2000x128xf32, #tpu.memory_space<vmem>>, %arg4: memref<1x2000x16xf32, #tpu.memory_space<vmem>>, %arg5: memref<1x2000x16xf32, #tpu.memory_space<vmem>>, %arg6: memref<1x2000x16xf32, #tpu.memory_space<vmem>>, %arg7: memref<1x2000x16xf32, #tpu.memory_space<vmem>>, %arg8: memref<16x128xf32, #tpu.memory_space<vmem>>, %arg9: memref<128x256xf32, #tpu.memory_space<vmem>>, %arg10: memref<1x256xf32, #tpu.memory_space<vmem>>, %arg11: memref<256x128xf32, #tpu.memory_space<vmem>>, %arg12: memref<1x128xf32, #tpu.memory_space<vmem>>, %arg13: memref<1x1x2000xi32, #tpu.memory_space<vmem>>, %arg14: memref<2000x128xf32, #tpu.memory_space<vmem>>, %arg15: memref<256x128xf32, #tpu.memory_space<vmem>>, %arg16: memref<256x128xf32, #tpu.memory_space<vmem>>, %arg17: memref<256x1xf32, #tpu.memory_space<vmem>>) attributes {dimension_semantics = [#tpu.dimension_semantics<arbitrary>], iteration_bounds = array<i64: 5>, scalar_prefetch = 0 : i64, scratch_operands = 2 : i64, tpu.core_type = #tpu.core_type<tc>, window_params = [{transform_indices = @transform_0, window_bounds = array<i64: 2000, 128>}, {transform_indices = @transform_1, window_bounds = array<i64: 1, 2000, 128>}, {transform_indices = @transform_2, window_bounds = array<i64: 1, 2000, 128>}, {transform_indices = @transform_3, window_bounds = array<i64: 1, 2000, 16>}, {transform_indices = @transform_4, window_bounds = array<i64: 1, 2000, 16>}, {transform_indices = @transform_5, window_bounds = array<i64: 1, 2000, 16>}, {transform_indices = @transform_6, window_bounds = array<i64: 1, 2000, 16>}, {pipeline_mode = #tpu.pipeline_mode<synchronous>, transform_indices = @transform_7, window_bounds = array<i64: 16, 128>}, {pipeline_mode = #tpu.pipeline_mode<synchronous>, transform_indices = @transform_8, window_bounds = array<i64: 128, 256>}, {pipeline_mode = #tpu.pipeline_mode<synchronous>, transform_indices = @transform_9, window_bounds = array<i64: 1, 256>}, {pipeline_mode = #tpu.pipeline_mode<synchronous>, transform_indices = @transform_10, window_bounds = array<i64: 256, 128>}, {pipeline_mode = #tpu.pipeline_mode<synchronous>, transform_indices = @transform_11, window_bounds = array<i64: 1, 128>}, {transform_indices = @transform_12, window_bounds = array<i64: 1, 1, 2000>}, {transform_indices = @transform_13, window_bounds = array<i64: 2000, 128>}, {pipeline_mode = #tpu.pipeline_mode<synchronous>, transform_indices = @transform_14, window_bounds = array<i64: 256, 128>}]} {
    %eq3A = arith.constant 0 : i32
    %eq3A_0 = arith.cmpi eq, %arg0, %eq3A : i32
    %convert_element_type3A = arith.extui %eq3A_0 : i1 to i32
    %cond3A = arith.constant 0 : i32
    %cond3A_1 = arith.cmpi ne, %convert_element_type3A, %cond3A : i32
    scf.if %cond3A_1 {
      %broadcast_in_dim3A_149 = arith.constant 0.000000e+00 : f32
      %broadcast_in_dim3A_150 = vector.broadcast %broadcast_in_dim3A_149 : f32 to vector<256x128xf32>
      %swap3A_151 = arith.constant 0 : index
      %swap3A_152 = arith.constant 0 : index
      %swap3A_153 = vector.load %arg16[%swap3A_151, %swap3A_152] : memref<256x128xf32, #tpu.memory_space<vmem>>, vector<256x128xf32>
      tpu.vector_store %arg16[%swap3A_151, %swap3A_152], %broadcast_in_dim3A_150 {strides = array<i32>} : memref<256x128xf32, #tpu.memory_space<vmem>>, vector<256x128xf32>,
      %broadcast_in_dim3A_154 = arith.constant 0.000000e+00 : f32
      %broadcast_in_dim3A_155 = vector.broadcast %broadcast_in_dim3A_154 : f32 to vector<256x1xf32>
      %swap3A_156 = arith.constant 0 : index
      %swap3A_157 = arith.constant 0 : index
      %swap3A_158 = vector.load %arg17[%swap3A_156, %swap3A_157] : memref<256x1xf32, #tpu.memory_space<vmem>>, vector<256x1xf32>
      tpu.vector_store %arg17[%swap3A_156, %swap3A_157], %broadcast_in_dim3A_155 {strides = array<i32>} : memref<256x1xf32, #tpu.memory_space<vmem>>, vector<256x1xf32>,
    } else {
    }
    %get3A = arith.constant 0 : index
    %get3A_2 = arith.constant 0 : index
    %get3A_3 = arith.constant 0 : index
    %get3A_4 = vector.load %arg4[%get3A, %get3A_2, %get3A_3] : memref<1x2000x16xf32, #tpu.memory_space<vmem>>, vector<1x2000x16xf32>
    %get3A_5 = vector.shape_cast %get3A_4 : vector<1x2000x16xf32> to vector<2000x16xf32>
    %get3A_6 = arith.constant 0 : index
    %get3A_7 = arith.constant 0 : index
    %get3A_8 = arith.constant 0 : index
    %get3A_9 = vector.load %arg5[%get3A_6, %get3A_7, %get3A_8] : memref<1x2000x16xf32, #tpu.memory_space<vmem>>, vector<1x2000x16xf32>
    %get3A_10 = vector.shape_cast %get3A_9 : vector<1x2000x16xf32> to vector<2000x16xf32>
    %add3A = arith.addf %get3A_5, %get3A_10 : vector<2000x16xf32>
    %get3A_11 = arith.constant 0 : index
    %get3A_12 = arith.constant 0 : index
    %get3A_13 = arith.constant 0 : index
    %get3A_14 = vector.load %arg6[%get3A_11, %get3A_12, %get3A_13] : memref<1x2000x16xf32, #tpu.memory_space<vmem>>, vector<1x2000x16xf32>
    %get3A_15 = vector.shape_cast %get3A_14 : vector<1x2000x16xf32> to vector<2000x16xf32>
    %get3A_16 = arith.constant 0 : index
    %get3A_17 = arith.constant 0 : index
    %get3A_18 = arith.constant 0 : index
    %get3A_19 = vector.load %arg7[%get3A_16, %get3A_17, %get3A_18] : memref<1x2000x16xf32, #tpu.memory_space<vmem>>, vector<1x2000x16xf32>
    %get3A_20 = vector.shape_cast %get3A_19 : vector<1x2000x16xf32> to vector<2000x16xf32>
    %add3A_21 = arith.addf %get3A_15, %get3A_20 : vector<2000x16xf32>
    %add3A_22 = arith.addf %add3A, %add3A_21 : vector<2000x16xf32>
    %get3A_23 = arith.constant 0 : index
    %get3A_24 = arith.constant 0 : index
    %get3A_25 = vector.load %arg1[%get3A_23, %get3A_24] : memref<2000x128xf32, #tpu.memory_space<vmem>>, vector<2000x128xf32>
    %get3A_26 = arith.constant 0 : index
    %get3A_27 = arith.constant 0 : index
    %get3A_28 = arith.constant 0 : index
    %get3A_29 = vector.load %arg2[%get3A_26, %get3A_27, %get3A_28] : memref<1x2000x128xf32, #tpu.memory_space<vmem>>, vector<1x2000x128xf32>
    %get3A_30 = vector.shape_cast %get3A_29 : vector<1x2000x128xf32> to vector<2000x128xf32>
    %add3A_31 = arith.addf %get3A_25, %get3A_30 : vector<2000x128xf32>
    %get3A_32 = arith.constant 0 : index
    %get3A_33 = arith.constant 0 : index
    %get3A_34 = arith.constant 0 : index
    %get3A_35 = vector.load %arg3[%get3A_32, %get3A_33, %get3A_34] : memref<1x2000x128xf32, #tpu.memory_space<vmem>>, vector<1x2000x128xf32>
    %get3A_36 = vector.shape_cast %get3A_35 : vector<1x2000x128xf32> to vector<2000x128xf32>
    %add3A_37 = arith.addf %add3A_31, %get3A_36 : vector<2000x128xf32>
    %get3A_38 = arith.constant 0 : index
    %get3A_39 = arith.constant 0 : index
    %get3A_40 = vector.load %arg8[%get3A_38, %get3A_39] : memref<16x128xf32, #tpu.memory_space<vmem>>, vector<16x128xf32>
    %convert_element_type3A_41 = arith.truncf %add3A_22 : vector<2000x16xf32> to vector<2000x16xbf16>
    %convert_element_type3A_42 = arith.extf %convert_element_type3A_41 : vector<2000x16xbf16> to vector<2000x16xf32>
    %sub3A = arith.subf %add3A_22, %convert_element_type3A_42 : vector<2000x16xf32>
    %convert_element_type3A_43 = arith.truncf %sub3A : vector<2000x16xf32> to vector<2000x16xbf16>
    %convert_element_type3A_44 = arith.truncf %get3A_40 : vector<16x128xf32> to vector<16x128xbf16>
    %convert_element_type3A_45 = arith.extf %convert_element_type3A_44 : vector<16x128xbf16> to vector<16x128xf32>
    %sub3A_46 = arith.subf %get3A_40, %convert_element_type3A_45 : vector<16x128xf32>
    %convert_element_type3A_47 = arith.truncf %sub3A_46 : vector<16x128xf32> to vector<16x128xbf16>
    %dot_general3A = arith.constant dense<0.000000e+00> : vector<2000x128xf32>
    %dot_general3A_48 = tpu.matmul %convert_element_type3A_41, %convert_element_type3A_47, %dot_general3A {dimension_numbers = #tpu.dot_dimension_numbers<[1], [0], [0], [1], [0, 0, 1, 1], [], []>, transpose_lhs_hint = false} : vector<2000x16xbf16>, vector<16x128xbf16>, vector<2000x128xf32> -> vector<2000x128xf32>
    %dot_general3A_49 = arith.constant dense<0.000000e+00> : vector<2000x128xf32>
    %dot_general3A_50 = tpu.matmul %convert_element_type3A_43, %convert_element_type3A_44, %dot_general3A_49 {dimension_numbers = #tpu.dot_dimension_numbers<[1], [0], [0], [1], [0, 0, 1, 1], [], []>, transpose_lhs_hint = false} : vector<2000x16xbf16>, vector<16x128xbf16>, vector<2000x128xf32> -> vector<2000x128xf32>
    %add3A_51 = arith.addf %dot_general3A_48, %dot_general3A_50 : vector<2000x128xf32>
    %dot_general3A_52 = arith.constant dense<0.000000e+00> : vector<2000x128xf32>
    %dot_general3A_53 = tpu.matmul %convert_element_type3A_41, %convert_element_type3A_44, %dot_general3A_52 {dimension_numbers = #tpu.dot_dimension_numbers<[1], [0], [0], [1], [0, 0, 1, 1], [], []>, transpose_lhs_hint = false} : vector<2000x16xbf16>, vector<16x128xbf16>, vector<2000x128xf32> -> vector<2000x128xf32>
    %add3A_54 = arith.addf %add3A_51, %dot_general3A_53 : vector<2000x128xf32>
    %add3A_55 = arith.addf %add3A_37, %add3A_54 : vector<2000x128xf32>
    %get3A_56 = arith.constant 0 : index
    %get3A_57 = arith.constant 0 : index
    %get3A_58 = vector.load %arg9[%get3A_56, %get3A_57] : memref<128x256xf32, #tpu.memory_space<vmem>>, vector<128x256xf32>
    %convert_element_type3A_59 = arith.truncf %add3A_55 : vector<2000x128xf32> to vector<2000x128xbf16>
    %convert_element_type3A_60 = arith.extf %convert_element_type3A_59 : vector<2000x128xbf16> to vector<2000x128xf32>
    %sub3A_61 = arith.subf %add3A_55, %convert_element_type3A_60 : vector<2000x128xf32>
    %convert_element_type3A_62 = arith.truncf %sub3A_61 : vector<2000x128xf32> to vector<2000x128xbf16>
    %convert_element_type3A_63 = arith.truncf %get3A_58 : vector<128x256xf32> to vector<128x256xbf16>
    %convert_element_type3A_64 = arith.extf %convert_element_type3A_63 : vector<128x256xbf16> to vector<128x256xf32>
    %sub3A_65 = arith.subf %get3A_58, %convert_element_type3A_64 : vector<128x256xf32>
    %convert_element_type3A_66 = arith.truncf %sub3A_65 : vector<128x256xf32> to vector<128x256xbf16>
    %dot_general3A_67 = arith.constant dense<0.000000e+00> : vector<2000x256xf32>
    %dot_general3A_68 = tpu.matmul %convert_element_type3A_59, %convert_element_type3A_66, %dot_general3A_67 {dimension_numbers = #tpu.dot_dimension_numbers<[1], [0], [0], [1], [0, 0, 1, 1], [], []>, transpose_lhs_hint = false} : vector<2000x128xbf16>, vector<128x256xbf16>, vector<2000x256xf32> -> vector<2000x256xf32>
    %dot_general3A_69 = arith.constant dense<0.000000e+00> : vector<2000x256xf32>
    %dot_general3A_70 = tpu.matmul %convert_element_type3A_62, %convert_element_type3A_63, %dot_general3A_69 {dimension_numbers = #tpu.dot_dimension_numbers<[1], [0], [0], [1], [0, 0, 1, 1], [], []>, transpose_lhs_hint = false} : vector<2000x128xbf16>, vector<128x256xbf16>, vector<2000x256xf32> -> vector<2000x256xf32>
    %add3A_71 = arith.addf %dot_general3A_68, %dot_general3A_70 : vector<2000x256xf32>
    %dot_general3A_72 = arith.constant dense<0.000000e+00> : vector<2000x256xf32>
    %dot_general3A_73 = tpu.matmul %convert_element_type3A_59, %convert_element_type3A_63, %dot_general3A_72 {dimension_numbers = #tpu.dot_dimension_numbers<[1], [0], [0], [1], [0, 0, 1, 1], [], []>, transpose_lhs_hint = false} : vector<2000x128xbf16>, vector<128x256xbf16>, vector<2000x256xf32> -> vector<2000x256xf32>
    %add3A_74 = arith.addf %add3A_71, %dot_general3A_73 : vector<2000x256xf32>
    %get3A_75 = arith.constant 0 : index
    %get3A_76 = arith.constant 0 : index
    %get3A_77 = vector.load %arg10[%get3A_75, %get3A_76] : memref<1x256xf32, #tpu.memory_space<vmem>>, vector<1x256xf32>
    %add3A_78 = vector.broadcast %get3A_77 : vector<1x256xf32> to vector<2000x256xf32>
    %add3A_79 = arith.addf %add3A_74, %add3A_78 : vector<2000x256xf32>
    %max3A = arith.constant 0.000000e+00 : f32
    %max3A_80 = vector.broadcast %max3A : f32 to vector<2000x256xf32>
    %max3A_81 = arith.maximumf %add3A_79, %max3A_80 : vector<2000x256xf32>
    %get3A_82 = arith.constant 0 : index
    %get3A_83 = arith.constant 0 : index
    %get3A_84 = vector.load %arg11[%get3A_82, %get3A_83] : memref<256x128xf32, #tpu.memory_space<vmem>>, vector<256x128xf32>
    %convert_element_type3A_85 = arith.truncf %max3A_81 : vector<2000x256xf32> to vector<2000x256xbf16>
    %convert_element_type3A_86 = arith.extf %convert_element_type3A_85 : vector<2000x256xbf16> to vector<2000x256xf32>
    %sub3A_87 = arith.subf %max3A_81, %convert_element_type3A_86 : vector<2000x256xf32>
    %convert_element_type3A_88 = arith.truncf %sub3A_87 : vector<2000x256xf32> to vector<2000x256xbf16>
    %convert_element_type3A_89 = arith.truncf %get3A_84 : vector<256x128xf32> to vector<256x128xbf16>
    %convert_element_type3A_90 = arith.extf %convert_element_type3A_89 : vector<256x128xbf16> to vector<256x128xf32>
    %sub3A_91 = arith.subf %get3A_84, %convert_element_type3A_90 : vector<256x128xf32>
    %convert_element_type3A_92 = arith.truncf %sub3A_91 : vector<256x128xf32> to vector<256x128xbf16>
    %dot_general3A_93 = arith.constant dense<0.000000e+00> : vector<2000x128xf32>
    %dot_general3A_94 = tpu.matmul %convert_element_type3A_85, %convert_element_type3A_92, %dot_general3A_93 {dimension_numbers = #tpu.dot_dimension_numbers<[1], [0], [0], [1], [0, 0, 1, 1], [], []>, transpose_lhs_hint = false} : vector<2000x256xbf16>, vector<256x128xbf16>, vector<2000x128xf32> -> vector<2000x128xf32>
    %dot_general3A_95 = arith.constant dense<0.000000e+00> : vector<2000x128xf32>
    %dot_general3A_96 = tpu.matmul %convert_element_type3A_88, %convert_element_type3A_89, %dot_general3A_95 {dimension_numbers = #tpu.dot_dimension_numbers<[1], [0], [0], [1], [0, 0, 1, 1], [], []>, transpose_lhs_hint = false} : vector<2000x256xbf16>, vector<256x128xbf16>, vector<2000x128xf32> -> vector<2000x128xf32>
    %add3A_97 = arith.addf %dot_general3A_94, %dot_general3A_96 : vector<2000x128xf32>
    %dot_general3A_98 = arith.constant dense<0.000000e+00> : vector<2000x128xf32>
    %dot_general3A_99 = tpu.matmul %convert_element_type3A_85, %convert_element_type3A_89, %dot_general3A_98 {dimension_numbers = #tpu.dot_dimension_numbers<[1], [0], [0], [1], [0, 0, 1, 1], [], []>, transpose_lhs_hint = false} : vector<2000x256xbf16>, vector<256x128xbf16>, vector<2000x128xf32> -> vector<2000x128xf32>
    %add3A_100 = arith.addf %add3A_97, %dot_general3A_99 : vector<2000x128xf32>
    %get3A_101 = arith.constant 0 : index
    %get3A_102 = arith.constant 0 : index
    %get3A_103 = vector.load %arg12[%get3A_101, %get3A_102] : memref<1x128xf32, #tpu.memory_space<vmem>>, vector<1x128xf32>
    %add3A_104 = vector.broadcast %get3A_103 : vector<1x128xf32> to vector<2000x128xf32>
    %add3A_105 = arith.addf %add3A_100, %add3A_104 : vector<2000x128xf32>
    %swap3A = arith.constant 0 : index
    %swap3A_106 = arith.constant 0 : index
    %swap3A_107 = vector.load %arg14[%swap3A, %swap3A_106] : memref<2000x128xf32, #tpu.memory_space<vmem>>, vector<2000x128xf32>
    tpu.vector_store %arg14[%swap3A, %swap3A_106], %add3A_105 {strides = array<i32>} : memref<2000x128xf32, #tpu.memory_space<vmem>>, vector<2000x128xf32>,
    %get3A_108 = arith.constant 0 : index
    %get3A_109 = arith.constant 0 : index
    %get3A_110 = arith.constant 0 : index
    %get3A_111 = vector.load %arg13[%get3A_108, %get3A_109, %get3A_110] : memref<1x1x2000xi32, #tpu.memory_space<vmem>>, vector<1x1x2000xi32>
    %get3A_112 = vector.shape_cast %get3A_111 : vector<1x1x2000xi32> to vector<1x2000xi32>
    %iota3A = tpu.iota {dimensions = array<i32: 0>} : vector<256x2000xi32>
    %eq3A_113 = vector.broadcast %get3A_112 : vector<1x2000xi32> to vector<256x2000xi32>
    %eq3A_114 = arith.cmpi eq, %iota3A, %eq3A_113 : vector<256x2000xi32>
    %convert_element_type3A_115 = arith.extui %eq3A_114 : vector<256x2000xi1> to vector<256x2000xi32>
    %convert_element_type3A_116 = arith.sitofp %convert_element_type3A_115 : vector<256x2000xi32> to vector<256x2000xf32>
    %convert_element_type3A_117 = arith.truncf %convert_element_type3A_116 : vector<256x2000xf32> to vector<256x2000xbf16>
    %convert_element_type3A_118 = arith.truncf %add3A_105 : vector<2000x128xf32> to vector<2000x128xbf16>
    %convert_element_type3A_119 = arith.extf %convert_element_type3A_118 : vector<2000x128xbf16> to vector<2000x128xf32>
    %sub3A_120 = arith.subf %add3A_105, %convert_element_type3A_119 : vector<2000x128xf32>
    %convert_element_type3A_121 = arith.truncf %sub3A_120 : vector<2000x128xf32> to vector<2000x128xbf16>
    %get3A_122 = arith.constant 0 : index
    %get3A_123 = arith.constant 0 : index
    %get3A_124 = vector.load %arg16[%get3A_122, %get3A_123] : memref<256x128xf32, #tpu.memory_space<vmem>>, vector<256x128xf32>
    %dot_general3A_125 = arith.constant dense<0.000000e+00> : vector<256x128xf32>
    %dot_general3A_126 = tpu.matmul %convert_element_type3A_117, %convert_element_type3A_118, %dot_general3A_125 {dimension_numbers = #tpu.dot_dimension_numbers<[1], [0], [0], [1], [0, 0, 1, 1], [], []>, transpose_lhs_hint = false} : vector<256x2000xbf16>, vector<2000x128xbf16>, vector<256x128xf32> -> vector<256x128xf32>
    %dot_general3A_127 = arith.constant dense<0.000000e+00> : vector<256x128xf32>
    %dot_general3A_128 = tpu.matmul %convert_element_type3A_117, %convert_element_type3A_121, %dot_general3A_127 {dimension_numbers = #tpu.dot_dimension_numbers<[1], [0], [0], [1], [0, 0, 1, 1], [], []>, transpose_lhs_hint = false} : vector<256x2000xbf16>, vector<2000x128xbf16>, vector<256x128xf32> -> vector<256x128xf32>
    %add3A_129 = arith.addf %dot_general3A_126, %dot_general3A_128 : vector<256x128xf32>
    %add3A_130 = arith.addf %get3A_124, %add3A_129 : vector<256x128xf32>
    %swap3A_131 = arith.constant 0 : index
    %swap3A_132 = arith.constant 0 : index
    %swap3A_133 = vector.load %arg16[%swap3A_131, %swap3A_132] : memref<256x128xf32, #tpu.memory_space<vmem>>, vector<256x128xf32>
    tpu.vector_store %arg16[%swap3A_131, %swap3A_132], %add3A_130 {strides = array<i32>} : memref<256x128xf32, #tpu.memory_space<vmem>>, vector<256x128xf32>,
    %get3A_134 = arith.constant 0 : index
    %get3A_135 = arith.constant 0 : index
    %get3A_136 = vector.load %arg17[%get3A_134, %get3A_135] : memref<256x1xf32, #tpu.memory_space<vmem>>, vector<256x1xf32>
    %convert_element_type3A_137 = arith.extui %eq3A_114 : vector<256x2000xi1> to vector<256x2000xi32>
    %convert_element_type3A_138 = arith.sitofp %convert_element_type3A_137 : vector<256x2000xi32> to vector<256x2000xf32>
    %reduce_sum3A = arith.constant dense<0.000000e+00> : vector<256xf32>
    %reduce_sum3A_139 = vector.multi_reduction <add>, %convert_element_type3A_138, %reduce_sum3A [1] : vector<256x2000xf32> to vector<256xf32>
    %broadcast_in_dim3A = vector.shape_cast %reduce_sum3A_139 : vector<256xf32> to vector<256x1xf32>
    %add3A_140 = arith.addf %get3A_136, %broadcast_in_dim3A : vector<256x1xf32>
    %swap3A_141 = arith.constant 0 : index
    %swap3A_142 = arith.constant 0 : index
    %swap3A_143 = vector.load %arg17[%swap3A_141, %swap3A_142] : memref<256x1xf32, #tpu.memory_space<vmem>>, vector<256x1xf32>
    tpu.vector_store %arg17[%swap3A_141, %swap3A_142], %add3A_140 {strides = array<i32>} : memref<256x1xf32, #tpu.memory_space<vmem>>, vector<256x1xf32>,
    %eq3A_144 = arith.constant 4 : i32
    %eq3A_145 = arith.cmpi eq, %arg0, %eq3A_144 : i32
    %convert_element_type3A_146 = arith.extui %eq3A_145 : i1 to i32
    %cond3A_147 = arith.constant 0 : i32
    %cond3A_148 = arith.cmpi ne, %convert_element_type3A_146, %cond3A_147 : i32
    scf.if %cond3A_148 {
      %get3A_149 = arith.constant 0 : index
      %get3A_150 = arith.constant 0 : index
      %get3A_151 = vector.load %arg16[%get3A_149, %get3A_150] : memref<256x128xf32, #tpu.memory_space<vmem>>, vector<256x128xf32>
      %get3A_152 = arith.constant 0 : index
      %get3A_153 = arith.constant 0 : index
      %get3A_154 = vector.load %arg17[%get3A_152, %get3A_153] : memref<256x1xf32, #tpu.memory_space<vmem>>, vector<256x1xf32>
      %max3A_155 = arith.constant 1.000000e+00 : f32
      %max3A_156 = vector.broadcast %max3A_155 : f32 to vector<256x1xf32>
      %max3A_157 = arith.maximumf %get3A_154, %max3A_156 : vector<256x1xf32>
      %div3A = vector.broadcast %max3A_157 : vector<256x1xf32> to vector<256x128xf32>
      %div3A_158 = arith.divf %get3A_151, %div3A : vector<256x128xf32>
      %swap3A_159 = arith.constant 0 : index
      %swap3A_160 = arith.constant 0 : index
      %swap3A_161 = vector.load %arg15[%swap3A_159, %swap3A_160] : memref<256x128xf32, #tpu.memory_space<vmem>>, vector<256x128xf32>
      tpu.vector_store %arg15[%swap3A_159, %swap3A_160], %div3A_158 {strides = array<i32>} : memref<256x128xf32, #tpu.memory_space<vmem>>, vector<256x128xf32>,
    } else {
    }
    return
  }
  func.func @transform_0(%arg0: i32) -> (i32, i32) {
    %c0_i32 = arith.constant 0 : i32
    %c0_i32_0 = arith.constant 0 : i32
    return %arg0, %c0_i32 : i32, i32
  }
  func.func @transform_1(%arg0: i32) -> (i32, i32, i32) {
    %c0_i32 = arith.constant 0 : i32
    %c0_i32_0 = arith.constant 0 : i32
    %c0_i32_1 = arith.constant 0 : i32
    return %c0_i32, %arg0, %c0_i32_0 : i32, i32, i32
  }
  func.func @transform_2(%arg0: i32) -> (i32, i32, i32) {
    %c1_i32 = arith.constant 1 : i32
    %c0_i32 = arith.constant 0 : i32
    %c0_i32_0 = arith.constant 0 : i32
    return %c1_i32, %arg0, %c0_i32 : i32, i32, i32
  }
  func.func @transform_3(%arg0: i32) -> (i32, i32, i32) {
    %c0_i32 = arith.constant 0 : i32
    %c0_i32_0 = arith.constant 0 : i32
    %c0_i32_1 = arith.constant 0 : i32
    return %c0_i32, %arg0, %c0_i32_0 : i32, i32, i32
  }
  func.func @transform_4(%arg0: i32) -> (i32, i32, i32) {
    %c1_i32 = arith.constant 1 : i32
    %c0_i32 = arith.constant 0 : i32
    %c0_i32_0 = arith.constant 0 : i32
    return %c1_i32, %arg0, %c0_i32 : i32, i32, i32
  }
  func.func @transform_5(%arg0: i32) -> (i32, i32, i32) {
    %c2_i32 = arith.constant 2 : i32
    %c0_i32 = arith.constant 0 : i32
    %c0_i32_0 = arith.constant 0 : i32
    return %c2_i32, %arg0, %c0_i32 : i32, i32, i32
  }
  func.func @transform_6(%arg0: i32) -> (i32, i32, i32) {
    %c3_i32 = arith.constant 3 : i32
    %c0_i32 = arith.constant 0 : i32
    %c0_i32_0 = arith.constant 0 : i32
    return %c3_i32, %arg0, %c0_i32 : i32, i32, i32
  }
  func.func @transform_7(%arg0: i32) -> (i32, i32) {
    %c0_i32 = arith.constant 0 : i32
    %c0_i32_0 = arith.constant 0 : i32
    %c0_i32_1 = arith.constant 0 : i32
    return %c0_i32, %c0_i32_0 : i32, i32
  }
  func.func @transform_8(%arg0: i32) -> (i32, i32) {
    %c0_i32 = arith.constant 0 : i32
    %c0_i32_0 = arith.constant 0 : i32
    %c0_i32_1 = arith.constant 0 : i32
    return %c0_i32, %c0_i32_0 : i32, i32
  }
  func.func @transform_9(%arg0: i32) -> (i32, i32) {
    %c0_i32 = arith.constant 0 : i32
    %c0_i32_0 = arith.constant 0 : i32
    %c0_i32_1 = arith.constant 0 : i32
    return %c0_i32, %c0_i32_0 : i32, i32
  }
  func.func @transform_10(%arg0: i32) -> (i32, i32) {
    %c0_i32 = arith.constant 0 : i32
    %c0_i32_0 = arith.constant 0 : i32
    %c0_i32_1 = arith.constant 0 : i32
    return %c0_i32, %c0_i32_0 : i32, i32
  }
  func.func @transform_11(%arg0: i32) -> (i32, i32) {
    %c0_i32 = arith.constant 0 : i32
    %c0_i32_0 = arith.constant 0 : i32
    %c0_i32_1 = arith.constant 0 : i32
    return %c0_i32, %c0_i32_0 : i32, i32
  }
  func.func @transform_12(%arg0: i32) -> (i32, i32, i32) {
    %c0_i32 = arith.constant 0 : i32
    %c0_i32_0 = arith.constant 0 : i32
    %c0_i32_1 = arith.constant 0 : i32
    return %arg0, %c0_i32, %c0_i32_0 : i32, i32, i32
  }
  func.func @transform_13(%arg0: i32) -> (i32, i32) {
    %c0_i32 = arith.constant 0 : i32
    %c0_i32_0 = arith.constant 0 : i32
    return %arg0, %c0_i32 : i32, i32
  }
  func.func @transform_14(%arg0: i32) -> (i32, i32) {
    %c0_i32 = arith.constant 0 : i32
    %c0_i32_0 = arith.constant 0 : i32
    %c0_i32_1 = arith.constant 0 : i32
    return %c0_i32, %c0_i32_0 : i32, i32
  }
}

</mosaic_0001>

<sc_bundles>
// kernel: kernel.5.cloned.1.call-start
scs
__scs_entry_jumppad:
0x0: {  	(pc) =	sbr.rel $0x88, $3  }
0x1: {  	(tag) =	ssettag $0x0;
	lr =	simm.s32 $0x1  }
0x2: {  	[smem:$0x3F98] =	sst lr;
	_ =	strace $0xD0000000  }
0x3: {  	_ = 	snop  }
0x4: {  	_ = 	snop  }
0x5: {  	_ = 	snop  }
0x6: {  	_ = 	snop  }
0x7: {  	_ = 	snop  }
__scs_overlays_trampoline_lowered:
0x8: {  	[smem:$0x3FA7] =	sst s0  }
0x9: {  	[smem:$0x3FA8] =	sst s1  }
0xa: {  	[smem:$0x3FA9] =	sst s2  }
0xb: {  	[smem:$0x3FAA] =	sst s3  }
0xc: {  	[smem:$0x3FAB] =	sst s4  }
0xd: {  	[smem:$0x3FAC] =	sst s5  }
0xe: {  	[smem:$0x3FAD] =	sst s6  }
0xf: {  	[smem:$0x3FAE] =	sst s7  }
0x10: {  	[smem:$0x3FAF] =	sst s8  }
0x11: {  	[smem:$0x3FB0] =	sst s9;
	s0 =	simm.s32 @!p0 $0x0  }
0x12: {  	s1 =	sld [smem:$0x3F96];
	s0 =	simm.s32 @p0 $0x1  }
0x13: {  	[smem:$0x3FB1] =	sst s0;
	s0 =	simm.s32 @!p1 $0x0  }
0x14: {  	s2 =	sld [smem:$0x3F95];
	s0 =	simm.s32 @p1 $0x1  }
0x15: {  	[smem:$0x3FB2] =	sst s0;
	s0 =	simm.s32 @!p2 $0x0  }
0x16: {  	s3 =	sld [smem:$0x3FDB];
	s0 =	simm.s32 @p2 $0x1  }
0x17: {  	s4 =	simm.s32 $0x1BF5;
	[smem:$0x3FB4] =	sst s0  }
0x18: {  	s0 =	sld [smem:$0x3F97];
	_ =	swait.ge [sflag:s4], $0x0  }
0x19: {  	s7 =	sld [smem:$0x3F98]  }
0x1a: {  	s8 =	sadd.s32 $0xFFFFE003, lr  }
0x1b: {  	s9 =	sadd.s32 $0xFFFFFEF7, lr;
	s5 =	simm.s32 $0xFFFFFFFF;
	p2 =	slt.u32 s8, $0xFFFFF086  }
0x1c: {  	p1 =	slt.u32 s9, $0xF7A;
	s5 =	simm.s32 @!p2 $0x0  }
0x1d: {  	s5 =	simm.s32 @p1 $0x1;
	p0 =	seq.s32 s7, s2  }
0x1e: {  	s7 =	smul.u32 @!p0 $0xF7A, s2;
	p2 =	seq.s32 @!p0 s5, $0x0  }
0x1f: {  	s9 =	smul.u32 $0xF7A, s1;
	s8 =	simm.s32 @!p0 $0x1BF5;
	p2 =	por !p2, p0  }
0x20: {  	[sflag:s8] =	ssyncset.s32 @!p0 $0xFFFFF086;
	s6 =	sadd.s32 @!p0 s3, s7;
	s7 =	simm.s32 @!p0 $0x108  }
0x21: {  	s3 =	sadd.s32 s3, s9;
	s6 =	sadd.s32 @!p0 $0x88, s6;
	s7 =	simm.s32 @p2 $0x1082  }
0x22: {  	[simem:s7], [sflag:s8] =	dma.local @!p0 [hbm:s6], $0xF7A  }
0x23: {  	s9 =	sor.u32 $0xD0000000, s2;
	s6 =	simm.s32 $0x108;
	_ =	swait.ge @!p0 [sflag:s8], $0x0  }
0x24: {  	s3 =	sadd.s32 $0x88, s3;
	s6 =	simm.s32 @!p1 $0x1082;
	[sflag:s4] =	ssyncset.s32 $0xFFFFF086  }
0x25: {  	[simem:s6], [sflag:s4] =	dma.local [hbm:s3], $0xF7A  }
0x26: {  	[smem:$0x3F98] =	sst s1;
	(tag) =	ssettag s2;
	_ =	strace s9  }
0x27: {  	s1 =	sld [smem:$0x3FA8]  }
0x28: {  	s2 =	sld [smem:$0x3FA9]  }
0x29: {  	s4 =	sld [smem:$0x3FAB]  }
0x2a: {  	p0 =	seq.s32 s5, $0x0;
	s5 =	sld [smem:$0x3FAC]  }
0x2b: {  	s6 =	sld [smem:$0x3FAD]  }
0x2c: {  	s7 =	sld [smem:$0x3FAE]  }
0x2d: {  	s3 =	simm.s32 $0x108;
	s8 =	sld [smem:$0x3FAF]  }
0x2e: {  	s3 =	simm.s32 @!p0 $0x1082;
	s9 =	sld [smem:$0x3FB0]  }
0x2f: {  	lr =	sadd.s32 s0, s3;
	s0 =	sld [smem:$0x3FA7]  }
0x30: {  	s3 =	sld [smem:$0x3FAA]  }
0x31: {  	[smem:$0x3FB3] =	sst s10  }
0x32: {  	s10 =	sld [smem:$0x3FB1];
	_ =	sdelay $0x3  }
0x33: {  	p0 =	seq.s32 s10, $0x1;
	s10 =	sld [smem:$0x3FB3];
	_ =	sdelay $0x3  }
0x34: {  	[smem:$0x3FB3] =	sst s10  }
0x35: {  	s10 =	sld [smem:$0x3FB2];
	_ =	sdelay $0x3  }
0x36: {  	p1 =	seq.s32 s10, $0x1;
	s10 =	sld [smem:$0x3FB3];
	_ =	sdelay $0x3  }
0x37: {  	[smem:$0x3FB3] =	sst s10  }
0x38: {  	s10 =	sld [smem:$0x3FB4]  }
0x39: {  	_ = 	snop;
	(pc) =	sbr.ind lr, $3  }
0x3a: {  	_ = 	snop  }
0x3b: {  	_ = 	snop  }
0x3c: {  	p2 =	seq.s32 s10, $0x1;
	s10 =	sld [smem:$0x3FB3]  }
0x3d: {  	_ =	shalt  }
0x3e: {  	_ =	shalt  }
0x3f: {  	_ =	shalt  }
0x40: {  	_ =	shalt  }
0x41: {  	_ =	shalt  }
0x42: {  	_ =	shalt  }
0x43: {  	_ =	shalt  }
0x44: {  	_ =	shalt  }
0x45: {  	_ =	shalt  }
0x46: {  	_ =	shalt  }
0x47: {  	_ =	shalt  }
0x48: {  	_ =	shalt  }
0x49: {  	_ =	shalt  }
0x4a: {  	_ =	shalt  }
0x4b: {  	_ =	shalt  }
0x4c: {  	_ =	shalt  }
0x4d: {  	_ =	shalt  }
0x4e: {  	_ =	shalt  }
0x4f: {  	_ =	shalt  }
0x50: {  	_ =	shalt  }
0x51: {  	_ =	shalt  }
0x52: {  	_ =	shalt  }
0x53: {  	_ =	shalt  }
0x54: {  	_ =	shalt  }
0x55: {  	_ =	shalt  }
0x56: {  	_ =	shalt  }
0x57: {  	_ =	shalt  }
0x58: {  	_ =	shalt  }
0x59: {  	_ =	shalt  }
0x5a: {  	_ =	shalt  }
0x5b: {  	_ =	shalt  }
0x5c: {  	_ =	shalt  }
0x5d: {  	_ =	shalt  }
0x5e: {  	_ =	shalt  }
0x5f: {  	_ =	shalt  }
0x60: {  	_ =	shalt  }
0x61: {  	_ =	shalt  }
0x62: {  	_ =	shalt  }
0x63: {  	_ =	shalt  }
0x64: {  	_ =	shalt  }
0x65: {  	_ =	shalt  }
0x66: {  	_ =	shalt  }
0x67: {  	_ =	shalt  }
0x68: {  	_ =	shalt  }
0x69: {  	_ =	shalt  }
0x6a: {  	_ =	shalt  }
0x6b: {  	_ =	shalt  }
0x6c: {  	_ =	shalt  }
0x6d: {  	_ =	shalt  }
0x6e: {  	_ =	shalt  }
0x6f: {  	_ =	shalt  }
0x70: {  	_ =	shalt  }
0x71: {  	_ =	shalt  }
0x72: {  	_ =	shalt  }
0x73: {  	_ =	shalt  }
0x74: {  	_ =	shalt  }
0x75: {  	_ =	shalt  }
0x76: {  	_ =	shalt  }
0x77: {  	_ =	shalt  }
0x78: {  	_ =	shalt  }
0x79: {  	_ =	shalt  }
0x7a: {  	_ =	shalt  }
0x7b: {  	_ =	shalt  }
0x7c: {  	_ =	shalt  }
0x7d: {  	_ =	shalt  }
0x7e: {  	_ =	shalt  }
0x7f: {  	_ =	shalt  }
0x80: {  	_ =	shalt  }
0x81: {  	_ =	shalt  }
0x82: {  	_ =	shalt  }
0x83: {  	_ =	shalt  }
0x84: {  	_ =	shalt  }
0x85: {  	_ =	shalt  }
0x86: {  	_ =	shalt  }
0x87: {  	_ =	shalt  }
.Lfunc_end0:
.L_simem_size_0:
called_computation_lowered:
.L_overlay_start_0:
0x88: {  	s2 =	sld [smem:$0x3FD9]  }
0x89: {  	s3 =	sld [smem:$0x3FFE];
	_ =	sdelay $0x1  }
0x8a: {  	s1 =	srdreg.scid  }
0x8b: {  	s0 =	sand.u32 $0x1, s1  }
0x8c: {  	s17 =	sshll.u32 s0, $0xA;
	s2 =	sadd.s32 s3, s2  }
0x8d: {  	s2 =	sadd.s32 s2, s17  }
0x8e: {  	[smem:$0x3FBF] =	sst s2  }
0x8f: {  	_ = 	snop  }
0x90: {  	s18 =	sld [smem:$0x3FC9];
	(tm) =	ssettm $0x1  }
0x91: {  	s19 =	sld [smem:$0x3FFB];
	_ =	sdelay $0x3  }
0x92: {  	_ =	strace s19  }
0x93: {  	s2 =	sld [smem:$0x3FFC];
	_ =	sdelay $0x3  }
0x94: {  	_ =	strace s2  }
0x95: {  	s2 =	sld [smem:$0x3FFD];
	_ =	sdelay $0x3  }
0x96: {  	_ =	strace s2  }
0x97: {  	_ =	strace $0x8FFFFFFF  }
0x98: {  	s20 =	sld [smem:$0x3FDB];
	_ =	sdelay $0x1  }
0x99: {  	s4 =	simm.s32 $_scs_section_size  }
0x9a: {  	s5 =	simm.s32 $_size__tile_overlayer_lowered;
	s6 =	simm.s32 $_tile_overlayer_lowered  }
0x9b: {  	s7 =	simm.s32 $0x1BFF;
	s21 =	sshll.u32 s6, $0x1;
	s4 =	sadd.s32 s4, s20  }
0x9c: {  	s22 =	simm.s32 $0x0;
	s5 =	sshll.u32 s5, $0x1;
	s6 =	sadd.s32 s21, s4  }
0x9d: {  	[timem:s22], [sflag:s7] =	dma.local [hbm:s6], s5  }
0x9e: {  	_ =	swait.ge [sflag:s7], s5  }
0x9f: {  	s5 =	ssub.s32 $0x0, s5;
	[sflag:s7] =	ssyncset.done $0x0  }
0xa0: {  	[sflag:s7] =	ssyncadd.s32 s5;
	_ =	sdelay $0x1  }
0xa1: {  	s23 =	simm.s32 $0x1B8B  }
0xa2: {  	_ =	swait.ge [sflag:s23], $0x1  }
0xa3: {  	[sflag:s23] =	ssyncset.done $0x0  }
0xa4: {  	[sflag:s23] =	ssyncadd.s32 $0xFFFFFFFF  }
0xa5: {  	s5 =	sld [smem:$0x0]  }
0xa6: {  	s6 =	sand.u32 $0xFFFFFFFE, s1  }
0xa7: {  	p0 =	sne.s32 s1, s6  }
0xa8: {  	s6 =	sshll.u32 @p0 s6, $0xE  }
0xa9: {  	s6 =	sadd.s32 @p0 $0x11B8D, s6;
	s7 =	sshll.u32 @p0 s5, $0x11  }
0xaa: {  	s6 =	sor.u32 @p0 s7, s6  }
0xab: {  	[sflag:s6] =	ssyncadd.remote.s32 @p0 $0x1;
	_ =	sdelay $0x1  }
0xac: {  	s6 =	simm.s32 @p0 $0x1B8D  }
0xad: {  	_ =	swait.eq @p0 [sflag:s6], $0x1  }
0xae: {  	[sflag:s6] =	ssyncadd.s32 @p0 $0xFFFFFFFF  }
0xaf: {  	s7 =	sshll.u32 @!p0 s1, $0xE  }
0xb0: {  	s7 =	sor.u32 @!p0 $0x4000, s7;
	s6 =	simm.s32 @!p0 $0x1B8D  }
0xb1: {  	s5 =	sshll.u32 @!p0 s5, $0x11;
	s7 =	sadd.s32 @!p0 $0x11B8D, s7;
	_ =	swait.eq @!p0 [sflag:s6], $0x1  }
0xb2: {  	s5 =	sor.u32 @!p0 s5, s7;
	[sflag:s6] =	ssyncadd.s32 @!p0 $0xFFFFFFFF  }
0xb3: {  	s25 =	simm.s32 $0x1B8E;
	s24 =	sld [smem:$0x3FFE];
	[sflag:s5] =	ssyncadd.remote.s32 @!p0 $0x1  }
0xb4: {  	s26 =	simm.s32 $execute0_lowered;
	[smem:$0x3FD2] =	sst s25  }
0xb5: {  	s6 =	sshll.u32 s26, $0x1;
	_ =	strace $0x80000049;
	[dreg:$0x1] =	wrdreg $0xFFFFFFFF  }
0xb6: {  	s28 =	simm.s32 $_size_execute0_lowered;
	s4 =	sadd.s32 s4, s6;
	[dreg:$0x0] =	wrdreg $0x0  }
0xb7: {  	s6 =	sshll.u32 s28, $0x1;
	[dreg:$0x2] =	wrdreg s4  }
0xb8: {  	[dreg:$0x3] =	wrdreg s6  }
0xb9: {  	[dreg:$0x4] =	wrdreg $0xC0  }
0xba: {  	_ =	task [dreg:s22], $0x5FFFF  }
0xbb: {  	[dreg:$0x1] =	wrdreg $0xFFFFFFFF  }
0xbc: {  	[dreg:$0x0] =	wrdreg $0x60  }
0xbd: {  	[dreg:$0x2] =	wrdreg s18  }
0xbe: {  	[dreg:$0x3] =	wrdreg s24  }
0xbf: {  	[dreg:$0x4] =	wrdreg $0x9E200  }
0xc0: {  	[dreg:$0x5] =	wrdreg $0x9  }
0xc1: {  	_ =	task.clear_ibuf [dreg:s22], $0x6FFFF;
	_ =	strace $0x90000049  }
0xc2: {  	s29 =	simm.s32 $0x9;
	_ =	strace $0x8000004B  }
0xc3: {  	_ =	swait.ge [sflag:s29], $0x1  }
0xc4: {  	[sflag:s29] =	ssyncadd.s32 $0xFFFFFFFF  }
0xc5: {  	_ =	strace $0x9000004B  }
0xc6: {  	_ =	sfence  }
0xc7: {  	s30 =	sld [smem:$0x0];
	_ =	sdelay $0x2  }
0xc8: {  	s31 =	sshll.u32 s1, $0xD;
	s1 =	sshrl.u32 s1, $0x2  }
0xc9: {  	s4 =	sand.u32 $0x4000, s31;
	s1 =	sadd.s32 s1, s30  }
0xca: {  	s0 =	sor.u32 s4, s0;
	s1 =	sshll.u32 s1, $0x11  }
0xcb: {  	s0 =	sor.u32 s1, s0  }
0xcc: {  	s0 =	sadd.s32 $0x8F2B, s0  }
0xcd: {  	[sflag:s0] =	ssyncadd.remote.s32 $0x1  }
0xce: {  	_ =	sfence.sel $0xFFFF  }
0xcf: {  	[dreg:$0x0] =	wrdreg $0xFFFFFFFF;
	(pc) =	sbr.abs _section_cstart, $3  }
0xd0: {  	[dreg:$0x1] =	wrdreg $0xFFFFFFFF  }
0xd1: {  	_ =	task.clear_ibuf [dreg:s22], $0x2FFFF;
	_ =	strace $0x9FFFFFFF  }
0xd2: {  	(tm) =	ssettm $0x7FFFFFFF  }
0xd3: {  	_ =	shalt  }
tec
execute0_lowered:
.L_overlay_start_1:
0x0: {  	(tag) =	ssettag $0x1  }
0x1: {  	s2 =	rddreg [dreg:$0x0]  }
0x2: {  	s0 =	srdreg.scid;
	s6 =	rddreg [dreg:$0x1]  }
0x3: {  	s3 =	rddreg [dreg:$0x2];
	s4 =	simm.s32 $0x0;
	s17 =	simm.s32 $0x4E20  }
0x4: {  	s18 =	simm.s32 $0x3;
	s19 =	simm.s32 $0x2710;
	s20 =	simm.s32 $0x50  }
0x5: {  	s21 =	simm.s32 $0x1;
	s5 =	sand.u32 $0x1, s0;
	s0 =	stileid.u32  }
0x6: {  	s22 =	simm.s32 $0x7620;
	s23 =	simm.s32 $0x2;
	s8 =	smul.u32 $0x14000, s0  }
0x7: {  	s24 =	simm.s32 $0x4DD0;
	s1 =	sshll.u32 s5, $0x4;
	s9 =	smul.u32 $0x140000, s5  }
0x8: {  	s10 =	smul.u32 $0x50000, s0;
	s5 =	ssub.s32 $0x2, s5;
	s1 =	sor.u32 s0, s1  }
0x9: {  	[smem:$0x7FF] =	sst s4;
	s31 =	sshrl.u32 s5, $0x1;
	s7 =	smul.u32 $0x4E2, s1  }
0xa: {  	s1 =	rddreg [dreg:$0x3];
	_ =	strace $0x8000004A;
	s29 =	sadd.s32 s8, s9  }
0xb: {  	s30 =	sshrl.u32 s10, $0x2;
	s16 =	ssub.s32 s5, s31;
	s5 =	sadd.s32 s8, s3  }
0xc: {  	s12 =	sadd.s32 s30, s3;
	s16 =	smax.u32 s16, $0x1;
	s14 =	sadd.s32 s7, s6  }
0xd: {  	s7 =	sshrl.u32 s29, $0x3;
	s8 =	sadd.s32 $0x7800, s12;
	s9 =	sadd.s32 $0xA000, s12  }
0xe: {  	s10 =	sadd.s32 $0xC800, s12;
	s11 =	sadd.s32 $0xF000, s12;
	s15 =	sadd.s32 s7, s6  }
0xf: {  	s6 =	sadd.s32 $0x2800, s12;
	s7 =	sadd.s32 $0x5000, s12;
	s12 =	sadd.s32 $0x11800, s12  }
0x10: {  	v0 =	vimm.f32 $0.0e+00;
	s13 =	sadd.s32 $0xB600, s14;
	s14 =	sadd.s32 $0x1800, s14;
	s15 =	sadd.s32 $0xB1800, s15  }
.LBB2_1:
0x11: {  	s25 =	simm.s32 $0x70;
	s26 =	simm.s32 $0x3C0  }
.LBB2_2:
0x12: {  	p0 =	sne.s32 s26, $0x9FC0;
	[tilespmem:s25+$0x4E20] =	vst v0  }
0x13: {  	[tilespmem:s25+$0x4DB0] =	vst v0  }
0x14: {  	[tilespmem:s25+$0x4DC0] =	vst v0  }
.Ltmp0:
0x15: {  	[tilespmem:s25+$0x4DD0] =	vst v0;
	(pc) =	sbr.rel @p0 .LBB2_2-.Ltmp0, $4  }
0x16: {  	[tilespmem:s25+$0x4DE0] =	vst v0  }
0x17: {  	[tilespmem:s25+$0x4DF0] =	vst v0  }
0x18: {  	[tilespmem:s25+$0x4E00] =	vst v0  }
0x19: {  	[tilespmem:s25+$0x4E10] =	vst v0;
	s25 =	sshra.s32 s26, $0x2;
	s26 =	sadd.s32 $0x200, s26  }
0x1a: {  	[tilespmem:s25+$0x4E20] =	vst v0  }
0x1b: {  	[tilespmem:s25+$0x4DB0] =	vst v0  }
0x1c: {  	[tilespmem:s25+$0x4DC0] =	vst v0  }
0x1d: {  	[tilespmem:s25+$0x4DD0] =	vst v0  }
0x1e: {  	[tilespmem:s25+$0x4DE0] =	vst v0  }
0x1f: {  	[tilespmem:s25+$0x4DF0] =	vst v0  }
0x20: {  	[tilespmem:s25+$0x4E00] =	vst v0  }
0x21: {  	[tilespmem:s25+$0x4E10] =	vst v0  }
0x22: {  	[spmem:s5] =	stream.linear.scatter [tilespmem:s17], [sflag:$0x3], $0x2800, $0x38;
	[tilespmem:$0x1DE20] =	vst v63  }
0x23: {  	_ =	swait.ge [sflag:s18], $0x2800  }
0x24: {  	[sflag:s18] =	ssyncset.done $0x0  }
0x25: {  	[sflag:s18] =	ssyncadd.s32 $0xFFFFD800  }
0x26: {  	[spmem:s6] =	stream.linear.scatter [tilespmem:s17], [sflag:$0x3], $0x2800, $0x38;
	[tilespmem:$0x1DE20] =	vst v63  }
0x27: {  	_ =	swait.ge [sflag:s18], $0x2800  }
0x28: {  	[sflag:s18] =	ssyncset.done $0x0  }
0x29: {  	[sflag:s18] =	ssyncadd.s32 $0xFFFFD800  }
0x2a: {  	[spmem:s7] =	stream.linear.scatter [tilespmem:s17], [sflag:$0x3], $0x2800, $0x38;
	[tilespmem:$0x1DE20] =	vst v63  }
0x2b: {  	_ =	swait.ge [sflag:s18], $0x2800  }
0x2c: {  	[sflag:s18] =	ssyncset.done $0x0  }
0x2d: {  	[sflag:s18] =	ssyncadd.s32 $0xFFFFD800  }
0x2e: {  	[spmem:s8] =	stream.linear.scatter [tilespmem:s17], [sflag:$0x3], $0x2800, $0x38;
	[tilespmem:$0x1DE20] =	vst v63  }
0x2f: {  	_ =	swait.ge [sflag:s18], $0x2800  }
0x30: {  	[sflag:s18] =	ssyncset.done $0x0  }
0x31: {  	[sflag:s18] =	ssyncadd.s32 $0xFFFFD800  }
0x32: {  	[spmem:s9] =	stream.linear.scatter [tilespmem:s17], [sflag:$0x3], $0x2800, $0x38;
	[tilespmem:$0x1DE20] =	vst v63  }
0x33: {  	_ =	swait.ge [sflag:s18], $0x2800  }
0x34: {  	[sflag:s18] =	ssyncset.done $0x0  }
0x35: {  	[sflag:s18] =	ssyncadd.s32 $0xFFFFD800  }
0x36: {  	[spmem:s10] =	stream.linear.scatter [tilespmem:s17], [sflag:$0x3], $0x2800, $0x38;
	[tilespmem:$0x1DE20] =	vst v63  }
0x37: {  	_ =	swait.ge [sflag:s18], $0x2800  }
0x38: {  	[sflag:s18] =	ssyncset.done $0x0  }
0x39: {  	[sflag:s18] =	ssyncadd.s32 $0xFFFFD800  }
0x3a: {  	[spmem:s11] =	stream.linear.scatter [tilespmem:s17], [sflag:$0x3], $0x2800, $0x38;
	[tilespmem:$0x1DE20] =	vst v63  }
0x3b: {  	_ =	swait.ge [sflag:s18], $0x2800  }
0x3c: {  	[sflag:s18] =	ssyncset.done $0x0  }
0x3d: {  	[sflag:s18] =	ssyncadd.s32 $0xFFFFD800  }
0x3e: {  	[spmem:s12] =	stream.linear.scatter [tilespmem:s17], [sflag:$0x3], $0x2800, $0x38;
	[tilespmem:$0x1DE20] =	vst v63  }
0x3f: {  	_ =	swait.ge [sflag:s18], $0x2800  }
0x40: {  	[sflag:s18] =	ssyncset.done $0x0  }
0x41: {  	[sflag:s18] =	ssyncadd.s32 $0xFFFFD800  }
0x42: {  	s26 =	simm.s32 $0x0;
	[bflag:$0x0] =	sbarrier.arrive $0xFFFF  }
0x43: {  	[tilespmem:s26], [sflag:$0x3] =	stream.linear.gather [hbm4b:s13+s26], $0x2710, $0x38;
	[tilespmem:$0x1DE20] =	vst v63  }
0x44: {  	_ =	swait.ge [sflag:s18], $0x2710  }
0x45: {  	[sflag:s18] =	ssyncset.done $0x0  }
0x46: {  	[sflag:s18] =	ssyncadd.s32 $0xFFFFD8F0  }
0x47: {  	[tilespmem:s19], [sflag:$0x3] =	stream.linear.gather [hbm4b:s14+s26], $0x2710, $0x38;
	[tilespmem:$0x1DE20] =	vst v63  }
0x48: {  	_ =	swait.ge [sflag:s18], $0x2710  }
0x49: {  	[sflag:s18] =	ssyncset.done $0x0  }
0x4a: {  	[sflag:s18] =	ssyncadd.s32 $0xFFFFD8F0  }
0x4b: {  	[tilespmem:s17], [sflag:$0x1] =	stream.indirect.gather [hbm4b:s2+s20], $0x80, s26, s20, $0xb8;
	[tilespmem:$0x1DE20] =	vst v63  }
0x4c: {  	_ =	swait.ge [sflag:s21], $0x2800  }
0x4d: {  	[sflag:s21] =	ssyncset.done $0x0  }
0x4e: {  	s28 =	simm.s32 $0x50;
	[sflag:s21] =	ssyncadd.s32 $0xFFFFD800  }
0x4f: {  	[tilespmem:s22], [sflag:$0x2] =	stream.indirect.gather [hbm4b:s2+s20], $0x80, s28, s20, $0xb8;
	[tilespmem:$0x1DE20] =	vst v63  }
0x50: {  	s29 =	simm.s32 $0x2710  }
0x51: {  	[spmem:s3] =	stream.indirect.scatter.add.f32 [tilespmem:s17], [sflag:$0x3], $0x80, s29, s20, $0xb8;
	[tilespmem:$0x1DE20] =	vst v63  }
0x52: {  	_ =	swait.ge [sflag:s18], $0x2800  }
0x53: {  	[sflag:s18] =	ssyncset.done $0x0  }
0x54: {  	[sflag:s18] =	ssyncadd.s32 $0xFFFFD800  }
0x55: {  	_ =	swait.ge [sflag:s23], $0x2800  }
0x56: {  	[sflag:s23] =	ssyncset.done $0x0  }
0x57: {  	s30 =	simm.s32 $0xA0;
	[sflag:s23] =	ssyncadd.s32 $0xFFFFD800  }
0x58: {  	[tilespmem:s17], [sflag:$0x1] =	stream.indirect.gather [hbm4b:s2+s20], $0x80, s30, s20, $0xb8;
	[tilespmem:$0x1DE20] =	vst v63  }
0x59: {  	s31 =	simm.s32 $0x2760  }
0x5a: {  	[spmem:s3] =	stream.indirect.scatter.add.f32 [tilespmem:s22], [sflag:$0x3], $0x80, s31, s20, $0xb8;
	[tilespmem:$0x1DE20] =	vst v63  }
0x5b: {  	_ =	swait.ge [sflag:s18], $0x2800  }
0x5c: {  	s25 =	simm.s32 $0x280;
	[sflag:s18] =	ssyncset.done $0x0  }
.LBB2_4:
0x5d: {  	p0 =	sne.s32 s25, $0x9880  }
0x5e: {  	[sflag:s18] =	ssyncadd.s32 $0xFFFFD800;
	s26 =	smov.u32 s25;
	s25 =	sadd.s32 $0x280, s25  }
0x5f: {  	_ = 	snop  }
0x60: {  	_ =	swait.ge [sflag:s21], $0x2800  }
0x61: {  	s26 =	sshra.s32 s26, $0x2;
	[sflag:s21] =	ssyncset.done $0x0  }
0x62: {  	s28 =	sadd.s32 $0x50, s26;
	[sflag:s21] =	ssyncadd.s32 $0xFFFFD800  }
0x63: {  	[tilespmem:s22], [sflag:$0x2] =	stream.indirect.gather [hbm4b:s2+s20], $0x80, s28, s20, $0xb8;
	[tilespmem:$0x1DE20] =	vst v63  }
0x64: {  	s28 =	sadd.s32 $0x2710, s26  }
0x65: {  	[spmem:s3] =	stream.indirect.scatter.add.f32 [tilespmem:s17], [sflag:$0x3], $0x80, s28, s20, $0xb8;
	[tilespmem:$0x1DE20] =	vst v63  }
0x66: {  	_ =	swait.ge [sflag:s18], $0x2800  }
0x67: {  	[sflag:s18] =	ssyncset.done $0x0  }
0x68: {  	[sflag:s18] =	ssyncadd.s32 $0xFFFFD800  }
0x69: {  	_ =	swait.ge [sflag:s23], $0x2800  }
0x6a: {  	[sflag:s23] =	ssyncset.done $0x0  }
0x6b: {  	s28 =	sadd.s32 $0xA0, s26;
	[sflag:s23] =	ssyncadd.s32 $0xFFFFD800  }
0x6c: {  	[tilespmem:s17], [sflag:$0x1] =	stream.indirect.gather [hbm4b:s2+s20], $0x80, s28, s20, $0xb8;
	[tilespmem:$0x1DE20] =	vst v63  }
.Ltmp1:
0x6d: {  	_ = 	snop;
	(pc) =	sbr.rel @p0 .LBB2_4-.Ltmp1, $4  }
0x6e: {  	s26 =	sadd.s32 $0x2760, s26  }
0x6f: {  	[spmem:s3] =	stream.indirect.scatter.add.f32 [tilespmem:s22], [sflag:$0x3], $0x80, s26, s20, $0xb8;
	[tilespmem:$0x1DE20] =	vst v63  }
0x70: {  	_ =	swait.ge [sflag:s18], $0x2800  }
0x71: {  	[sflag:s18] =	ssyncset.done $0x0  }
0x72: {  	[sflag:s18] =	ssyncadd.s32 $0xFFFFD800  }
0x73: {  	_ =	swait.ge [sflag:s21], $0x2800  }
0x74: {  	[sflag:s21] =	ssyncset.done $0x0  }
0x75: {  	[sflag:s21] =	ssyncadd.s32 $0xFFFFD800  }
0x76: {  	[spmem:s3] =	stream.indirect.scatter.add.f32 [tilespmem:s17], [sflag:$0x3], $0x80, s24, s20, $0xb8;
	[tilespmem:$0x1DE20] =	vst v63  }
0x77: {  	_ =	swait.ge [sflag:s18], $0x2800  }
0x78: {  	s25 =	sshll.u32 s0, $0x6;
	s4 =	sadd.s32 $0x1, s4;
	[sflag:s18] =	ssyncset.done $0x0  }
0x79: {  	s26 =	sshrl.u32 s5, $0x3;
	p0 =	sne.s32 s4, s16;
	[sflag:s18] =	ssyncadd.s32 $0xFFFFD800  }
.Ltmp2:
0x7a: {  	s25 =	sor.u32 $0x1C03, s25;
	[bflag:$0x0] =	sbarrier.arrive $0xFFFF;
	(pc) =	sbr.rel @p0 .LBB2_1-.Ltmp2, $4  }
0x7b: {  	[hbm:s15], [sflag:s25] =	dma.local [spmem:s26], $0x2800  }
0x7c: {  	_ =	swait.ge [sflag:s18], $0x2800  }
0x7d: {  	[sflag:s18] =	ssyncset.done $0x0  }
0x7e: {  	[sflag:s18] =	ssyncadd.s32 $0xFFFFD800  }
0x7f: {  	_ =	sfence.sel $0x180000  }
0x80: {  	[bflag:$0x0] =	sbarrier.arrive $0xFFFF  }
0x81: {  	p0 =	sne.s32 s0, $0x0;
	_ =	strace $0x9000004A  }
0x82: {  	s0 =	sadd.s32 @!p0 $0x100000, s1;
	[bflag:$0x2] =	sbarrier.arrive $0xFFFF  }
0x83: {  	[sflag:s0] =	ssyncadd.tile.s32 @!p0 $0x1;
	_ =	shalt  }
.Lfunc_end2:
_tile_overlayer_lowered:
.L_overlay_start_2:
0x84: {  	(tag) =	ssettag $0x2  }
0x85: {  	s0 =	rddreg [dreg:$0x0];
	s2 =	stileid.u32  }
0x86: {  	s1 =	rddreg [dreg:$0x1];
	p0 =	sne.s32 s2, $0x0  }
0x87: {  	s3 =	rddreg [dreg:$0x2];
	[bflag:$0x3] =	sbarrier.arrive $0xFFFF;
	s2 =	simm.s32 @!p0 $0x1C03  }
0x88: {  	[timem:s3], [sflag:s2] =	dma.local @!p0 [hbm:s0], s1  }
0x89: {  	s0 =	simm.s32 @!p0 $0x3  }
0x8a: {  	_ =	swait.ge @!p0 [sflag:s0], s1  }
0x8b: {  	s1 =	ssub.s32 @!p0 $0x0, s1;
	[sflag:s0] =	ssyncset.done @!p0 $0x0  }
0x8c: {  	[sflag:s0] =	ssyncadd.s32 @!p0 s1  }
0x8d: {  	[bflag:$0x3] =	sbarrier.arrive $0xFFFF  }
0x8e: {  	_ =	shalt  }

// kernel: kernel.8.cloned.1.call-start
scs
__scs_entry_jumppad:
0x0: {  	(pc) =	sbr.rel $0x88, $3  }
0x1: {  	(tag) =	ssettag $0x0;
	lr =	simm.s32 $0x1  }
0x2: {  	[smem:$0x3F98] =	sst lr;
	_ =	strace $0xD0000000  }
0x3: {  	_ = 	snop  }
0x4: {  	_ = 	snop  }
0x5: {  	_ = 	snop  }
0x6: {  	_ = 	snop  }
0x7: {  	_ = 	snop  }
__scs_overlays_trampoline_lowered:
0x8: {  	[smem:$0x3FA7] =	sst s0  }
0x9: {  	[smem:$0x3FA8] =	sst s1  }
0xa: {  	[smem:$0x3FA9] =	sst s2  }
0xb: {  	[smem:$0x3FAA] =	sst s3  }
0xc: {  	[smem:$0x3FAB] =	sst s4  }
0xd: {  	[smem:$0x3FAC] =	sst s5  }
0xe: {  	[smem:$0x3FAD] =	sst s6  }
0xf: {  	[smem:$0x3FAE] =	sst s7  }
0x10: {  	[smem:$0x3FAF] =	sst s8  }
0x11: {  	[smem:$0x3FB0] =	sst s9;
	s0 =	simm.s32 @!p0 $0x0  }
0x12: {  	s1 =	sld [smem:$0x3F96];
	s0 =	simm.s32 @p0 $0x1  }
0x13: {  	[smem:$0x3FB1] =	sst s0;
	s0 =	simm.s32 @!p1 $0x0  }
0x14: {  	s2 =	sld [smem:$0x3F95];
	s0 =	simm.s32 @p1 $0x1  }
0x15: {  	[smem:$0x3FB2] =	sst s0;
	s0 =	simm.s32 @!p2 $0x0  }
0x16: {  	s3 =	sld [smem:$0x3FDB];
	s0 =	simm.s32 @p2 $0x1  }
0x17: {  	s4 =	simm.s32 $0x1BF5;
	[smem:$0x3FB4] =	sst s0  }
0x18: {  	s0 =	sld [smem:$0x3F97];
	_ =	swait.ge [sflag:s4], $0x0  }
0x19: {  	s7 =	sld [smem:$0x3F98]  }
0x1a: {  	s8 =	sadd.s32 $0xFFFFE003, lr  }
0x1b: {  	s9 =	sadd.s32 $0xFFFFFEF7, lr;
	s5 =	simm.s32 $0xFFFFFFFF;
	p2 =	slt.u32 s8, $0xFFFFF086  }
0x1c: {  	p1 =	slt.u32 s9, $0xF7A;
	s5 =	simm.s32 @!p2 $0x0  }
0x1d: {  	s5 =	simm.s32 @p1 $0x1;
	p0 =	seq.s32 s7, s2  }
0x1e: {  	s7 =	smul.u32 @!p0 $0xF7A, s2;
	p2 =	seq.s32 @!p0 s5, $0x0  }
0x1f: {  	s9 =	smul.u32 $0xF7A, s1;
	s8 =	simm.s32 @!p0 $0x1BF5;
	p2 =	por !p2, p0  }
0x20: {  	[sflag:s8] =	ssyncset.s32 @!p0 $0xFFFFF086;
	s6 =	sadd.s32 @!p0 s3, s7;
	s7 =	simm.s32 @!p0 $0x108  }
0x21: {  	s3 =	sadd.s32 s3, s9;
	s6 =	sadd.s32 @!p0 $0x88, s6;
	s7 =	simm.s32 @p2 $0x1082  }
0x22: {  	[simem:s7], [sflag:s8] =	dma.local @!p0 [hbm:s6], $0xF7A  }
0x23: {  	s9 =	sor.u32 $0xD0000000, s2;
	s6 =	simm.s32 $0x108;
	_ =	swait.ge @!p0 [sflag:s8], $0x0  }
0x24: {  	s3 =	sadd.s32 $0x88, s3;
	s6 =	simm.s32 @!p1 $0x1082;
	[sflag:s4] =	ssyncset.s32 $0xFFFFF086  }
0x25: {  	[simem:s6], [sflag:s4] =	dma.local [hbm:s3], $0xF7A  }
0x26: {  	[smem:$0x3F98] =	sst s1;
	(tag) =	ssettag s2;
	_ =	strace s9  }
0x27: {  	s1 =	sld [smem:$0x3FA8]  }
0x28: {  	s2 =	sld [smem:$0x3FA9]  }
0x29: {  	s4 =	sld [smem:$0x3FAB]  }
0x2a: {  	p0 =	seq.s32 s5, $0x0;
	s5 =	sld [smem:$0x3FAC]  }
0x2b: {  	s6 =	sld [smem:$0x3FAD]  }
0x2c: {  	s7 =	sld [smem:$0x3FAE]  }
0x2d: {  	s3 =	simm.s32 $0x108;
	s8 =	sld [smem:$0x3FAF]  }
0x2e: {  	s3 =	simm.s32 @!p0 $0x1082;
	s9 =	sld [smem:$0x3FB0]  }
0x2f: {  	lr =	sadd.s32 s0, s3;
	s0 =	sld [smem:$0x3FA7]  }
0x30: {  	s3 =	sld [smem:$0x3FAA]  }
0x31: {  	[smem:$0x3FB3] =	sst s10  }
0x32: {  	s10 =	sld [smem:$0x3FB1];
	_ =	sdelay $0x3  }
0x33: {  	p0 =	seq.s32 s10, $0x1;
	s10 =	sld [smem:$0x3FB3];
	_ =	sdelay $0x3  }
0x34: {  	[smem:$0x3FB3] =	sst s10  }
0x35: {  	s10 =	sld [smem:$0x3FB2];
	_ =	sdelay $0x3  }
0x36: {  	p1 =	seq.s32 s10, $0x1;
	s10 =	sld [smem:$0x3FB3];
	_ =	sdelay $0x3  }
0x37: {  	[smem:$0x3FB3] =	sst s10  }
0x38: {  	s10 =	sld [smem:$0x3FB4]  }
0x39: {  	_ = 	snop;
	(pc) =	sbr.ind lr, $3  }
0x3a: {  	_ = 	snop  }
0x3b: {  	_ = 	snop  }
0x3c: {  	p2 =	seq.s32 s10, $0x1;
	s10 =	sld [smem:$0x3FB3]  }
0x3d: {  	_ =	shalt  }
0x3e: {  	_ =	shalt  }
0x3f: {  	_ =	shalt  }
0x40: {  	_ =	shalt  }
0x41: {  	_ =	shalt  }
0x42: {  	_ =	shalt  }
0x43: {  	_ =	shalt  }
0x44: {  	_ =	shalt  }
0x45: {  	_ =	shalt  }
0x46: {  	_ =	shalt  }
0x47: {  	_ =	shalt  }
0x48: {  	_ =	shalt  }
0x49: {  	_ =	shalt  }
0x4a: {  	_ =	shalt  }
0x4b: {  	_ =	shalt  }
0x4c: {  	_ =	shalt  }
0x4d: {  	_ =	shalt  }
0x4e: {  	_ =	shalt  }
0x4f: {  	_ =	shalt  }
0x50: {  	_ =	shalt  }
0x51: {  	_ =	shalt  }
0x52: {  	_ =	shalt  }
0x53: {  	_ =	shalt  }
0x54: {  	_ =	shalt  }
0x55: {  	_ =	shalt  }
0x56: {  	_ =	shalt  }
0x57: {  	_ =	shalt  }
0x58: {  	_ =	shalt  }
0x59: {  	_ =	shalt  }
0x5a: {  	_ =	shalt  }
0x5b: {  	_ =	shalt  }
0x5c: {  	_ =	shalt  }
0x5d: {  	_ =	shalt  }
0x5e: {  	_ =	shalt  }
0x5f: {  	_ =	shalt  }
0x60: {  	_ =	shalt  }
0x61: {  	_ =	shalt  }
0x62: {  	_ =	shalt  }
0x63: {  	_ =	shalt  }
0x64: {  	_ =	shalt  }
0x65: {  	_ =	shalt  }
0x66: {  	_ =	shalt  }
0x67: {  	_ =	shalt  }
0x68: {  	_ =	shalt  }
0x69: {  	_ =	shalt  }
0x6a: {  	_ =	shalt  }
0x6b: {  	_ =	shalt  }
0x6c: {  	_ =	shalt  }
0x6d: {  	_ =	shalt  }
0x6e: {  	_ =	shalt  }
0x6f: {  	_ =	shalt  }
0x70: {  	_ =	shalt  }
0x71: {  	_ =	shalt  }
0x72: {  	_ =	shalt  }
0x73: {  	_ =	shalt  }
0x74: {  	_ =	shalt  }
0x75: {  	_ =	shalt  }
0x76: {  	_ =	shalt  }
0x77: {  	_ =	shalt  }
0x78: {  	_ =	shalt  }
0x79: {  	_ =	shalt  }
0x7a: {  	_ =	shalt  }
0x7b: {  	_ =	shalt  }
0x7c: {  	_ =	shalt  }
0x7d: {  	_ =	shalt  }
0x7e: {  	_ =	shalt  }
0x7f: {  	_ =	shalt  }
0x80: {  	_ =	shalt  }
0x81: {  	_ =	shalt  }
0x82: {  	_ =	shalt  }
0x83: {  	_ =	shalt  }
0x84: {  	_ =	shalt  }
0x85: {  	_ =	shalt  }
0x86: {  	_ =	shalt  }
0x87: {  	_ =	shalt  }
.Lfunc_end0:
.L_simem_size_0:
called_computation.1_lowered:
.L_overlay_start_0:
0x88: {  	s2 =	sld [smem:$0x3FD9]  }
0x89: {  	s3 =	sld [smem:$0x3FFE];
	_ =	sdelay $0x1  }
0x8a: {  	s1 =	srdreg.scid  }
0x8b: {  	s0 =	sand.u32 $0x1, s1  }
0x8c: {  	s14 =	sshll.u32 s0, $0xA;
	s2 =	sadd.s32 s3, s2  }
0x8d: {  	s2 =	sadd.s32 s2, s14  }
0x8e: {  	[smem:$0x3FBF] =	sst s2  }
0x8f: {  	_ = 	snop  }
0x90: {  	s2 =	sld [smem:$0x3FD0];
	_ =	sdelay $0x2  }
0x91: {  	s15 =	simm.s32 $0xB;
	s4 =	simm.s32 $0x10  }
0x92: {  	[smem:s4], [sflag:s15] =	dma.local [hbm:s2], $0x1  }
0x93: {  	_ =	swait.eq [sflag:s15], $0x1  }
0x94: {  	[sflag:s15] =	ssyncset.done $0x0  }
0x95: {  	[sflag:s15] =	ssyncadd.s32 $0xFFFFFFFF  }
0x96: {  	s16 =	sld [smem:$0x11];
	(tm) =	ssettm $0x1  }
0x97: {  	s17 =	sld [smem:$0x3FFB];
	_ =	sdelay $0x3  }
0x98: {  	_ =	strace s17  }
0x99: {  	s3 =	sld [smem:$0x3FFC];
	_ =	sdelay $0x3  }
0x9a: {  	_ =	strace s3  }
0x9b: {  	s3 =	sld [smem:$0x3FFD];
	_ =	sdelay $0x3  }
0x9c: {  	_ =	strace s3  }
0x9d: {  	_ =	strace $0x8FFFFFFF  }
0x9e: {  	s18 =	sld [smem:$0x3FDB];
	_ =	sdelay $0x1  }
0x9f: {  	s19 =	simm.s32 $_scs_section_size  }
0xa0: {  	s5 =	simm.s32 $_size__tile_overlayer_lowered;
	s6 =	simm.s32 $_tile_overlayer_lowered  }
0xa1: {  	s22 =	simm.s32 $0x1BFF;
	s21 =	sshll.u32 s6, $0x1;
	s3 =	sadd.s32 s19, s18  }
0xa2: {  	s7 =	simm.s32 $0x0;
	s20 =	sshll.u32 s5, $0x1;
	s5 =	sadd.s32 s21, s3  }
0xa3: {  	[timem:s7], [sflag:s22] =	dma.local [hbm:s5], s20  }
0xa4: {  	_ =	swait.ge [sflag:s22], s20  }
0xa5: {  	s4 =	ssub.s32 $0x0, s20;
	[sflag:s22] =	ssyncset.done $0x0  }
0xa6: {  	[sflag:s22] =	ssyncadd.s32 s4;
	_ =	sdelay $0x1  }
0xa7: {  	s23 =	simm.s32 $0x1B8B  }
0xa8: {  	_ =	swait.ge [sflag:s23], $0x1  }
0xa9: {  	[sflag:s23] =	ssyncset.done $0x0  }
0xaa: {  	s25 =	simm.s32 $0x1B8E;
	s24 =	sld [smem:$0x3FFE];
	[sflag:s23] =	ssyncadd.s32 $0xFFFFFFFF  }
0xab: {  	s26 =	simm.s32 $execute0_lowered;
	[smem:$0x3FD2] =	sst s25  }
0xac: {  	s5 =	sshll.u32 s26, $0x1;
	_ =	strace $0x80000046;
	[dreg:$0x1] =	wrdreg $0xFFFFFFFF  }
0xad: {  	s28 =	simm.s32 $_size_execute0_lowered;
	s3 =	sadd.s32 s3, s5;
	[dreg:$0x0] =	wrdreg $0x0  }
0xae: {  	s5 =	sshll.u32 s28, $0x1;
	[dreg:$0x2] =	wrdreg s3  }
0xaf: {  	[dreg:$0x3] =	wrdreg s5  }
0xb0: {  	[dreg:$0x4] =	wrdreg $0xC0  }
0xb1: {  	_ =	task [dreg:s7], $0x5FFFF  }
0xb2: {  	[dreg:$0x1] =	wrdreg $0xFFFFFFFF  }
0xb3: {  	[dreg:$0x0] =	wrdreg $0x60  }
0xb4: {  	[dreg:$0x2] =	wrdreg s24  }
0xb5: {  	[dreg:$0x3] =	wrdreg s16  }
0xb6: {  	[dreg:$0x4] =	wrdreg $0xA  }
0xb7: {  	_ =	task.clear_ibuf [dreg:s7], $0x5FFFF;
	_ =	strace $0x90000046  }
0xb8: {  	s29 =	simm.s32 $0xA;
	_ =	strace $0x80000048  }
0xb9: {  	_ =	swait.ge [sflag:s29], $0x1  }
0xba: {  	[sflag:s29] =	ssyncadd.s32 $0xFFFFFFFF  }
0xbb: {  	_ =	strace $0x90000048  }
0xbc: {  	_ =	sfence  }
0xbd: {  	s30 =	sld [smem:$0x0];
	_ =	sdelay $0x2  }
0xbe: {  	s31 =	sshll.u32 s1, $0xD;
	s1 =	sshrl.u32 s1, $0x2  }
0xbf: {  	s3 =	sand.u32 $0x4000, s31;
	s1 =	sadd.s32 s1, s30  }
0xc0: {  	s0 =	sor.u32 s3, s0;
	s1 =	sshll.u32 s1, $0x11  }
0xc1: {  	s0 =	sor.u32 s1, s0  }
0xc2: {  	s0 =	sadd.s32 $0x8F2B, s0  }
0xc3: {  	[sflag:s0] =	ssyncadd.remote.s32 $0x1  }
0xc4: {  	_ =	sfence.sel $0xFFFF  }
0xc5: {  	[dreg:$0x0] =	wrdreg $0xFFFFFFFF;
	(pc) =	sbr.abs _section_cstart, $3  }
0xc6: {  	[dreg:$0x1] =	wrdreg $0xFFFFFFFF  }
0xc7: {  	_ =	task.clear_ibuf [dreg:s7], $0x2FFFF;
	_ =	strace $0x9FFFFFFF  }
0xc8: {  	(tm) =	ssettm $0x7FFFFFFF  }
0xc9: {  	_ =	shalt  }
tec
execute0_lowered:
.L_overlay_start_1:
0x0: {  	(tag) =	ssettag $0x1  }
0x1: {  	s1 =	srdreg.scid  }
0x2: {  	s5 =	rddreg [dreg:$0x0];
	s0 =	stileid.u32  }
0x3: {  	s13 =	rddreg [dreg:$0x1];
	s2 =	simm.s32 $0x0;
	s16 =	simm.s32 $0x9C40  }
0x4: {  	s17 =	simm.s32 $0x1;
	s18 =	simm.s32 $0x3;
	s19 =	simm.s32 $0x2710  }
0x5: {  	s20 =	simm.s32 $0x7530;
	s21 =	simm.s32 $0xC350;
	s22 =	simm.s32 $0xEA60  }
0x6: {  	s23 =	simm.s32 $0x11260;
	s24 =	simm.s32 $0x2;
	s12 =	sor.u32 $0x8, s0  }
0x7: {  	s28 =	simm.s32 $0x0;
	s9 =	sand.u32 $0x7, s0;
	s6 =	smul.u32 $0x4E200, s12  }
0x8: {  	s1 =	sand.u32 $0x1, s1;
	s4 =	sshrl.u32 s0, $0x3;
	s15 =	smul.u32 $0x2800, s9  }
0x9: {  	[smem:$0x7FF] =	sst s2;
	s3 =	sshll.u32 s1, $0x1;
	s30 =	smul.u32 $0x2800, s12  }
0xa: {  	_ =	strace $0x80000047;
	s8 =	sor.u32 s4, s3;
	s4 =	smul.u32 $0x4E200, s9  }
0xb: {  	s1 =	ssub.s32 $0x2, s1;
	s3 =	sadd.s32 $0x15400, s5;
	s10 =	smul.u32 $0x2710, s8  }
0xc: {  	s5 =	sadd.s32 $0x1800, s5;
	s7 =	sshrl.u32 s1, $0x1;
	s11 =	smul.u32 $0x13880, s8  }
0xd: {  	s1 =	ssub.s32 s1, s7;
	s7 =	sshll.u32 s8, $0x3;
	s14 =	smul.u32 $0x28000, s8  }
0xe: {  	s8 =	sadd.s32 s5, s10;
	s25 =	sadd.s32 s4, s11;
	s29 =	sadd.s32 s6, s11  }
0xf: {  	s31 =	sadd.s32 s15, s14;
	s14 =	sadd.s32 s30, s14;
	s11 =	sor.u32 $0x2, s7  }
0x10: {  	s15 =	simm.s32 $0x4E20;
	s26 =	sshrl.u32 s25, $0x3;
	s10 =	sshrl.u32 s29, $0x3  }
0x11: {  	s12 =	sshrl.u32 s31, $0x3;
	s14 =	sshrl.u32 s14, $0x3;
	s25 =	simm.s32 $0x4  }
0x12: {  	s9 =	sadd.s32 s3, s26;
	s10 =	sadd.s32 s3, s10;
	s12 =	sadd.s32 s13, s12  }
0x13: {  	v0 =	vimm.f32 $0.0e+00;
	s13 =	sadd.s32 s13, s14;
	s14 =	smax.u32 s1, $0x1;
	s26 =	simm.s32 $0x5  }
.LBB2_1:
0x14: {  	s1 =	simm.s32 $0x40;
	s29 =	simm.s32 $0x0  }
.LBB2_2:
0x15: {  	p0 =	sne.s32 s1, $0x9FC0;
	[tilespmem:s29+$0xEA60] =	vst v0;
	s30 =	smov.u32 s1;
	s1 =	sadd.s32 $0x40, s1  }
.Ltmp0:
0x16: {  	[tilespmem:s29+$0x11260] =	vst v0;
	(pc) =	sbr.rel @p0 .LBB2_2-.Ltmp0, $2  }
0x17: {  	_ =	sdelay $0x2  }
0x18: {  	s29 =	sshra.s32 s30, $0x2  }
0x19: {  	[tilespmem:s29+$0xEA60] =	vst v0  }
0x1a: {  	[tilespmem:s29+$0x11260] =	vst v0;
	s29 =	simm.s32 $0x0  }
0x1b: {  	[tilespmem:s29], [sflag:$0x1] =	stream.linear.gather [hbm4b:s8+s29], $0x2710, $0x38;
	[tilespmem:$0x13A60] =	vst v63  }
0x1c: {  	_ = 	snop  }
0x1d: {  	[tilespmem:s15], [sflag:$0x3] =	stream.linear.gather [hbm4b:s9+s29], $0x2710, $0x38;
	[tilespmem:$0x13A60] =	vst v63  }
0x1e: {  	_ = 	snop  }
0x1f: {  	[tilespmem:s16], [sflag:$0x3] =	stream.linear.gather [hbm4b:s10+s29], $0x2710, $0x38;
	[tilespmem:$0x13A60] =	vst v63  }
.LBB2_4:
0x20: {  	_ =	swait.ge [sflag:s17], $0x2710  }
0x21: {  	[sflag:s17] =	ssyncset.done $0x0  }
0x22: {  	s30 =	sshll.u32 s29, $0x1;
	[sflag:s17] =	ssyncadd.s32 $0xFFFFD8F0  }
0x23: {  	s1 =	sor.u32 s30, s7;
	_ =	swait.ge [sflag:s18], $0x2710  }
0x24: {  	s1 =	smul.u32 $0x2710, s1;
	[sflag:s18] =	ssyncset.done $0x0  }
0x25: {  	[sflag:s18] =	ssyncadd.s32 $0xFFFFD8F0  }
0x26: {  	s1 =	sadd.s32 $0x2710, s1;
	_ =	swait.ge [sflag:s18], $0x2710  }
0x27: {  	s31 =	sshrl.u32 s1, $0x3;
	[sflag:s18] =	ssyncset.done $0x0  }
0x28: {  	s31 =	sadd.s32 s5, s31;
	[sflag:s18] =	ssyncadd.s32 $0xFFFFD8F0  }
0x29: {  	[tilespmem:s19], [sflag:$0x2] =	stream.linear.gather [hbm4b:s31+s2], $0x2710, $0x38;
	[tilespmem:$0x13A60] =	vst v63  }
0x2a: {  	s31 =	sadd.s32 s4, s1  }
0x2b: {  	s1 =	sadd.s32 s6, s1;
	s31 =	sshrl.u32 s31, $0x3  }
0x2c: {  	s1 =	sshrl.u32 s1, $0x3;
	s31 =	sadd.s32 s3, s31  }
0x2d: {  	[tilespmem:s20], [sflag:$0x4] =	stream.linear.gather [hbm4b:s31+s2], $0x2710, $0x38;
	[tilespmem:$0x13A60] =	vst v63  }
0x2e: {  	s1 =	sadd.s32 s3, s1;
	s31 =	simm.s32 $0x600  }
0x2f: {  	[tilespmem:s21], [sflag:$0x4] =	stream.linear.gather [hbm4b:s1+s2], $0x2710, $0x38;
	[tilespmem:$0x13A60] =	vst v63  }
.LBB2_5:
0x30: {  	s1 =	sshra.s32 s31, $0x2  }
0x31: {  	v1 =	vld [tilespmem:s1+$0xFFFFFE80];
	_ =	sdelay $0x2  }
0x32: {  	v2 =	vld [tilespmem:s1+$0x4CA0];
	_ =	sdelay $0x4  }
0x33: {  	[tilespmem:v1+s22+$0x0] =	vst.idx.add.f32.msk $0xffff, v2  }
0x34: {  	v2 =	vld [tilespmem:s1+$0x9AC0];
	_ =	sdelay $0x4  }
0x35: {  	[tilespmem:v1+s23+$0x0] =	vst.idx.add.f32.msk $0xffff, v2  }
0x36: {  	v1 =	vld [tilespmem:s1+$0xFFFFFE90];
	_ =	sdelay $0x2  }
0x37: {  	v2 =	vld [tilespmem:s1+$0x4CB0];
	_ =	sdelay $0x4  }
0x38: {  	[tilespmem:v1+s22+$0x0] =	vst.idx.add.f32.msk $0xffff, v2  }
0x39: {  	v2 =	vld [tilespmem:s1+$0x9AD0];
	_ =	sdelay $0x4  }
0x3a: {  	[tilespmem:v1+s23+$0x0] =	vst.idx.add.f32.msk $0xffff, v2  }
0x3b: {  	v1 =	vld [tilespmem:s1+$0xFFFFFEA0];
	_ =	sdelay $0x2  }
0x3c: {  	v2 =	vld [tilespmem:s1+$0x4CC0];
	_ =	sdelay $0x4  }
0x3d: {  	[tilespmem:v1+s22+$0x0] =	vst.idx.add.f32.msk $0xffff, v2  }
0x3e: {  	v2 =	vld [tilespmem:s1+$0x9AE0];
	_ =	sdelay $0x4  }
0x3f: {  	[tilespmem:v1+s23+$0x0] =	vst.idx.add.f32.msk $0xffff, v2  }
0x40: {  	v1 =	vld [tilespmem:s1+$0xFFFFFEB0];
	_ =	sdelay $0x2  }
0x41: {  	v2 =	vld [tilespmem:s1+$0x4CD0];
	_ =	sdelay $0x4  }
0x42: {  	[tilespmem:v1+s22+$0x0] =	vst.idx.add.f32.msk $0xffff, v2  }
0x43: {  	v2 =	vld [tilespmem:s1+$0x9AF0];
	_ =	sdelay $0x4  }
0x44: {  	[tilespmem:v1+s23+$0x0] =	vst.idx.add.f32.msk $0xffff, v2  }
0x45: {  	v1 =	vld [tilespmem:s1+$0xFFFFFEC0];
	_ =	sdelay $0x2  }
0x46: {  	v2 =	vld [tilespmem:s1+$0x4CE0];
	_ =	sdelay $0x4  }
0x47: {  	[tilespmem:v1+s22+$0x0] =	vst.idx.add.f32.msk $0xffff, v2  }
0x48: {  	v2 =	vld [tilespmem:s1+$0x9B00];
	_ =	sdelay $0x4  }
0x49: {  	[tilespmem:v1+s23+$0x0] =	vst.idx.add.f32.msk $0xffff, v2  }
0x4a: {  	v1 =	vld [tilespmem:s1+$0xFFFFFED0];
	_ =	sdelay $0x2  }
0x4b: {  	v2 =	vld [tilespmem:s1+$0x4CF0];
	_ =	sdelay $0x4  }
0x4c: {  	[tilespmem:v1+s22+$0x0] =	vst.idx.add.f32.msk $0xffff, v2  }
0x4d: {  	v2 =	vld [tilespmem:s1+$0x9B10];
	_ =	sdelay $0x4  }
0x4e: {  	[tilespmem:v1+s23+$0x0] =	vst.idx.add.f32.msk $0xffff, v2  }
0x4f: {  	v1 =	vld [tilespmem:s1+$0xFFFFFEE0];
	_ =	sdelay $0x2  }
0x50: {  	v2 =	vld [tilespmem:s1+$0x4D00];
	_ =	sdelay $0x4  }
0x51: {  	[tilespmem:v1+s22+$0x0] =	vst.idx.add.f32.msk $0xffff, v2  }
0x52: {  	v2 =	vld [tilespmem:s1+$0x9B20];
	_ =	sdelay $0x4  }
0x53: {  	[tilespmem:v1+s23+$0x0] =	vst.idx.add.f32.msk $0xffff, v2  }
0x54: {  	v1 =	vld [tilespmem:s1+$0xFFFFFEF0];
	_ =	sdelay $0x2  }
0x55: {  	v2 =	vld [tilespmem:s1+$0x4D10];
	_ =	sdelay $0x4  }
0x56: {  	[tilespmem:v1+s22+$0x0] =	vst.idx.add.f32.msk $0xffff, v2  }
0x57: {  	v2 =	vld [tilespmem:s1+$0x9B30];
	_ =	sdelay $0x4  }
0x58: {  	[tilespmem:v1+s23+$0x0] =	vst.idx.add.f32.msk $0xffff, v2  }
0x59: {  	v1 =	vld [tilespmem:s1+$0xFFFFFF00];
	_ =	sdelay $0x2  }
0x5a: {  	v2 =	vld [tilespmem:s1+$0x4D20];
	_ =	sdelay $0x4  }
0x5b: {  	[tilespmem:v1+s22+$0x0] =	vst.idx.add.f32.msk $0xffff, v2  }
0x5c: {  	v2 =	vld [tilespmem:s1+$0x9B40];
	_ =	sdelay $0x4  }
0x5d: {  	[tilespmem:v1+s23+$0x0] =	vst.idx.add.f32.msk $0xffff, v2  }
0x5e: {  	v1 =	vld [tilespmem:s1+$0xFFFFFF10];
	_ =	sdelay $0x2  }
0x5f: {  	v2 =	vld [tilespmem:s1+$0x4D30];
	_ =	sdelay $0x4  }
0x60: {  	[tilespmem:v1+s22+$0x0] =	vst.idx.add.f32.msk $0xffff, v2  }
0x61: {  	v2 =	vld [tilespmem:s1+$0x9B50];
	_ =	sdelay $0x4  }
0x62: {  	[tilespmem:v1+s23+$0x0] =	vst.idx.add.f32.msk $0xffff, v2  }
0x63: {  	v1 =	vld [tilespmem:s1+$0xFFFFFF20];
	_ =	sdelay $0x2  }
0x64: {  	v2 =	vld [tilespmem:s1+$0x4D40];
	_ =	sdelay $0x4  }
0x65: {  	[tilespmem:v1+s22+$0x0] =	vst.idx.add.f32.msk $0xffff, v2  }
0x66: {  	v2 =	vld [tilespmem:s1+$0x9B60];
	_ =	sdelay $0x4  }
0x67: {  	[tilespmem:v1+s23+$0x0] =	vst.idx.add.f32.msk $0xffff, v2  }
0x68: {  	v1 =	vld [tilespmem:s1+$0xFFFFFF30];
	_ =	sdelay $0x2  }
0x69: {  	v2 =	vld [tilespmem:s1+$0x4D50];
	_ =	sdelay $0x4  }
0x6a: {  	[tilespmem:v1+s22+$0x0] =	vst.idx.add.f32.msk $0xffff, v2  }
0x6b: {  	v2 =	vld [tilespmem:s1+$0x9B70];
	_ =	sdelay $0x4  }
0x6c: {  	[tilespmem:v1+s23+$0x0] =	vst.idx.add.f32.msk $0xffff, v2  }
0x6d: {  	v1 =	vld [tilespmem:s1+$0xFFFFFF40];
	_ =	sdelay $0x2  }
0x6e: {  	v2 =	vld [tilespmem:s1+$0x4D60];
	_ =	sdelay $0x4  }
0x6f: {  	[tilespmem:v1+s22+$0x0] =	vst.idx.add.f32.msk $0xffff, v2  }
0x70: {  	v2 =	vld [tilespmem:s1+$0x9B80];
	_ =	sdelay $0x4  }
0x71: {  	[tilespmem:v1+s23+$0x0] =	vst.idx.add.f32.msk $0xffff, v2  }
0x72: {  	v1 =	vld [tilespmem:s1+$0xFFFFFF50];
	_ =	sdelay $0x2  }
0x73: {  	v2 =	vld [tilespmem:s1+$0x4D70];
	_ =	sdelay $0x4  }
0x74: {  	[tilespmem:v1+s22+$0x0] =	vst.idx.add.f32.msk $0xffff, v2  }
0x75: {  	v2 =	vld [tilespmem:s1+$0x9B90];
	_ =	sdelay $0x4  }
0x76: {  	[tilespmem:v1+s23+$0x0] =	vst.idx.add.f32.msk $0xffff, v2  }
0x77: {  	v1 =	vld [tilespmem:s1+$0xFFFFFF60];
	_ =	sdelay $0x2  }
0x78: {  	v2 =	vld [tilespmem:s1+$0x4D80];
	_ =	sdelay $0x4  }
0x79: {  	[tilespmem:v1+s22+$0x0] =	vst.idx.add.f32.msk $0xffff, v2  }
0x7a: {  	v2 =	vld [tilespmem:s1+$0x9BA0];
	_ =	sdelay $0x4  }
0x7b: {  	[tilespmem:v1+s23+$0x0] =	vst.idx.add.f32.msk $0xffff, v2  }
0x7c: {  	v1 =	vld [tilespmem:s1+$0xFFFFFF70];
	_ =	sdelay $0x2  }
0x7d: {  	v2 =	vld [tilespmem:s1+$0x4D90];
	_ =	sdelay $0x4  }
0x7e: {  	[tilespmem:v1+s22+$0x0] =	vst.idx.add.f32.msk $0xffff, v2  }
0x7f: {  	v2 =	vld [tilespmem:s1+$0x9BB0];
	_ =	sdelay $0x4  }
0x80: {  	[tilespmem:v1+s23+$0x0] =	vst.idx.add.f32.msk $0xffff, v2  }
0x81: {  	v1 =	vld [tilespmem:s1+$0xFFFFFF80];
	_ =	sdelay $0x2  }
0x82: {  	v2 =	vld [tilespmem:s1+$0x4DA0];
	_ =	sdelay $0x4  }
0x83: {  	[tilespmem:v1+s22+$0x0] =	vst.idx.add.f32.msk $0xffff, v2  }
0x84: {  	v2 =	vld [tilespmem:s1+$0x9BC0];
	_ =	sdelay $0x4  }
0x85: {  	[tilespmem:v1+s23+$0x0] =	vst.idx.add.f32.msk $0xffff, v2  }
0x86: {  	v1 =	vld [tilespmem:s1+$0xFFFFFF90];
	_ =	sdelay $0x2  }
0x87: {  	v2 =	vld [tilespmem:s1+$0x4DB0];
	_ =	sdelay $0x4  }
0x88: {  	[tilespmem:v1+s22+$0x0] =	vst.idx.add.f32.msk $0xffff, v2  }
0x89: {  	v2 =	vld [tilespmem:s1+$0x9BD0];
	_ =	sdelay $0x4  }
0x8a: {  	[tilespmem:v1+s23+$0x0] =	vst.idx.add.f32.msk $0xffff, v2  }
0x8b: {  	v1 =	vld [tilespmem:s1+$0xFFFFFFA0];
	_ =	sdelay $0x2  }
0x8c: {  	v2 =	vld [tilespmem:s1+$0x4DC0];
	_ =	sdelay $0x4  }
0x8d: {  	[tilespmem:v1+s22+$0x0] =	vst.idx.add.f32.msk $0xffff, v2  }
0x8e: {  	v2 =	vld [tilespmem:s1+$0x9BE0];
	_ =	sdelay $0x4  }
0x8f: {  	[tilespmem:v1+s23+$0x0] =	vst.idx.add.f32.msk $0xffff, v2  }
0x90: {  	v1 =	vld [tilespmem:s1+$0xFFFFFFB0];
	_ =	sdelay $0x2  }
0x91: {  	v2 =	vld [tilespmem:s1+$0x4DD0];
	_ =	sdelay $0x4  }
0x92: {  	[tilespmem:v1+s22+$0x0] =	vst.idx.add.f32.msk $0xffff, v2  }
0x93: {  	v2 =	vld [tilespmem:s1+$0x9BF0];
	_ =	sdelay $0x4  }
0x94: {  	[tilespmem:v1+s23+$0x0] =	vst.idx.add.f32.msk $0xffff, v2  }
0x95: {  	v1 =	vld [tilespmem:s1+$0xFFFFFFC0];
	_ =	sdelay $0x2  }
0x96: {  	v2 =	vld [tilespmem:s1+$0x4DE0];
	_ =	sdelay $0x4  }
0x97: {  	[tilespmem:v1+s22+$0x0] =	vst.idx.add.f32.msk $0xffff, v2  }
0x98: {  	v2 =	vld [tilespmem:s1+$0x9C00];
	_ =	sdelay $0x4  }
0x99: {  	[tilespmem:v1+s23+$0x0] =	vst.idx.add.f32.msk $0xffff, v2  }
0x9a: {  	v1 =	vld [tilespmem:s1+$0xFFFFFFD0];
	_ =	sdelay $0x2  }
0x9b: {  	v2 =	vld [tilespmem:s1+$0x4DF0];
	_ =	sdelay $0x4  }
0x9c: {  	[tilespmem:v1+s22+$0x0] =	vst.idx.add.f32.msk $0xffff, v2  }
0x9d: {  	v2 =	vld [tilespmem:s1+$0x9C10];
	_ =	sdelay $0x4  }
0x9e: {  	[tilespmem:v1+s23+$0x0] =	vst.idx.add.f32.msk $0xffff, v2  }
0x9f: {  	v1 =	vld [tilespmem:s1+$0xFFFFFFE0];
	_ =	sdelay $0x2  }
0xa0: {  	v2 =	vld [tilespmem:s1+$0x4E00];
	_ =	sdelay $0x4  }
0xa1: {  	[tilespmem:v1+s22+$0x0] =	vst.idx.add.f32.msk $0xffff, v2  }
0xa2: {  	v2 =	vld [tilespmem:s1+$0x9C20];
	_ =	sdelay $0x4  }
0xa3: {  	[tilespmem:v1+s23+$0x0] =	vst.idx.add.f32.msk $0xffff, v2  }
0xa4: {  	v1 =	vld [tilespmem:s1+$0xFFFFFFF0];
	_ =	sdelay $0x2  }
0xa5: {  	v2 =	vld [tilespmem:s1+$0x4E10];
	_ =	sdelay $0x4  }
0xa6: {  	[tilespmem:v1+s22+$0x0] =	vst.idx.add.f32.msk $0xffff, v2  }
0xa7: {  	v2 =	vld [tilespmem:s1+$0x9C30];
	_ =	sdelay $0x4  }
0xa8: {  	[tilespmem:v1+s23+$0x0] =	vst.idx.add.f32.msk $0xffff, v2  }
0xa9: {  	v1 =	vld [tilespmem:s1+$0x0];
	_ =	sdelay $0x2  }
0xaa: {  	v2 =	vld [tilespmem:s1+$0x4E20];
	_ =	sdelay $0x4  }
0xab: {  	[tilespmem:v1+s22+$0x0] =	vst.idx.add.f32.msk $0xffff, v2  }
0xac: {  	p0 =	sne.s32 s31, $0x9C00;
	v2 =	vld [tilespmem:s1+$0x9C40]  }
.Ltmp1:
0xad: {  	_ = 	snop;
	(pc) =	sbr.rel @p0 .LBB2_5-.Ltmp1, $2  }
0xae: {  	_ =	sdelay $0x2  }
0xaf: {  	s31 =	sadd.s32 $0x640, s31;
	[tilespmem:v1+s23+$0x0] =	vst.idx.add.f32.msk $0xffff, v2  }
0xb0: {  	_ =	swait.ge [sflag:s24], $0x2710  }
0xb1: {  	[sflag:s24] =	ssyncset.done $0x0  }
0xb2: {  	[sflag:s24] =	ssyncadd.s32 $0xFFFFD8F0  }
0xb3: {  	p0 =	seq.s32 s29, $0x3;
	_ =	swait.ge [sflag:s25], $0x2710  }
0xb4: {  	s1 =	sadd.s32 @!p0 s30, s11;
	[sflag:s25] =	ssyncset.done $0x0  }
0xb5: {  	s1 =	smul.u32 @!p0 $0x2710, s1;
	[sflag:s25] =	ssyncadd.s32 $0xFFFFD8F0  }
0xb6: {  	_ =	swait.ge [sflag:s25], $0x2710  }
0xb7: {  	s30 =	sshrl.u32 @!p0 s1, $0x3;
	[sflag:s25] =	ssyncset.done $0x0  }
0xb8: {  	s31 =	simm.s32 @!p0 $0x0;
	s30 =	sadd.s32 @!p0 s5, s30;
	[sflag:s25] =	ssyncadd.s32 $0xFFFFD8F0  }
0xb9: {  	[tilespmem:s31], [sflag:$0x1] =	stream.linear.gather @!p0 [hbm4b:s30+s31], $0x2710, $0x38;
	[tilespmem:$0x13A60] =	vst v63  }
0xba: {  	s30 =	sadd.s32 @!p0 s4, s1  }
0xbb: {  	s30 =	sshrl.u32 @!p0 s30, $0x3  }
0xbc: {  	s0 =	simm.s32 @!p0 $0x4E20;
	s30 =	sadd.s32 @!p0 s3, s30  }
0xbd: {  	[tilespmem:s0], [sflag:$0x3] =	stream.linear.gather @!p0 [hbm4b:s30+s31], $0x2710, $0x38;
	[tilespmem:$0x13A60] =	vst v63  }
0xbe: {  	s0 =	sadd.s32 @!p0 s6, s1  }
0xbf: {  	s0 =	sshrl.u32 @!p0 s0, $0x3  }
0xc0: {  	s1 =	simm.s32 @!p0 $0x9C40;
	s30 =	simm.s32 $0x600;
	s0 =	sadd.s32 @!p0 s3, s0  }
0xc1: {  	[tilespmem:s1], [sflag:$0x3] =	stream.linear.gather @!p0 [hbm4b:s0+s31], $0x2710, $0x38;
	[tilespmem:$0x13A60] =	vst v63  }
.LBB2_7:
0xc2: {  	s1 =	sshra.s32 s30, $0x2  }
0xc3: {  	v1 =	vld [tilespmem:s1+$0x2590];
	_ =	sdelay $0x2  }
0xc4: {  	v2 =	vld [tilespmem:s1+$0x73B0];
	_ =	sdelay $0x4  }
0xc5: {  	[tilespmem:v1+s22+$0x0] =	vst.idx.add.f32.msk $0xffff, v2  }
0xc6: {  	v2 =	vld [tilespmem:s1+$0xC1D0];
	_ =	sdelay $0x4  }
0xc7: {  	[tilespmem:v1+s23+$0x0] =	vst.idx.add.f32.msk $0xffff, v2  }
0xc8: {  	v1 =	vld [tilespmem:s1+$0x25A0];
	_ =	sdelay $0x2  }
0xc9: {  	v2 =	vld [tilespmem:s1+$0x73C0];
	_ =	sdelay $0x4  }
0xca: {  	[tilespmem:v1+s22+$0x0] =	vst.idx.add.f32.msk $0xffff, v2  }
0xcb: {  	v2 =	vld [tilespmem:s1+$0xC1E0];
	_ =	sdelay $0x4  }
0xcc: {  	[tilespmem:v1+s23+$0x0] =	vst.idx.add.f32.msk $0xffff, v2  }
0xcd: {  	v1 =	vld [tilespmem:s1+$0x25B0];
	_ =	sdelay $0x2  }
0xce: {  	v2 =	vld [tilespmem:s1+$0x73D0];
	_ =	sdelay $0x4  }
0xcf: {  	[tilespmem:v1+s22+$0x0] =	vst.idx.add.f32.msk $0xffff, v2  }
0xd0: {  	v2 =	vld [tilespmem:s1+$0xC1F0];
	_ =	sdelay $0x4  }
0xd1: {  	[tilespmem:v1+s23+$0x0] =	vst.idx.add.f32.msk $0xffff, v2  }
0xd2: {  	v1 =	vld [tilespmem:s1+$0x25C0];
	_ =	sdelay $0x2  }
0xd3: {  	v2 =	vld [tilespmem:s1+$0x73E0];
	_ =	sdelay $0x4  }
0xd4: {  	[tilespmem:v1+s22+$0x0] =	vst.idx.add.f32.msk $0xffff, v2  }
0xd5: {  	v2 =	vld [tilespmem:s1+$0xC200];
	_ =	sdelay $0x4  }
0xd6: {  	[tilespmem:v1+s23+$0x0] =	vst.idx.add.f32.msk $0xffff, v2  }
0xd7: {  	v1 =	vld [tilespmem:s1+$0x25D0];
	_ =	sdelay $0x2  }
0xd8: {  	v2 =	vld [tilespmem:s1+$0x73F0];
	_ =	sdelay $0x4  }
0xd9: {  	[tilespmem:v1+s22+$0x0] =	vst.idx.add.f32.msk $0xffff, v2  }
0xda: {  	v2 =	vld [tilespmem:s1+$0xC210];
	_ =	sdelay $0x4  }
0xdb: {  	[tilespmem:v1+s23+$0x0] =	vst.idx.add.f32.msk $0xffff, v2  }
0xdc: {  	v1 =	vld [tilespmem:s1+$0x25E0];
	_ =	sdelay $0x2  }
0xdd: {  	v2 =	vld [tilespmem:s1+$0x7400];
	_ =	sdelay $0x4  }
0xde: {  	[tilespmem:v1+s22+$0x0] =	vst.idx.add.f32.msk $0xffff, v2  }
0xdf: {  	v2 =	vld [tilespmem:s1+$0xC220];
	_ =	sdelay $0x4  }
0xe0: {  	[tilespmem:v1+s23+$0x0] =	vst.idx.add.f32.msk $0xffff, v2  }
0xe1: {  	v1 =	vld [tilespmem:s1+$0x25F0];
	_ =	sdelay $0x2  }
0xe2: {  	v2 =	vld [tilespmem:s1+$0x7410];
	_ =	sdelay $0x4  }
0xe3: {  	[tilespmem:v1+s22+$0x0] =	vst.idx.add.f32.msk $0xffff, v2  }
0xe4: {  	v2 =	vld [tilespmem:s1+$0xC230];
	_ =	sdelay $0x4  }
0xe5: {  	[tilespmem:v1+s23+$0x0] =	vst.idx.add.f32.msk $0xffff, v2  }
0xe6: {  	v1 =	vld [tilespmem:s1+$0x2600];
	_ =	sdelay $0x2  }
0xe7: {  	v2 =	vld [tilespmem:s1+$0x7420];
	_ =	sdelay $0x4  }
0xe8: {  	[tilespmem:v1+s22+$0x0] =	vst.idx.add.f32.msk $0xffff, v2  }
0xe9: {  	v2 =	vld [tilespmem:s1+$0xC240];
	_ =	sdelay $0x4  }
0xea: {  	[tilespmem:v1+s23+$0x0] =	vst.idx.add.f32.msk $0xffff, v2  }
0xeb: {  	v1 =	vld [tilespmem:s1+$0x2610];
	_ =	sdelay $0x2  }
0xec: {  	v2 =	vld [tilespmem:s1+$0x7430];
	_ =	sdelay $0x4  }
0xed: {  	[tilespmem:v1+s22+$0x0] =	vst.idx.add.f32.msk $0xffff, v2  }
0xee: {  	v2 =	vld [tilespmem:s1+$0xC250];
	_ =	sdelay $0x4  }
0xef: {  	[tilespmem:v1+s23+$0x0] =	vst.idx.add.f32.msk $0xffff, v2  }
0xf0: {  	v1 =	vld [tilespmem:s1+$0x2620];
	_ =	sdelay $0x2  }
0xf1: {  	v2 =	vld [tilespmem:s1+$0x7440];
	_ =	sdelay $0x4  }
0xf2: {  	[tilespmem:v1+s22+$0x0] =	vst.idx.add.f32.msk $0xffff, v2  }
0xf3: {  	v2 =	vld [tilespmem:s1+$0xC260];
	_ =	sdelay $0x4  }
0xf4: {  	[tilespmem:v1+s23+$0x0] =	vst.idx.add.f32.msk $0xffff, v2  }
0xf5: {  	v1 =	vld [tilespmem:s1+$0x2630];
	_ =	sdelay $0x2  }
0xf6: {  	v2 =	vld [tilespmem:s1+$0x7450];
	_ =	sdelay $0x4  }
0xf7: {  	[tilespmem:v1+s22+$0x0] =	vst.idx.add.f32.msk $0xffff, v2  }
0xf8: {  	v2 =	vld [tilespmem:s1+$0xC270];
	_ =	sdelay $0x4  }
0xf9: {  	[tilespmem:v1+s23+$0x0] =	vst.idx.add.f32.msk $0xffff, v2  }
0xfa: {  	v1 =	vld [tilespmem:s1+$0x2640];
	_ =	sdelay $0x2  }
0xfb: {  	v2 =	vld [tilespmem:s1+$0x7460];
	_ =	sdelay $0x4  }
0xfc: {  	[tilespmem:v1+s22+$0x0] =	vst.idx.add.f32.msk $0xffff, v2  }
0xfd: {  	v2 =	vld [tilespmem:s1+$0xC280];
	_ =	sdelay $0x4  }
0xfe: {  	[tilespmem:v1+s23+$0x0] =	vst.idx.add.f32.msk $0xffff, v2  }
0xff: {  	v1 =	vld [tilespmem:s1+$0x2650];
	_ =	sdelay $0x2  }
0x100: {  	v2 =	vld [tilespmem:s1+$0x7470];
	_ =	sdelay $0x4  }
0x101: {  	[tilespmem:v1+s22+$0x0] =	vst.idx.add.f32.msk $0xffff, v2  }
0x102: {  	v2 =	vld [tilespmem:s1+$0xC290];
	_ =	sdelay $0x4  }
0x103: {  	[tilespmem:v1+s23+$0x0] =	vst.idx.add.f32.msk $0xffff, v2  }
0x104: {  	v1 =	vld [tilespmem:s1+$0x2660];
	_ =	sdelay $0x2  }
0x105: {  	v2 =	vld [tilespmem:s1+$0x7480];
	_ =	sdelay $0x4  }
0x106: {  	[tilespmem:v1+s22+$0x0] =	vst.idx.add.f32.msk $0xffff, v2  }
0x107: {  	v2 =	vld [tilespmem:s1+$0xC2A0];
	_ =	sdelay $0x4  }
0x108: {  	[tilespmem:v1+s23+$0x0] =	vst.idx.add.f32.msk $0xffff, v2  }
0x109: {  	v1 =	vld [tilespmem:s1+$0x2670];
	_ =	sdelay $0x2  }
0x10a: {  	v2 =	vld [tilespmem:s1+$0x7490];
	_ =	sdelay $0x4  }
0x10b: {  	[tilespmem:v1+s22+$0x0] =	vst.idx.add.f32.msk $0xffff, v2  }
0x10c: {  	v2 =	vld [tilespmem:s1+$0xC2B0];
	_ =	sdelay $0x4  }
0x10d: {  	[tilespmem:v1+s23+$0x0] =	vst.idx.add.f32.msk $0xffff, v2  }
0x10e: {  	v1 =	vld [tilespmem:s1+$0x2680];
	_ =	sdelay $0x2  }
0x10f: {  	v2 =	vld [tilespmem:s1+$0x74A0];
	_ =	sdelay $0x4  }
0x110: {  	[tilespmem:v1+s22+$0x0] =	vst.idx.add.f32.msk $0xffff, v2  }
0x111: {  	v2 =	vld [tilespmem:s1+$0xC2C0];
	_ =	sdelay $0x4  }
0x112: {  	[tilespmem:v1+s23+$0x0] =	vst.idx.add.f32.msk $0xffff, v2  }
0x113: {  	v1 =	vld [tilespmem:s1+$0x2690];
	_ =	sdelay $0x2  }
0x114: {  	v2 =	vld [tilespmem:s1+$0x74B0];
	_ =	sdelay $0x4  }
0x115: {  	[tilespmem:v1+s22+$0x0] =	vst.idx.add.f32.msk $0xffff, v2  }
0x116: {  	v2 =	vld [tilespmem:s1+$0xC2D0];
	_ =	sdelay $0x4  }
0x117: {  	[tilespmem:v1+s23+$0x0] =	vst.idx.add.f32.msk $0xffff, v2  }
0x118: {  	v1 =	vld [tilespmem:s1+$0x26A0];
	_ =	sdelay $0x2  }
0x119: {  	v2 =	vld [tilespmem:s1+$0x74C0];
	_ =	sdelay $0x4  }
0x11a: {  	[tilespmem:v1+s22+$0x0] =	vst.idx.add.f32.msk $0xffff, v2  }
0x11b: {  	v2 =	vld [tilespmem:s1+$0xC2E0];
	_ =	sdelay $0x4  }
0x11c: {  	[tilespmem:v1+s23+$0x0] =	vst.idx.add.f32.msk $0xffff, v2  }
0x11d: {  	v1 =	vld [tilespmem:s1+$0x26B0];
	_ =	sdelay $0x2  }
0x11e: {  	v2 =	vld [tilespmem:s1+$0x74D0];
	_ =	sdelay $0x4  }
0x11f: {  	[tilespmem:v1+s22+$0x0] =	vst.idx.add.f32.msk $0xffff, v2  }
0x120: {  	v2 =	vld [tilespmem:s1+$0xC2F0];
	_ =	sdelay $0x4  }
0x121: {  	[tilespmem:v1+s23+$0x0] =	vst.idx.add.f32.msk $0xffff, v2  }
0x122: {  	v1 =	vld [tilespmem:s1+$0x26C0];
	_ =	sdelay $0x2  }
0x123: {  	v2 =	vld [tilespmem:s1+$0x74E0];
	_ =	sdelay $0x4  }
0x124: {  	[tilespmem:v1+s22+$0x0] =	vst.idx.add.f32.msk $0xffff, v2  }
0x125: {  	v2 =	vld [tilespmem:s1+$0xC300];
	_ =	sdelay $0x4  }
0x126: {  	[tilespmem:v1+s23+$0x0] =	vst.idx.add.f32.msk $0xffff, v2  }
0x127: {  	v1 =	vld [tilespmem:s1+$0x26D0];
	_ =	sdelay $0x2  }
0x128: {  	v2 =	vld [tilespmem:s1+$0x74F0];
	_ =	sdelay $0x4  }
0x129: {  	[tilespmem:v1+s22+$0x0] =	vst.idx.add.f32.msk $0xffff, v2  }
0x12a: {  	v2 =	vld [tilespmem:s1+$0xC310];
	_ =	sdelay $0x4  }
0x12b: {  	[tilespmem:v1+s23+$0x0] =	vst.idx.add.f32.msk $0xffff, v2  }
0x12c: {  	v1 =	vld [tilespmem:s1+$0x26E0];
	_ =	sdelay $0x2  }
0x12d: {  	v2 =	vld [tilespmem:s1+$0x7500];
	_ =	sdelay $0x4  }
0x12e: {  	[tilespmem:v1+s22+$0x0] =	vst.idx.add.f32.msk $0xffff, v2  }
0x12f: {  	v2 =	vld [tilespmem:s1+$0xC320];
	_ =	sdelay $0x4  }
0x130: {  	[tilespmem:v1+s23+$0x0] =	vst.idx.add.f32.msk $0xffff, v2  }
0x131: {  	v1 =	vld [tilespmem:s1+$0x26F0];
	_ =	sdelay $0x2  }
0x132: {  	v2 =	vld [tilespmem:s1+$0x7510];
	_ =	sdelay $0x4  }
0x133: {  	[tilespmem:v1+s22+$0x0] =	vst.idx.add.f32.msk $0xffff, v2  }
0x134: {  	v2 =	vld [tilespmem:s1+$0xC330];
	_ =	sdelay $0x4  }
0x135: {  	[tilespmem:v1+s23+$0x0] =	vst.idx.add.f32.msk $0xffff, v2  }
0x136: {  	v1 =	vld [tilespmem:s1+$0x2700];
	_ =	sdelay $0x2  }
0x137: {  	v2 =	vld [tilespmem:s1+$0x7520];
	_ =	sdelay $0x4  }
0x138: {  	[tilespmem:v1+s22+$0x0] =	vst.idx.add.f32.msk $0xffff, v2  }
0x139: {  	v2 =	vld [tilespmem:s1+$0xC340];
	_ =	sdelay $0x4  }
0x13a: {  	[tilespmem:v1+s23+$0x0] =	vst.idx.add.f32.msk $0xffff, v2  }
0x13b: {  	v1 =	vld [tilespmem:s1+$0x2710];
	_ =	sdelay $0x2  }
0x13c: {  	v2 =	vld [tilespmem:s1+$0x7530];
	_ =	sdelay $0x4  }
0x13d: {  	[tilespmem:v1+s22+$0x0] =	vst.idx.add.f32.msk $0xffff, v2  }
0x13e: {  	p0 =	sne.s32 s30, $0x9C00;
	v2 =	vld [tilespmem:s1+$0xC350]  }
.Ltmp2:
0x13f: {  	_ = 	snop;
	(pc) =	sbr.rel @p0 .LBB2_7-.Ltmp2, $2  }
0x140: {  	_ =	sdelay $0x2  }
0x141: {  	s30 =	sadd.s32 $0x640, s30;
	[tilespmem:v1+s23+$0x0] =	vst.idx.add.f32.msk $0xffff, v2  }
0x142: {  	s29 =	sadd.s32 $0x1, s29  }
0x143: {  	p0 =	sne.s32 s29, $0x4  }
.Ltmp3:
0x144: {  	_ = 	snop;
	(pc) =	sbr.rel @p0 .LBB2_4-.Ltmp3, $1  }
0x145: {  	_ =	sdelay $0x3  }
0x146: {  	[hbm4b:s12+s2] =	stream.linear.scatter [tilespmem:s22], [sflag:$0x5], $0x2800, $0x38;
	[tilespmem:$0x13A60] =	vst v63  }
0x147: {  	s28 =	sadd.s32 $0x1, s28;
	_ =	swait.ge [sflag:s26], $0x2800  }
0x148: {  	p0 =	sne.s32 s28, s14;
	[sflag:s26] =	ssyncset.done $0x0  }
.Ltmp4:
0x149: {  	[sflag:s26] =	ssyncadd.s32 $0xFFFFD800;
	(pc) =	sbr.rel @p0 .LBB2_1-.Ltmp4, $4  }
0x14a: {  	[hbm4b:s13+s2] =	stream.linear.scatter [tilespmem:s23], [sflag:$0x5], $0x2800, $0x38;
	[tilespmem:$0x13A60] =	vst v63  }
0x14b: {  	_ =	swait.ge [sflag:s26], $0x2800  }
0x14c: {  	[sflag:s26] =	ssyncset.done $0x0  }
0x14d: {  	[sflag:s26] =	ssyncadd.s32 $0xFFFFD800  }
0x14e: {  	_ =	sfence.sel $0x180000  }
0x14f: {  	[bflag:$0x0] =	sbarrier.arrive $0xFFFF  }
0x150: {  	_ =	strace $0x90000047  }
0x151: {  	s0 =	stileid.u32;
	[bflag:$0x2] =	sbarrier.arrive $0xFFFF  }
0x152: {  	p0 =	sne.s32 s0, $0x0;
	s0 =	rddreg [dreg:$0x2]  }
0x153: {  	s0 =	sadd.s32 @!p0 $0x100000, s0  }
0x154: {  	[sflag:s0] =	ssyncadd.tile.s32 @!p0 $0x1;
	_ =	shalt  }
.Lfunc_end2:
_tile_overlayer_lowered:
.L_overlay_start_2:
0x155: {  	(tag) =	ssettag $0x2  }
0x156: {  	s0 =	rddreg [dreg:$0x0];
	s2 =	stileid.u32  }
0x157: {  	s1 =	rddreg [dreg:$0x1];
	p0 =	sne.s32 s2, $0x0  }
0x158: {  	s3 =	rddreg [dreg:$0x2];
	[bflag:$0x3] =	sbarrier.arrive $0xFFFF;
	s2 =	simm.s32 @!p0 $0x1C05  }
0x159: {  	[timem:s3], [sflag:s2] =	dma.local @!p0 [hbm:s0], s1  }
0x15a: {  	s0 =	simm.s32 @!p0 $0x5  }
0x15b: {  	_ =	swait.ge @!p0 [sflag:s0], s1  }
0x15c: {  	s1 =	ssub.s32 @!p0 $0x0, s1;
	[sflag:s0] =	ssyncset.done @!p0 $0x0  }
0x15d: {  	[sflag:s0] =	ssyncadd.s32 @!p0 s1  }
0x15e: {  	[bflag:$0x3] =	sbarrier.arrive $0xFFFF  }
0x15f: {  	_ =	shalt  }

</sc_bundles>
